<compile_context>
chip_gen: v7x
topology: tpu7x:2x2x1
jax: 0.10.2.dev20260603
libtpu: 0.0.44.dev20260713+nightly
codegen_flags: <defaults>
</compile_context>

<pallas_src>
import functools

import jax
import jax.numpy as jnp
from jax import lax
from jax.experimental import pallas as pl
from jax.experimental.pallas import tpu as pltpu
from jax.experimental.pallas import tpu_sc as plsc

GAMMA_ = 12.0
HIDDEN_ = 64
BATCH_ = 4096
NUM_CORES = 2
NUM_SUBCORES = 16
LANES = 16
NW = NUM_CORES * NUM_SUBCORES
B_PER_W = BATCH_ // NW
GROUPS = B_PER_W // LANES
UNROLL = 8
ENT_ROWS = 1024


def _score_kernel(sample_hbm, tab_hbm, out_hbm,
                  sidx_v, h_v, r_v, t_v, out_v, sems):
    wid = lax.axis_index("s") * NUM_CORES + lax.axis_index("c")
    base = wid * B_PER_W
    lane = lax.iota(jnp.int32, LANES)

    pltpu.sync_copy(sample_hbm.at[pl.ds(base, B_PER_W)], sidx_v)

    copies = []
    for g in range(GROUPS):
        rows = g * LANES + lane
        sl = pl.ds(g * LANES, LANES)
        hid = plsc.load_gather(sidx_v, [rows, jnp.zeros((LANES,), jnp.int32)])
        rid = plsc.load_gather(sidx_v, [rows, jnp.ones((LANES,), jnp.int32)])
        tid = plsc.load_gather(sidx_v, [rows, jnp.full((LANES,), 2, jnp.int32)])
        copies.append((
            pltpu.async_copy(tab_hbm.at[hid], h_v.at[sl], sems.at[g]),
            pltpu.async_copy(tab_hbm.at[rid + ENT_ROWS], r_v.at[sl],
                             sems.at[g]),
            pltpu.async_copy(tab_hbm.at[tid], t_v.at[sl], sems.at[g]),
        ))

    for g in range(GROUPS):
        for cp in copies[g]:
            cp.wait()
        rows = g * LANES + lane

        def feat_body(jj, acc):
            for k in range(UNROLL):
                cols = (lane + (jj * UNROLL + k)) & (HIDDEN_ - 1)
                h = plsc.load_gather(h_v, [rows, cols])
                r = plsc.load_gather(r_v, [rows, cols])
                t = plsc.load_gather(t_v, [rows, cols])
                acc = acc - jnp.abs(h + r - t)
            return acc

        acc0 = jnp.full((LANES,), GAMMA_, jnp.float32)
        out_v[pl.ds(g * LANES, LANES)] = lax.fori_loop(
            0, HIDDEN_ // UNROLL, feat_body, acc0)

    pltpu.sync_copy(out_v, out_hbm.at[pl.ds(base, B_PER_W)])


@functools.partial(jax.jit, donate_argnums=())
def kernel(sample, entity_embedding, relation_embedding):
    tables = jnp.concatenate(
        [entity_embedding[:ENT_ROWS], relation_embedding], axis=0)

    mesh = plsc.VectorSubcoreMesh(
        core_axis_name="c", subcore_axis_name="s",
        num_cores=NUM_CORES, num_subcores=NUM_SUBCORES)
    scores = pl.kernel(
        _score_kernel,
        out_type=jax.ShapeDtypeStruct((BATCH_,), jnp.float32),
        mesh=mesh,
        compiler_params=pltpu.CompilerParams(
            needs_layout_passes=False, use_tc_tiling_on_sc=False),
        scratch_types=[
            pltpu.VMEM((B_PER_W, 3), jnp.int32),
            pltpu.VMEM((B_PER_W, HIDDEN_), jnp.float32),
            pltpu.VMEM((B_PER_W, HIDDEN_), jnp.float32),
            pltpu.VMEM((B_PER_W, HIDDEN_), jnp.float32),
            pltpu.VMEM((B_PER_W,), jnp.float32),
            pltpu.SemaphoreType.DMA((GROUPS,)),
        ],
    )(sample.astype(jnp.int32), tables)
    return scores[:, None]

# --- scband reference (transcript-rebuilt; emitter-appended) ---
"""Pipeline reference for scband-kgemodel-85323820303219 (READ-ONLY COPY).

The authoritative reference and input builder live on the scoring server;
editing this copy changes nothing except your own understanding.
"""

import jax, jax.numpy as jnp
import numpy as np

NENTITY = 1000000
NRELATION = 1000
HIDDEN_DIM = 64
GAMMA = 12.0
EPSILON = 2.0
EMB_RANGE = (GAMMA + EPSILON) / HIDDEN_DIM
BATCH = 4096


def setup_inputs(seed: int = 0) -> dict:
    key = jax.random.key(seed)
    k1, k2, k3 = jax.random.split(key, 3)
    entity_embedding = jax.random.uniform(k1, (NENTITY, HIDDEN_DIM), minval=-EMB_RANGE, maxval=EMB_RANGE, dtype=jnp.float32)
    relation_embedding = jax.random.uniform(k2, (NRELATION, HIDDEN_DIM), minval=-EMB_RANGE, maxval=EMB_RANGE, dtype=jnp.float32)
    sample = jax.random.randint(k3, (BATCH, 3), 0, 1000, dtype=jnp.int64 if jax.config.jax_enable_x64 else jnp.int32)
    return {"sample": sample, "entity_embedding": entity_embedding, "relation_embedding": relation_embedding}


def reference(sample, entity_embedding, relation_embedding):
    # mode == 'single', model_name == 'TransE'
    head = jnp.take(entity_embedding, sample[:, 0], axis=0)[:, None, :]
    relation = jnp.take(relation_embedding, sample[:, 1], axis=0)[:, None, :]
    tail = jnp.take(entity_embedding, sample[:, 2], axis=0)[:, None, :]
    score = head + relation - tail
    # gamma - L1 norm over feature dim
    return GAMMA - jnp.sum(jnp.abs(score), axis=2)

if __name__ == "__main__":
    import jax
    _d = setup_inputs()
    print(jax.jit(kernel)(*tuple(_d.values())))

</pallas_src>

<mosaic_0001>
#map = affine_map<(d0, d1) -> (0, 0)>
#map1 = affine_map<(d0, d1) -> (0)>
module attributes {stable_mosaic.version = 14 : i64} {
  func.func @_score_kernel(%arg0: i32, %arg1: i32, %arg2: memref<4096x3xi32, #tpu.memory_space<hbm>>, %arg3: memref<2024x64xf32, #tpu.memory_space<hbm>>, %arg4: memref<4096xf32, #tpu.memory_space<hbm>>, %arg5: memref<128x3xi32, #tpu.memory_space<vmem>>, %arg6: memref<128x64xf32, #tpu.memory_space<vmem>>, %arg7: memref<128x64xf32, #tpu.memory_space<vmem>>, %arg8: memref<128x64xf32, #tpu.memory_space<vmem>>, %arg9: memref<128xf32, #tpu.memory_space<vmem>>, %arg10: memref<8x!tpu.dma_semaphore, #tpu.memory_space<semaphore_mem>>) attributes {dimension_semantics = [#tpu.dimension_semantics<core_parallel>, #tpu.dimension_semantics<subcore_parallel>], iteration_bounds = array<i64: 2, 16>, scalar_prefetch = 0 : i64, scratch_operands = 6 : i64, tpu.core_type = #tpu.core_type<sc_vector_subcore>, window_params = [{transform_indices = #map}, {transform_indices = #map}, {transform_indices = #map1}]} {
    %mul3A = arith.constant 2 : i32
    %mul3A_0 = arith.muli %arg1, %mul3A : i32
    %add3A = arith.addi %mul3A_0, %arg0 : i32
    %mul3A_1 = arith.constant 128 : i32
    %mul3A_2 = arith.muli %add3A, %mul3A_1 : i32
    %iota3A = tpu.iota {dimensions = array<i32: 0>} : vector<16xi32>
    "tpu.region"() ({
      %run_scoped3A = tpu.sem_alloc : memref<!tpu.dma_semaphore, #tpu.memory_space<semaphore_mem>>
      %dma_start3A_653 = arith.constant 0 : i32
      %dma_start3A_654 = tpu.memref_slice %arg2[%mul3A_2, %dma_start3A_653] : memref<4096x3xi32, #tpu.memory_space<hbm>> -> memref<128x3xi32, #tpu.memory_space<hbm>>
      %dma_start3A_655 = arith.constant 0 : i32
      %dma_start3A_656 = tpu.memref_slice %arg2[%mul3A_2, %dma_start3A_655] : memref<4096x3xi32, #tpu.memory_space<hbm>> -> memref<128x3xi32, #tpu.memory_space<hbm>>
      tpu.enqueue_dma source(%dma_start3A_656 : memref<128x3xi32, #tpu.memory_space<hbm>>) target(%arg5 : memref<128x3xi32, #tpu.memory_space<vmem>>) target_semaphore(%run_scoped3A : memref<!tpu.dma_semaphore, #tpu.memory_space<semaphore_mem>>)
      %dma_wait3A_657 = arith.constant 0 : i32
      %dma_wait3A_658 = tpu.memref_slice %arg2[%mul3A_2, %dma_wait3A_657] : memref<4096x3xi32, #tpu.memory_space<hbm>> -> memref<128x3xi32, #tpu.memory_space<hbm>>
      %dma_wait3A_659 = arith.constant 0 : i32
      %dma_wait3A_660 = tpu.memref_slice %arg2[%mul3A_2, %dma_wait3A_659] : memref<4096x3xi32, #tpu.memory_space<hbm>> -> memref<128x3xi32, #tpu.memory_space<hbm>>
      tpu.wait_dma2 semaphore(%run_scoped3A : memref<!tpu.dma_semaphore, #tpu.memory_space<semaphore_mem>>) src(%dma_wait3A_660 : memref<128x3xi32, #tpu.memory_space<hbm>>) dst(%arg5 : memref<128x3xi32, #tpu.memory_space<vmem>>)
      tpu.yield
    }) : () -> ()
    %add3A_3 = arith.constant 0 : i32
    %add3A_4 = vector.broadcast %add3A_3 : i32 to vector<16xi32>
    %add3A_5 = arith.addi %add3A_4, %iota3A : vector<16xi32>
    %broadcast_in_dim3A = arith.constant 0 : i32
    %broadcast_in_dim3A_6 = vector.broadcast %broadcast_in_dim3A : i32 to vector<16xi32>
    %gather3A = tpu.vector_load_idx %arg5[%add3A_5, %broadcast_in_dim3A_6] : memref<128x3xi32, #tpu.memory_space<vmem>>[vector<16xi32>, vector<16xi32>], vector<16xi32>,
    %broadcast_in_dim3A_7 = arith.constant 1 : i32
    %broadcast_in_dim3A_8 = vector.broadcast %broadcast_in_dim3A_7 : i32 to vector<16xi32>
    %gather3A_9 = tpu.vector_load_idx %arg5[%add3A_5, %broadcast_in_dim3A_8] : memref<128x3xi32, #tpu.memory_space<vmem>>[vector<16xi32>, vector<16xi32>], vector<16xi32>,
    %broadcast_in_dim3A_10 = arith.constant 2 : i32
    %broadcast_in_dim3A_11 = vector.broadcast %broadcast_in_dim3A_10 : i32 to vector<16xi32>
    %gather3A_12 = tpu.vector_load_idx %arg5[%add3A_5, %broadcast_in_dim3A_11] : memref<128x3xi32, #tpu.memory_space<vmem>>[vector<16xi32>, vector<16xi32>], vector<16xi32>,
    %dma_start3A = arith.constant 0 : i32
    %dma_start3A_13 = arith.constant 0 : i32
    %dma_start3A_14 = arith.constant 0 : i32
    %dma_start3A_15 = tpu.memref_slice %arg6[%dma_start3A_13, %dma_start3A_14] : memref<128x64xf32, #tpu.memory_space<vmem>> -> memref<16x64xf32, #tpu.memory_space<vmem>>
    %dma_start3A_16 = arith.constant 0 : i32
    %dma_start3A_17 = arith.constant 0 : i32
    %dma_start3A_18 = tpu.memref_slice %arg3[%dma_start3A_16, %dma_start3A_17] : memref<2024x64xf32, #tpu.memory_space<hbm>> -> memref<2024x64xf32, #tpu.memory_space<hbm>>
    %dma_start3A_19 = tpu.memref_slice %arg10[%dma_start3A] : memref<8x!tpu.dma_semaphore, #tpu.memory_space<semaphore_mem>> -> memref<1x!tpu.dma_semaphore, #tpu.memory_space<semaphore_mem>>
    %dma_start3A_20 = tpu.memref_squeeze %dma_start3A_19 : memref<1x!tpu.dma_semaphore, #tpu.memory_space<semaphore_mem>> -> memref<!tpu.dma_semaphore, #tpu.memory_space<semaphore_mem>>
    tpu.enqueue_indirect_dma source(%dma_start3A_18 : memref<2024x64xf32, #tpu.memory_space<hbm>>) target(%dma_start3A_15 : memref<16x64xf32, #tpu.memory_space<vmem>>) offsets(%gather3A : vector<16xi32>) semaphore(%dma_start3A_20 : memref<!tpu.dma_semaphore, #tpu.memory_space<semaphore_mem>>)
    %add3A_21 = arith.constant 1024 : i32
    %add3A_22 = vector.broadcast %add3A_21 : i32 to vector<16xi32>
    %add3A_23 = arith.addi %gather3A_9, %add3A_22 : vector<16xi32>
    %dma_start3A_24 = arith.constant 0 : i32
    %dma_start3A_25 = arith.constant 0 : i32
    %dma_start3A_26 = arith.constant 0 : i32
    %dma_start3A_27 = tpu.memref_slice %arg7[%dma_start3A_25, %dma_start3A_26] : memref<128x64xf32, #tpu.memory_space<vmem>> -> memref<16x64xf32, #tpu.memory_space<vmem>>
    %dma_start3A_28 = arith.constant 0 : i32
    %dma_start3A_29 = arith.constant 0 : i32
    %dma_start3A_30 = tpu.memref_slice %arg3[%dma_start3A_28, %dma_start3A_29] : memref<2024x64xf32, #tpu.memory_space<hbm>> -> memref<2024x64xf32, #tpu.memory_space<hbm>>
    %dma_start3A_31 = tpu.memref_slice %arg10[%dma_start3A_24] : memref<8x!tpu.dma_semaphore, #tpu.memory_space<semaphore_mem>> -> memref<1x!tpu.dma_semaphore, #tpu.memory_space<semaphore_mem>>
    %dma_start3A_32 = tpu.memref_squeeze %dma_start3A_31 : memref<1x!tpu.dma_semaphore, #tpu.memory_space<semaphore_mem>> -> memref<!tpu.dma_semaphore, #tpu.memory_space<semaphore_mem>>
    tpu.enqueue_indirect_dma source(%dma_start3A_30 : memref<2024x64xf32, #tpu.memory_space<hbm>>) target(%dma_start3A_27 : memref<16x64xf32, #tpu.memory_space<vmem>>) offsets(%add3A_23 : vector<16xi32>) semaphore(%dma_start3A_32 : memref<!tpu.dma_semaphore, #tpu.memory_space<semaphore_mem>>)
    %dma_start3A_33 = arith.constant 0 : i32
    %dma_start3A_34 = arith.constant 0 : i32
    %dma_start3A_35 = arith.constant 0 : i32
    %dma_start3A_36 = tpu.memref_slice %arg8[%dma_start3A_34, %dma_start3A_35] : memref<128x64xf32, #tpu.memory_space<vmem>> -> memref<16x64xf32, #tpu.memory_space<vmem>>
    %dma_start3A_37 = arith.constant 0 : i32
    %dma_start3A_38 = arith.constant 0 : i32
    %dma_start3A_39 = tpu.memref_slice %arg3[%dma_start3A_37, %dma_start3A_38] : memref<2024x64xf32, #tpu.memory_space<hbm>> -> memref<2024x64xf32, #tpu.memory_space<hbm>>
    %dma_start3A_40 = tpu.memref_slice %arg10[%dma_start3A_33] : memref<8x!tpu.dma_semaphore, #tpu.memory_space<semaphore_mem>> -> memref<1x!tpu.dma_semaphore, #tpu.memory_space<semaphore_mem>>
    %dma_start3A_41 = tpu.memref_squeeze %dma_start3A_40 : memref<1x!tpu.dma_semaphore, #tpu.memory_space<semaphore_mem>> -> memref<!tpu.dma_semaphore, #tpu.memory_space<semaphore_mem>>
    tpu.enqueue_indirect_dma source(%dma_start3A_39 : memref<2024x64xf32, #tpu.memory_space<hbm>>) target(%dma_start3A_36 : memref<16x64xf32, #tpu.memory_space<vmem>>) offsets(%gather3A_12 : vector<16xi32>) semaphore(%dma_start3A_41 : memref<!tpu.dma_semaphore, #tpu.memory_space<semaphore_mem>>)
    %add3A_42 = arith.constant 16 : i32
    %add3A_43 = vector.broadcast %add3A_42 : i32 to vector<16xi32>
    %add3A_44 = arith.addi %add3A_43, %iota3A : vector<16xi32>
    %broadcast_in_dim3A_45 = arith.constant 0 : i32
    %broadcast_in_dim3A_46 = vector.broadcast %broadcast_in_dim3A_45 : i32 to vector<16xi32>
    %gather3A_47 = tpu.vector_load_idx %arg5[%add3A_44, %broadcast_in_dim3A_46] : memref<128x3xi32, #tpu.memory_space<vmem>>[vector<16xi32>, vector<16xi32>], vector<16xi32>,
    %broadcast_in_dim3A_48 = arith.constant 1 : i32
    %broadcast_in_dim3A_49 = vector.broadcast %broadcast_in_dim3A_48 : i32 to vector<16xi32>
    %gather3A_50 = tpu.vector_load_idx %arg5[%add3A_44, %broadcast_in_dim3A_49] : memref<128x3xi32, #tpu.memory_space<vmem>>[vector<16xi32>, vector<16xi32>], vector<16xi32>,
    %broadcast_in_dim3A_51 = arith.constant 2 : i32
    %broadcast_in_dim3A_52 = vector.broadcast %broadcast_in_dim3A_51 : i32 to vector<16xi32>
    %gather3A_53 = tpu.vector_load_idx %arg5[%add3A_44, %broadcast_in_dim3A_52] : memref<128x3xi32, #tpu.memory_space<vmem>>[vector<16xi32>, vector<16xi32>], vector<16xi32>,
    %dma_start3A_54 = arith.constant 1 : i32
    %dma_start3A_55 = arith.constant 16 : i32
    %dma_start3A_56 = arith.constant 0 : i32
    %dma_start3A_57 = tpu.memref_slice %arg6[%dma_start3A_55, %dma_start3A_56] : memref<128x64xf32, #tpu.memory_space<vmem>> -> memref<16x64xf32, #tpu.memory_space<vmem>>
    %dma_start3A_58 = arith.constant 0 : i32
    %dma_start3A_59 = arith.constant 0 : i32
    %dma_start3A_60 = tpu.memref_slice %arg3[%dma_start3A_58, %dma_start3A_59] : memref<2024x64xf32, #tpu.memory_space<hbm>> -> memref<2024x64xf32, #tpu.memory_space<hbm>>
    %dma_start3A_61 = tpu.memref_slice %arg10[%dma_start3A_54] : memref<8x!tpu.dma_semaphore, #tpu.memory_space<semaphore_mem>> -> memref<1x!tpu.dma_semaphore, #tpu.memory_space<semaphore_mem>>
    %dma_start3A_62 = tpu.memref_squeeze %dma_start3A_61 : memref<1x!tpu.dma_semaphore, #tpu.memory_space<semaphore_mem>> -> memref<!tpu.dma_semaphore, #tpu.memory_space<semaphore_mem>>
    tpu.enqueue_indirect_dma source(%dma_start3A_60 : memref<2024x64xf32, #tpu.memory_space<hbm>>) target(%dma_start3A_57 : memref<16x64xf32, #tpu.memory_space<vmem>>) offsets(%gather3A_47 : vector<16xi32>) semaphore(%dma_start3A_62 : memref<!tpu.dma_semaphore, #tpu.memory_space<semaphore_mem>>)
    %add3A_63 = arith.constant 1024 : i32
    %add3A_64 = vector.broadcast %add3A_63 : i32 to vector<16xi32>
    %add3A_65 = arith.addi %gather3A_50, %add3A_64 : vector<16xi32>
    %dma_start3A_66 = arith.constant 1 : i32
    %dma_start3A_67 = arith.constant 16 : i32
    %dma_start3A_68 = arith.constant 0 : i32
    %dma_start3A_69 = tpu.memref_slice %arg7[%dma_start3A_67, %dma_start3A_68] : memref<128x64xf32, #tpu.memory_space<vmem>> -> memref<16x64xf32, #tpu.memory_space<vmem>>
    %dma_start3A_70 = arith.constant 0 : i32
    %dma_start3A_71 = arith.constant 0 : i32
    %dma_start3A_72 = tpu.memref_slice %arg3[%dma_start3A_70, %dma_start3A_71] : memref<2024x64xf32, #tpu.memory_space<hbm>> -> memref<2024x64xf32, #tpu.memory_space<hbm>>
    %dma_start3A_73 = tpu.memref_slice %arg10[%dma_start3A_66] : memref<8x!tpu.dma_semaphore, #tpu.memory_space<semaphore_mem>> -> memref<1x!tpu.dma_semaphore, #tpu.memory_space<semaphore_mem>>
    %dma_start3A_74 = tpu.memref_squeeze %dma_start3A_73 : memref<1x!tpu.dma_semaphore, #tpu.memory_space<semaphore_mem>> -> memref<!tpu.dma_semaphore, #tpu.memory_space<semaphore_mem>>
    tpu.enqueue_indirect_dma source(%dma_start3A_72 : memref<2024x64xf32, #tpu.memory_space<hbm>>) target(%dma_start3A_69 : memref<16x64xf32, #tpu.memory_space<vmem>>) offsets(%add3A_65 : vector<16xi32>) semaphore(%dma_start3A_74 : memref<!tpu.dma_semaphore, #tpu.memory_space<semaphore_mem>>)
    %dma_start3A_75 = arith.constant 1 : i32
    %dma_start3A_76 = arith.constant 16 : i32
    %dma_start3A_77 = arith.constant 0 : i32
    %dma_start3A_78 = tpu.memref_slice %arg8[%dma_start3A_76, %dma_start3A_77] : memref<128x64xf32, #tpu.memory_space<vmem>> -> memref<16x64xf32, #tpu.memory_space<vmem>>
    %dma_start3A_79 = arith.constant 0 : i32
    %dma_start3A_80 = arith.constant 0 : i32
    %dma_start3A_81 = tpu.memref_slice %arg3[%dma_start3A_79, %dma_start3A_80] : memref<2024x64xf32, #tpu.memory_space<hbm>> -> memref<2024x64xf32, #tpu.memory_space<hbm>>
    %dma_start3A_82 = tpu.memref_slice %arg10[%dma_start3A_75] : memref<8x!tpu.dma_semaphore, #tpu.memory_space<semaphore_mem>> -> memref<1x!tpu.dma_semaphore, #tpu.memory_space<semaphore_mem>>
    %dma_start3A_83 = tpu.memref_squeeze %dma_start3A_82 : memref<1x!tpu.dma_semaphore, #tpu.memory_space<semaphore_mem>> -> memref<!tpu.dma_semaphore, #tpu.memory_space<semaphore_mem>>
    tpu.enqueue_indirect_dma source(%dma_start3A_81 : memref<2024x64xf32, #tpu.memory_space<hbm>>) target(%dma_start3A_78 : memref<16x64xf32, #tpu.memory_space<vmem>>) offsets(%gather3A_53 : vector<16xi32>) semaphore(%dma_start3A_83 : memref<!tpu.dma_semaphore, #tpu.memory_space<semaphore_mem>>)
    %add3A_84 = arith.constant 32 : i32
    %add3A_85 = vector.broadcast %add3A_84 : i32 to vector<16xi32>
    %add3A_86 = arith.addi %add3A_85, %iota3A : vector<16xi32>
    %broadcast_in_dim3A_87 = arith.constant 0 : i32
    %broadcast_in_dim3A_88 = vector.broadcast %broadcast_in_dim3A_87 : i32 to vector<16xi32>
    %gather3A_89 = tpu.vector_load_idx %arg5[%add3A_86, %broadcast_in_dim3A_88] : memref<128x3xi32, #tpu.memory_space<vmem>>[vector<16xi32>, vector<16xi32>], vector<16xi32>,
    %broadcast_in_dim3A_90 = arith.constant 1 : i32
    %broadcast_in_dim3A_91 = vector.broadcast %broadcast_in_dim3A_90 : i32 to vector<16xi32>
    %gather3A_92 = tpu.vector_load_idx %arg5[%add3A_86, %broadcast_in_dim3A_91] : memref<128x3xi32, #tpu.memory_space<vmem>>[vector<16xi32>, vector<16xi32>], vector<16xi32>,
    %broadcast_in_dim3A_93 = arith.constant 2 : i32
    %broadcast_in_dim3A_94 = vector.broadcast %broadcast_in_dim3A_93 : i32 to vector<16xi32>
    %gather3A_95 = tpu.vector_load_idx %arg5[%add3A_86, %broadcast_in_dim3A_94] : memref<128x3xi32, #tpu.memory_space<vmem>>[vector<16xi32>, vector<16xi32>], vector<16xi32>,
    %dma_start3A_96 = arith.constant 2 : i32
    %dma_start3A_97 = arith.constant 32 : i32
    %dma_start3A_98 = arith.constant 0 : i32
    %dma_start3A_99 = tpu.memref_slice %arg6[%dma_start3A_97, %dma_start3A_98] : memref<128x64xf32, #tpu.memory_space<vmem>> -> memref<16x64xf32, #tpu.memory_space<vmem>>
    %dma_start3A_100 = arith.constant 0 : i32
    %dma_start3A_101 = arith.constant 0 : i32
    %dma_start3A_102 = tpu.memref_slice %arg3[%dma_start3A_100, %dma_start3A_101] : memref<2024x64xf32, #tpu.memory_space<hbm>> -> memref<2024x64xf32, #tpu.memory_space<hbm>>
    %dma_start3A_103 = tpu.memref_slice %arg10[%dma_start3A_96] : memref<8x!tpu.dma_semaphore, #tpu.memory_space<semaphore_mem>> -> memref<1x!tpu.dma_semaphore, #tpu.memory_space<semaphore_mem>>
    %dma_start3A_104 = tpu.memref_squeeze %dma_start3A_103 : memref<1x!tpu.dma_semaphore, #tpu.memory_space<semaphore_mem>> -> memref<!tpu.dma_semaphore, #tpu.memory_space<semaphore_mem>>
    tpu.enqueue_indirect_dma source(%dma_start3A_102 : memref<2024x64xf32, #tpu.memory_space<hbm>>) target(%dma_start3A_99 : memref<16x64xf32, #tpu.memory_space<vmem>>) offsets(%gather3A_89 : vector<16xi32>) semaphore(%dma_start3A_104 : memref<!tpu.dma_semaphore, #tpu.memory_space<semaphore_mem>>)
    %add3A_105 = arith.constant 1024 : i32
    %add3A_106 = vector.broadcast %add3A_105 : i32 to vector<16xi32>
    %add3A_107 = arith.addi %gather3A_92, %add3A_106 : vector<16xi32>
    %dma_start3A_108 = arith.constant 2 : i32
    %dma_start3A_109 = arith.constant 32 : i32
    %dma_start3A_110 = arith.constant 0 : i32
    %dma_start3A_111 = tpu.memref_slice %arg7[%dma_start3A_109, %dma_start3A_110] : memref<128x64xf32, #tpu.memory_space<vmem>> -> memref<16x64xf32, #tpu.memory_space<vmem>>
    %dma_start3A_112 = arith.constant 0 : i32
    %dma_start3A_113 = arith.constant 0 : i32
    %dma_start3A_114 = tpu.memref_slice %arg3[%dma_start3A_112, %dma_start3A_113] : memref<2024x64xf32, #tpu.memory_space<hbm>> -> memref<2024x64xf32, #tpu.memory_space<hbm>>
    %dma_start3A_115 = tpu.memref_slice %arg10[%dma_start3A_108] : memref<8x!tpu.dma_semaphore, #tpu.memory_space<semaphore_mem>> -> memref<1x!tpu.dma_semaphore, #tpu.memory_space<semaphore_mem>>
    %dma_start3A_116 = tpu.memref_squeeze %dma_start3A_115 : memref<1x!tpu.dma_semaphore, #tpu.memory_space<semaphore_mem>> -> memref<!tpu.dma_semaphore, #tpu.memory_space<semaphore_mem>>
    tpu.enqueue_indirect_dma source(%dma_start3A_114 : memref<2024x64xf32, #tpu.memory_space<hbm>>) target(%dma_start3A_111 : memref<16x64xf32, #tpu.memory_space<vmem>>) offsets(%add3A_107 : vector<16xi32>) semaphore(%dma_start3A_116 : memref<!tpu.dma_semaphore, #tpu.memory_space<semaphore_mem>>)
    %dma_start3A_117 = arith.constant 2 : i32
    %dma_start3A_118 = arith.constant 32 : i32
    %dma_start3A_119 = arith.constant 0 : i32
    %dma_start3A_120 = tpu.memref_slice %arg8[%dma_start3A_118, %dma_start3A_119] : memref<128x64xf32, #tpu.memory_space<vmem>> -> memref<16x64xf32, #tpu.memory_space<vmem>>
    %dma_start3A_121 = arith.constant 0 : i32
    %dma_start3A_122 = arith.constant 0 : i32
    %dma_start3A_123 = tpu.memref_slice %arg3[%dma_start3A_121, %dma_start3A_122] : memref<2024x64xf32, #tpu.memory_space<hbm>> -> memref<2024x64xf32, #tpu.memory_space<hbm>>
    %dma_start3A_124 = tpu.memref_slice %arg10[%dma_start3A_117] : memref<8x!tpu.dma_semaphore, #tpu.memory_space<semaphore_mem>> -> memref<1x!tpu.dma_semaphore, #tpu.memory_space<semaphore_mem>>
    %dma_start3A_125 = tpu.memref_squeeze %dma_start3A_124 : memref<1x!tpu.dma_semaphore, #tpu.memory_space<semaphore_mem>> -> memref<!tpu.dma_semaphore, #tpu.memory_space<semaphore_mem>>
    tpu.enqueue_indirect_dma source(%dma_start3A_123 : memref<2024x64xf32, #tpu.memory_space<hbm>>) target(%dma_start3A_120 : memref<16x64xf32, #tpu.memory_space<vmem>>) offsets(%gather3A_95 : vector<16xi32>) semaphore(%dma_start3A_125 : memref<!tpu.dma_semaphore, #tpu.memory_space<semaphore_mem>>)
    %add3A_126 = arith.constant 48 : i32
    %add3A_127 = vector.broadcast %add3A_126 : i32 to vector<16xi32>
    %add3A_128 = arith.addi %add3A_127, %iota3A : vector<16xi32>
    %broadcast_in_dim3A_129 = arith.constant 0 : i32
    %broadcast_in_dim3A_130 = vector.broadcast %broadcast_in_dim3A_129 : i32 to vector<16xi32>
    %gather3A_131 = tpu.vector_load_idx %arg5[%add3A_128, %broadcast_in_dim3A_130] : memref<128x3xi32, #tpu.memory_space<vmem>>[vector<16xi32>, vector<16xi32>], vector<16xi32>,
    %broadcast_in_dim3A_132 = arith.constant 1 : i32
    %broadcast_in_dim3A_133 = vector.broadcast %broadcast_in_dim3A_132 : i32 to vector<16xi32>
    %gather3A_134 = tpu.vector_load_idx %arg5[%add3A_128, %broadcast_in_dim3A_133] : memref<128x3xi32, #tpu.memory_space<vmem>>[vector<16xi32>, vector<16xi32>], vector<16xi32>,
    %broadcast_in_dim3A_135 = arith.constant 2 : i32
    %broadcast_in_dim3A_136 = vector.broadcast %broadcast_in_dim3A_135 : i32 to vector<16xi32>
    %gather3A_137 = tpu.vector_load_idx %arg5[%add3A_128, %broadcast_in_dim3A_136] : memref<128x3xi32, #tpu.memory_space<vmem>>[vector<16xi32>, vector<16xi32>], vector<16xi32>,
    %dma_start3A_138 = arith.constant 3 : i32
    %dma_start3A_139 = arith.constant 48 : i32
    %dma_start3A_140 = arith.constant 0 : i32
    %dma_start3A_141 = tpu.memref_slice %arg6[%dma_start3A_139, %dma_start3A_140] : memref<128x64xf32, #tpu.memory_space<vmem>> -> memref<16x64xf32, #tpu.memory_space<vmem>>
    %dma_start3A_142 = arith.constant 0 : i32
    %dma_start3A_143 = arith.constant 0 : i32
    %dma_start3A_144 = tpu.memref_slice %arg3[%dma_start3A_142, %dma_start3A_143] : memref<2024x64xf32, #tpu.memory_space<hbm>> -> memref<2024x64xf32, #tpu.memory_space<hbm>>
    %dma_start3A_145 = tpu.memref_slice %arg10[%dma_start3A_138] : memref<8x!tpu.dma_semaphore, #tpu.memory_space<semaphore_mem>> -> memref<1x!tpu.dma_semaphore, #tpu.memory_space<semaphore_mem>>
    %dma_start3A_146 = tpu.memref_squeeze %dma_start3A_145 : memref<1x!tpu.dma_semaphore, #tpu.memory_space<semaphore_mem>> -> memref<!tpu.dma_semaphore, #tpu.memory_space<semaphore_mem>>
    tpu.enqueue_indirect_dma source(%dma_start3A_144 : memref<2024x64xf32, #tpu.memory_space<hbm>>) target(%dma_start3A_141 : memref<16x64xf32, #tpu.memory_space<vmem>>) offsets(%gather3A_131 : vector<16xi32>) semaphore(%dma_start3A_146 : memref<!tpu.dma_semaphore, #tpu.memory_space<semaphore_mem>>)
    %add3A_147 = arith.constant 1024 : i32
    %add3A_148 = vector.broadcast %add3A_147 : i32 to vector<16xi32>
    %add3A_149 = arith.addi %gather3A_134, %add3A_148 : vector<16xi32>
    %dma_start3A_150 = arith.constant 3 : i32
    %dma_start3A_151 = arith.constant 48 : i32
    %dma_start3A_152 = arith.constant 0 : i32
    %dma_start3A_153 = tpu.memref_slice %arg7[%dma_start3A_151, %dma_start3A_152] : memref<128x64xf32, #tpu.memory_space<vmem>> -> memref<16x64xf32, #tpu.memory_space<vmem>>
    %dma_start3A_154 = arith.constant 0 : i32
    %dma_start3A_155 = arith.constant 0 : i32
    %dma_start3A_156 = tpu.memref_slice %arg3[%dma_start3A_154, %dma_start3A_155] : memref<2024x64xf32, #tpu.memory_space<hbm>> -> memref<2024x64xf32, #tpu.memory_space<hbm>>
    %dma_start3A_157 = tpu.memref_slice %arg10[%dma_start3A_150] : memref<8x!tpu.dma_semaphore, #tpu.memory_space<semaphore_mem>> -> memref<1x!tpu.dma_semaphore, #tpu.memory_space<semaphore_mem>>
    %dma_start3A_158 = tpu.memref_squeeze %dma_start3A_157 : memref<1x!tpu.dma_semaphore, #tpu.memory_space<semaphore_mem>> -> memref<!tpu.dma_semaphore, #tpu.memory_space<semaphore_mem>>
    tpu.enqueue_indirect_dma source(%dma_start3A_156 : memref<2024x64xf32, #tpu.memory_space<hbm>>) target(%dma_start3A_153 : memref<16x64xf32, #tpu.memory_space<vmem>>) offsets(%add3A_149 : vector<16xi32>) semaphore(%dma_start3A_158 : memref<!tpu.dma_semaphore, #tpu.memory_space<semaphore_mem>>)
    %dma_start3A_159 = arith.constant 3 : i32
    %dma_start3A_160 = arith.constant 48 : i32
    %dma_start3A_161 = arith.constant 0 : i32
    %dma_start3A_162 = tpu.memref_slice %arg8[%dma_start3A_160, %dma_start3A_161] : memref<128x64xf32, #tpu.memory_space<vmem>> -> memref<16x64xf32, #tpu.memory_space<vmem>>
    %dma_start3A_163 = arith.constant 0 : i32
    %dma_start3A_164 = arith.constant 0 : i32
    %dma_start3A_165 = tpu.memref_slice %arg3[%dma_start3A_163, %dma_start3A_164] : memref<2024x64xf32, #tpu.memory_space<hbm>> -> memref<2024x64xf32, #tpu.memory_space<hbm>>
    %dma_start3A_166 = tpu.memref_slice %arg10[%dma_start3A_159] : memref<8x!tpu.dma_semaphore, #tpu.memory_space<semaphore_mem>> -> memref<1x!tpu.dma_semaphore, #tpu.memory_space<semaphore_mem>>
    %dma_start3A_167 = tpu.memref_squeeze %dma_start3A_166 : memref<1x!tpu.dma_semaphore, #tpu.memory_space<semaphore_mem>> -> memref<!tpu.dma_semaphore, #tpu.memory_space<semaphore_mem>>
    tpu.enqueue_indirect_dma source(%dma_start3A_165 : memref<2024x64xf32, #tpu.memory_space<hbm>>) target(%dma_start3A_162 : memref<16x64xf32, #tpu.memory_space<vmem>>) offsets(%gather3A_137 : vector<16xi32>) semaphore(%dma_start3A_167 : memref<!tpu.dma_semaphore, #tpu.memory_space<semaphore_mem>>)
    %add3A_168 = arith.constant 64 : i32
    %add3A_169 = vector.broadcast %add3A_168 : i32 to vector<16xi32>
    %add3A_170 = arith.addi %add3A_169, %iota3A : vector<16xi32>
    %broadcast_in_dim3A_171 = arith.constant 0 : i32
    %broadcast_in_dim3A_172 = vector.broadcast %broadcast_in_dim3A_171 : i32 to vector<16xi32>
    %gather3A_173 = tpu.vector_load_idx %arg5[%add3A_170, %broadcast_in_dim3A_172] : memref<128x3xi32, #tpu.memory_space<vmem>>[vector<16xi32>, vector<16xi32>], vector<16xi32>,
    %broadcast_in_dim3A_174 = arith.constant 1 : i32
    %broadcast_in_dim3A_175 = vector.broadcast %broadcast_in_dim3A_174 : i32 to vector<16xi32>
    %gather3A_176 = tpu.vector_load_idx %arg5[%add3A_170, %broadcast_in_dim3A_175] : memref<128x3xi32, #tpu.memory_space<vmem>>[vector<16xi32>, vector<16xi32>], vector<16xi32>,
    %broadcast_in_dim3A_177 = arith.constant 2 : i32
    %broadcast_in_dim3A_178 = vector.broadcast %broadcast_in_dim3A_177 : i32 to vector<16xi32>
    %gather3A_179 = tpu.vector_load_idx %arg5[%add3A_170, %broadcast_in_dim3A_178] : memref<128x3xi32, #tpu.memory_space<vmem>>[vector<16xi32>, vector<16xi32>], vector<16xi32>,
    %dma_start3A_180 = arith.constant 4 : i32
    %dma_start3A_181 = arith.constant 64 : i32
    %dma_start3A_182 = arith.constant 0 : i32
    %dma_start3A_183 = tpu.memref_slice %arg6[%dma_start3A_181, %dma_start3A_182] : memref<128x64xf32, #tpu.memory_space<vmem>> -> memref<16x64xf32, #tpu.memory_space<vmem>>
    %dma_start3A_184 = arith.constant 0 : i32
    %dma_start3A_185 = arith.constant 0 : i32
    %dma_start3A_186 = tpu.memref_slice %arg3[%dma_start3A_184, %dma_start3A_185] : memref<2024x64xf32, #tpu.memory_space<hbm>> -> memref<2024x64xf32, #tpu.memory_space<hbm>>
    %dma_start3A_187 = tpu.memref_slice %arg10[%dma_start3A_180] : memref<8x!tpu.dma_semaphore, #tpu.memory_space<semaphore_mem>> -> memref<1x!tpu.dma_semaphore, #tpu.memory_space<semaphore_mem>>
    %dma_start3A_188 = tpu.memref_squeeze %dma_start3A_187 : memref<1x!tpu.dma_semaphore, #tpu.memory_space<semaphore_mem>> -> memref<!tpu.dma_semaphore, #tpu.memory_space<semaphore_mem>>
    tpu.enqueue_indirect_dma source(%dma_start3A_186 : memref<2024x64xf32, #tpu.memory_space<hbm>>) target(%dma_start3A_183 : memref<16x64xf32, #tpu.memory_space<vmem>>) offsets(%gather3A_173 : vector<16xi32>) semaphore(%dma_start3A_188 : memref<!tpu.dma_semaphore, #tpu.memory_space<semaphore_mem>>)
    %add3A_189 = arith.constant 1024 : i32
    %add3A_190 = vector.broadcast %add3A_189 : i32 to vector<16xi32>
    %add3A_191 = arith.addi %gather3A_176, %add3A_190 : vector<16xi32>
    %dma_start3A_192 = arith.constant 4 : i32
    %dma_start3A_193 = arith.constant 64 : i32
    %dma_start3A_194 = arith.constant 0 : i32
    %dma_start3A_195 = tpu.memref_slice %arg7[%dma_start3A_193, %dma_start3A_194] : memref<128x64xf32, #tpu.memory_space<vmem>> -> memref<16x64xf32, #tpu.memory_space<vmem>>
    %dma_start3A_196 = arith.constant 0 : i32
    %dma_start3A_197 = arith.constant 0 : i32
    %dma_start3A_198 = tpu.memref_slice %arg3[%dma_start3A_196, %dma_start3A_197] : memref<2024x64xf32, #tpu.memory_space<hbm>> -> memref<2024x64xf32, #tpu.memory_space<hbm>>
    %dma_start3A_199 = tpu.memref_slice %arg10[%dma_start3A_192] : memref<8x!tpu.dma_semaphore, #tpu.memory_space<semaphore_mem>> -> memref<1x!tpu.dma_semaphore, #tpu.memory_space<semaphore_mem>>
    %dma_start3A_200 = tpu.memref_squeeze %dma_start3A_199 : memref<1x!tpu.dma_semaphore, #tpu.memory_space<semaphore_mem>> -> memref<!tpu.dma_semaphore, #tpu.memory_space<semaphore_mem>>
    tpu.enqueue_indirect_dma source(%dma_start3A_198 : memref<2024x64xf32, #tpu.memory_space<hbm>>) target(%dma_start3A_195 : memref<16x64xf32, #tpu.memory_space<vmem>>) offsets(%add3A_191 : vector<16xi32>) semaphore(%dma_start3A_200 : memref<!tpu.dma_semaphore, #tpu.memory_space<semaphore_mem>>)
    %dma_start3A_201 = arith.constant 4 : i32
    %dma_start3A_202 = arith.constant 64 : i32
    %dma_start3A_203 = arith.constant 0 : i32
    %dma_start3A_204 = tpu.memref_slice %arg8[%dma_start3A_202, %dma_start3A_203] : memref<128x64xf32, #tpu.memory_space<vmem>> -> memref<16x64xf32, #tpu.memory_space<vmem>>
    %dma_start3A_205 = arith.constant 0 : i32
    %dma_start3A_206 = arith.constant 0 : i32
    %dma_start3A_207 = tpu.memref_slice %arg3[%dma_start3A_205, %dma_start3A_206] : memref<2024x64xf32, #tpu.memory_space<hbm>> -> memref<2024x64xf32, #tpu.memory_space<hbm>>
    %dma_start3A_208 = tpu.memref_slice %arg10[%dma_start3A_201] : memref<8x!tpu.dma_semaphore, #tpu.memory_space<semaphore_mem>> -> memref<1x!tpu.dma_semaphore, #tpu.memory_space<semaphore_mem>>
    %dma_start3A_209 = tpu.memref_squeeze %dma_start3A_208 : memref<1x!tpu.dma_semaphore, #tpu.memory_space<semaphore_mem>> -> memref<!tpu.dma_semaphore, #tpu.memory_space<semaphore_mem>>
    tpu.enqueue_indirect_dma source(%dma_start3A_207 : memref<2024x64xf32, #tpu.memory_space<hbm>>) target(%dma_start3A_204 : memref<16x64xf32, #tpu.memory_space<vmem>>) offsets(%gather3A_179 : vector<16xi32>) semaphore(%dma_start3A_209 : memref<!tpu.dma_semaphore, #tpu.memory_space<semaphore_mem>>)
    %add3A_210 = arith.constant 80 : i32
    %add3A_211 = vector.broadcast %add3A_210 : i32 to vector<16xi32>
    %add3A_212 = arith.addi %add3A_211, %iota3A : vector<16xi32>
    %broadcast_in_dim3A_213 = arith.constant 0 : i32
    %broadcast_in_dim3A_214 = vector.broadcast %broadcast_in_dim3A_213 : i32 to vector<16xi32>
    %gather3A_215 = tpu.vector_load_idx %arg5[%add3A_212, %broadcast_in_dim3A_214] : memref<128x3xi32, #tpu.memory_space<vmem>>[vector<16xi32>, vector<16xi32>], vector<16xi32>,
    %broadcast_in_dim3A_216 = arith.constant 1 : i32
    %broadcast_in_dim3A_217 = vector.broadcast %broadcast_in_dim3A_216 : i32 to vector<16xi32>
    %gather3A_218 = tpu.vector_load_idx %arg5[%add3A_212, %broadcast_in_dim3A_217] : memref<128x3xi32, #tpu.memory_space<vmem>>[vector<16xi32>, vector<16xi32>], vector<16xi32>,
    %broadcast_in_dim3A_219 = arith.constant 2 : i32
    %broadcast_in_dim3A_220 = vector.broadcast %broadcast_in_dim3A_219 : i32 to vector<16xi32>
    %gather3A_221 = tpu.vector_load_idx %arg5[%add3A_212, %broadcast_in_dim3A_220] : memref<128x3xi32, #tpu.memory_space<vmem>>[vector<16xi32>, vector<16xi32>], vector<16xi32>,
    %dma_start3A_222 = arith.constant 5 : i32
    %dma_start3A_223 = arith.constant 80 : i32
    %dma_start3A_224 = arith.constant 0 : i32
    %dma_start3A_225 = tpu.memref_slice %arg6[%dma_start3A_223, %dma_start3A_224] : memref<128x64xf32, #tpu.memory_space<vmem>> -> memref<16x64xf32, #tpu.memory_space<vmem>>
    %dma_start3A_226 = arith.constant 0 : i32
    %dma_start3A_227 = arith.constant 0 : i32
    %dma_start3A_228 = tpu.memref_slice %arg3[%dma_start3A_226, %dma_start3A_227] : memref<2024x64xf32, #tpu.memory_space<hbm>> -> memref<2024x64xf32, #tpu.memory_space<hbm>>
    %dma_start3A_229 = tpu.memref_slice %arg10[%dma_start3A_222] : memref<8x!tpu.dma_semaphore, #tpu.memory_space<semaphore_mem>> -> memref<1x!tpu.dma_semaphore, #tpu.memory_space<semaphore_mem>>
    %dma_start3A_230 = tpu.memref_squeeze %dma_start3A_229 : memref<1x!tpu.dma_semaphore, #tpu.memory_space<semaphore_mem>> -> memref<!tpu.dma_semaphore, #tpu.memory_space<semaphore_mem>>
    tpu.enqueue_indirect_dma source(%dma_start3A_228 : memref<2024x64xf32, #tpu.memory_space<hbm>>) target(%dma_start3A_225 : memref<16x64xf32, #tpu.memory_space<vmem>>) offsets(%gather3A_215 : vector<16xi32>) semaphore(%dma_start3A_230 : memref<!tpu.dma_semaphore, #tpu.memory_space<semaphore_mem>>)
    %add3A_231 = arith.constant 1024 : i32
    %add3A_232 = vector.broadcast %add3A_231 : i32 to vector<16xi32>
    %add3A_233 = arith.addi %gather3A_218, %add3A_232 : vector<16xi32>
    %dma_start3A_234 = arith.constant 5 : i32
    %dma_start3A_235 = arith.constant 80 : i32
    %dma_start3A_236 = arith.constant 0 : i32
    %dma_start3A_237 = tpu.memref_slice %arg7[%dma_start3A_235, %dma_start3A_236] : memref<128x64xf32, #tpu.memory_space<vmem>> -> memref<16x64xf32, #tpu.memory_space<vmem>>
    %dma_start3A_238 = arith.constant 0 : i32
    %dma_start3A_239 = arith.constant 0 : i32
    %dma_start3A_240 = tpu.memref_slice %arg3[%dma_start3A_238, %dma_start3A_239] : memref<2024x64xf32, #tpu.memory_space<hbm>> -> memref<2024x64xf32, #tpu.memory_space<hbm>>
    %dma_start3A_241 = tpu.memref_slice %arg10[%dma_start3A_234] : memref<8x!tpu.dma_semaphore, #tpu.memory_space<semaphore_mem>> -> memref<1x!tpu.dma_semaphore, #tpu.memory_space<semaphore_mem>>
    %dma_start3A_242 = tpu.memref_squeeze %dma_start3A_241 : memref<1x!tpu.dma_semaphore, #tpu.memory_space<semaphore_mem>> -> memref<!tpu.dma_semaphore, #tpu.memory_space<semaphore_mem>>
    tpu.enqueue_indirect_dma source(%dma_start3A_240 : memref<2024x64xf32, #tpu.memory_space<hbm>>) target(%dma_start3A_237 : memref<16x64xf32, #tpu.memory_space<vmem>>) offsets(%add3A_233 : vector<16xi32>) semaphore(%dma_start3A_242 : memref<!tpu.dma_semaphore, #tpu.memory_space<semaphore_mem>>)
    %dma_start3A_243 = arith.constant 5 : i32
    %dma_start3A_244 = arith.constant 80 : i32
    %dma_start3A_245 = arith.constant 0 : i32
    %dma_start3A_246 = tpu.memref_slice %arg8[%dma_start3A_244, %dma_start3A_245] : memref<128x64xf32, #tpu.memory_space<vmem>> -> memref<16x64xf32, #tpu.memory_space<vmem>>
    %dma_start3A_247 = arith.constant 0 : i32
    %dma_start3A_248 = arith.constant 0 : i32
    %dma_start3A_249 = tpu.memref_slice %arg3[%dma_start3A_247, %dma_start3A_248] : memref<2024x64xf32, #tpu.memory_space<hbm>> -> memref<2024x64xf32, #tpu.memory_space<hbm>>
    %dma_start3A_250 = tpu.memref_slice %arg10[%dma_start3A_243] : memref<8x!tpu.dma_semaphore, #tpu.memory_space<semaphore_mem>> -> memref<1x!tpu.dma_semaphore, #tpu.memory_space<semaphore_mem>>
    %dma_start3A_251 = tpu.memref_squeeze %dma_start3A_250 : memref<1x!tpu.dma_semaphore, #tpu.memory_space<semaphore_mem>> -> memref<!tpu.dma_semaphore, #tpu.memory_space<semaphore_mem>>
    tpu.enqueue_indirect_dma source(%dma_start3A_249 : memref<2024x64xf32, #tpu.memory_space<hbm>>) target(%dma_start3A_246 : memref<16x64xf32, #tpu.memory_space<vmem>>) offsets(%gather3A_221 : vector<16xi32>) semaphore(%dma_start3A_251 : memref<!tpu.dma_semaphore, #tpu.memory_space<semaphore_mem>>)
    %add3A_252 = arith.constant 96 : i32
    %add3A_253 = vector.broadcast %add3A_252 : i32 to vector<16xi32>
    %add3A_254 = arith.addi %add3A_253, %iota3A : vector<16xi32>
    %broadcast_in_dim3A_255 = arith.constant 0 : i32
    %broadcast_in_dim3A_256 = vector.broadcast %broadcast_in_dim3A_255 : i32 to vector<16xi32>
    %gather3A_257 = tpu.vector_load_idx %arg5[%add3A_254, %broadcast_in_dim3A_256] : memref<128x3xi32, #tpu.memory_space<vmem>>[vector<16xi32>, vector<16xi32>], vector<16xi32>,
    %broadcast_in_dim3A_258 = arith.constant 1 : i32
    %broadcast_in_dim3A_259 = vector.broadcast %broadcast_in_dim3A_258 : i32 to vector<16xi32>
    %gather3A_260 = tpu.vector_load_idx %arg5[%add3A_254, %broadcast_in_dim3A_259] : memref<128x3xi32, #tpu.memory_space<vmem>>[vector<16xi32>, vector<16xi32>], vector<16xi32>,
    %broadcast_in_dim3A_261 = arith.constant 2 : i32
    %broadcast_in_dim3A_262 = vector.broadcast %broadcast_in_dim3A_261 : i32 to vector<16xi32>
    %gather3A_263 = tpu.vector_load_idx %arg5[%add3A_254, %broadcast_in_dim3A_262] : memref<128x3xi32, #tpu.memory_space<vmem>>[vector<16xi32>, vector<16xi32>], vector<16xi32>,
    %dma_start3A_264 = arith.constant 6 : i32
    %dma_start3A_265 = arith.constant 96 : i32
    %dma_start3A_266 = arith.constant 0 : i32
    %dma_start3A_267 = tpu.memref_slice %arg6[%dma_start3A_265, %dma_start3A_266] : memref<128x64xf32, #tpu.memory_space<vmem>> -> memref<16x64xf32, #tpu.memory_space<vmem>>
    %dma_start3A_268 = arith.constant 0 : i32
    %dma_start3A_269 = arith.constant 0 : i32
    %dma_start3A_270 = tpu.memref_slice %arg3[%dma_start3A_268, %dma_start3A_269] : memref<2024x64xf32, #tpu.memory_space<hbm>> -> memref<2024x64xf32, #tpu.memory_space<hbm>>
    %dma_start3A_271 = tpu.memref_slice %arg10[%dma_start3A_264] : memref<8x!tpu.dma_semaphore, #tpu.memory_space<semaphore_mem>> -> memref<1x!tpu.dma_semaphore, #tpu.memory_space<semaphore_mem>>
    %dma_start3A_272 = tpu.memref_squeeze %dma_start3A_271 : memref<1x!tpu.dma_semaphore, #tpu.memory_space<semaphore_mem>> -> memref<!tpu.dma_semaphore, #tpu.memory_space<semaphore_mem>>
    tpu.enqueue_indirect_dma source(%dma_start3A_270 : memref<2024x64xf32, #tpu.memory_space<hbm>>) target(%dma_start3A_267 : memref<16x64xf32, #tpu.memory_space<vmem>>) offsets(%gather3A_257 : vector<16xi32>) semaphore(%dma_start3A_272 : memref<!tpu.dma_semaphore, #tpu.memory_space<semaphore_mem>>)
    %add3A_273 = arith.constant 1024 : i32
    %add3A_274 = vector.broadcast %add3A_273 : i32 to vector<16xi32>
    %add3A_275 = arith.addi %gather3A_260, %add3A_274 : vector<16xi32>
    %dma_start3A_276 = arith.constant 6 : i32
    %dma_start3A_277 = arith.constant 96 : i32
    %dma_start3A_278 = arith.constant 0 : i32
    %dma_start3A_279 = tpu.memref_slice %arg7[%dma_start3A_277, %dma_start3A_278] : memref<128x64xf32, #tpu.memory_space<vmem>> -> memref<16x64xf32, #tpu.memory_space<vmem>>
    %dma_start3A_280 = arith.constant 0 : i32
    %dma_start3A_281 = arith.constant 0 : i32
    %dma_start3A_282 = tpu.memref_slice %arg3[%dma_start3A_280, %dma_start3A_281] : memref<2024x64xf32, #tpu.memory_space<hbm>> -> memref<2024x64xf32, #tpu.memory_space<hbm>>
    %dma_start3A_283 = tpu.memref_slice %arg10[%dma_start3A_276] : memref<8x!tpu.dma_semaphore, #tpu.memory_space<semaphore_mem>> -> memref<1x!tpu.dma_semaphore, #tpu.memory_space<semaphore_mem>>
    %dma_start3A_284 = tpu.memref_squeeze %dma_start3A_283 : memref<1x!tpu.dma_semaphore, #tpu.memory_space<semaphore_mem>> -> memref<!tpu.dma_semaphore, #tpu.memory_space<semaphore_mem>>
    tpu.enqueue_indirect_dma source(%dma_start3A_282 : memref<2024x64xf32, #tpu.memory_space<hbm>>) target(%dma_start3A_279 : memref<16x64xf32, #tpu.memory_space<vmem>>) offsets(%add3A_275 : vector<16xi32>) semaphore(%dma_start3A_284 : memref<!tpu.dma_semaphore, #tpu.memory_space<semaphore_mem>>)
    %dma_start3A_285 = arith.constant 6 : i32
    %dma_start3A_286 = arith.constant 96 : i32
    %dma_start3A_287 = arith.constant 0 : i32
    %dma_start3A_288 = tpu.memref_slice %arg8[%dma_start3A_286, %dma_start3A_287] : memref<128x64xf32, #tpu.memory_space<vmem>> -> memref<16x64xf32, #tpu.memory_space<vmem>>
    %dma_start3A_289 = arith.constant 0 : i32
    %dma_start3A_290 = arith.constant 0 : i32
    %dma_start3A_291 = tpu.memref_slice %arg3[%dma_start3A_289, %dma_start3A_290] : memref<2024x64xf32, #tpu.memory_space<hbm>> -> memref<2024x64xf32, #tpu.memory_space<hbm>>
    %dma_start3A_292 = tpu.memref_slice %arg10[%dma_start3A_285] : memref<8x!tpu.dma_semaphore, #tpu.memory_space<semaphore_mem>> -> memref<1x!tpu.dma_semaphore, #tpu.memory_space<semaphore_mem>>
    %dma_start3A_293 = tpu.memref_squeeze %dma_start3A_292 : memref<1x!tpu.dma_semaphore, #tpu.memory_space<semaphore_mem>> -> memref<!tpu.dma_semaphore, #tpu.memory_space<semaphore_mem>>
    tpu.enqueue_indirect_dma source(%dma_start3A_291 : memref<2024x64xf32, #tpu.memory_space<hbm>>) target(%dma_start3A_288 : memref<16x64xf32, #tpu.memory_space<vmem>>) offsets(%gather3A_263 : vector<16xi32>) semaphore(%dma_start3A_293 : memref<!tpu.dma_semaphore, #tpu.memory_space<semaphore_mem>>)
    %add3A_294 = arith.constant 112 : i32
    %add3A_295 = vector.broadcast %add3A_294 : i32 to vector<16xi32>
    %add3A_296 = arith.addi %add3A_295, %iota3A : vector<16xi32>
    %broadcast_in_dim3A_297 = arith.constant 0 : i32
    %broadcast_in_dim3A_298 = vector.broadcast %broadcast_in_dim3A_297 : i32 to vector<16xi32>
    %gather3A_299 = tpu.vector_load_idx %arg5[%add3A_296, %broadcast_in_dim3A_298] : memref<128x3xi32, #tpu.memory_space<vmem>>[vector<16xi32>, vector<16xi32>], vector<16xi32>,
    %broadcast_in_dim3A_300 = arith.constant 1 : i32
    %broadcast_in_dim3A_301 = vector.broadcast %broadcast_in_dim3A_300 : i32 to vector<16xi32>
    %gather3A_302 = tpu.vector_load_idx %arg5[%add3A_296, %broadcast_in_dim3A_301] : memref<128x3xi32, #tpu.memory_space<vmem>>[vector<16xi32>, vector<16xi32>], vector<16xi32>,
    %broadcast_in_dim3A_303 = arith.constant 2 : i32
    %broadcast_in_dim3A_304 = vector.broadcast %broadcast_in_dim3A_303 : i32 to vector<16xi32>
    %gather3A_305 = tpu.vector_load_idx %arg5[%add3A_296, %broadcast_in_dim3A_304] : memref<128x3xi32, #tpu.memory_space<vmem>>[vector<16xi32>, vector<16xi32>], vector<16xi32>,
    %dma_start3A_306 = arith.constant 7 : i32
    %dma_start3A_307 = arith.constant 112 : i32
    %dma_start3A_308 = arith.constant 0 : i32
    %dma_start3A_309 = tpu.memref_slice %arg6[%dma_start3A_307, %dma_start3A_308] : memref<128x64xf32, #tpu.memory_space<vmem>> -> memref<16x64xf32, #tpu.memory_space<vmem>>
    %dma_start3A_310 = arith.constant 0 : i32
    %dma_start3A_311 = arith.constant 0 : i32
    %dma_start3A_312 = tpu.memref_slice %arg3[%dma_start3A_310, %dma_start3A_311] : memref<2024x64xf32, #tpu.memory_space<hbm>> -> memref<2024x64xf32, #tpu.memory_space<hbm>>
    %dma_start3A_313 = tpu.memref_slice %arg10[%dma_start3A_306] : memref<8x!tpu.dma_semaphore, #tpu.memory_space<semaphore_mem>> -> memref<1x!tpu.dma_semaphore, #tpu.memory_space<semaphore_mem>>
    %dma_start3A_314 = tpu.memref_squeeze %dma_start3A_313 : memref<1x!tpu.dma_semaphore, #tpu.memory_space<semaphore_mem>> -> memref<!tpu.dma_semaphore, #tpu.memory_space<semaphore_mem>>
    tpu.enqueue_indirect_dma source(%dma_start3A_312 : memref<2024x64xf32, #tpu.memory_space<hbm>>) target(%dma_start3A_309 : memref<16x64xf32, #tpu.memory_space<vmem>>) offsets(%gather3A_299 : vector<16xi32>) semaphore(%dma_start3A_314 : memref<!tpu.dma_semaphore, #tpu.memory_space<semaphore_mem>>)
    %add3A_315 = arith.constant 1024 : i32
    %add3A_316 = vector.broadcast %add3A_315 : i32 to vector<16xi32>
    %add3A_317 = arith.addi %gather3A_302, %add3A_316 : vector<16xi32>
    %dma_start3A_318 = arith.constant 7 : i32
    %dma_start3A_319 = arith.constant 112 : i32
    %dma_start3A_320 = arith.constant 0 : i32
    %dma_start3A_321 = tpu.memref_slice %arg7[%dma_start3A_319, %dma_start3A_320] : memref<128x64xf32, #tpu.memory_space<vmem>> -> memref<16x64xf32, #tpu.memory_space<vmem>>
    %dma_start3A_322 = arith.constant 0 : i32
    %dma_start3A_323 = arith.constant 0 : i32
    %dma_start3A_324 = tpu.memref_slice %arg3[%dma_start3A_322, %dma_start3A_323] : memref<2024x64xf32, #tpu.memory_space<hbm>> -> memref<2024x64xf32, #tpu.memory_space<hbm>>
    %dma_start3A_325 = tpu.memref_slice %arg10[%dma_start3A_318] : memref<8x!tpu.dma_semaphore, #tpu.memory_space<semaphore_mem>> -> memref<1x!tpu.dma_semaphore, #tpu.memory_space<semaphore_mem>>
    %dma_start3A_326 = tpu.memref_squeeze %dma_start3A_325 : memref<1x!tpu.dma_semaphore, #tpu.memory_space<semaphore_mem>> -> memref<!tpu.dma_semaphore, #tpu.memory_space<semaphore_mem>>
    tpu.enqueue_indirect_dma source(%dma_start3A_324 : memref<2024x64xf32, #tpu.memory_space<hbm>>) target(%dma_start3A_321 : memref<16x64xf32, #tpu.memory_space<vmem>>) offsets(%add3A_317 : vector<16xi32>) semaphore(%dma_start3A_326 : memref<!tpu.dma_semaphore, #tpu.memory_space<semaphore_mem>>)
    %dma_start3A_327 = arith.constant 7 : i32
    %dma_start3A_328 = arith.constant 112 : i32
    %dma_start3A_329 = arith.constant 0 : i32
    %dma_start3A_330 = tpu.memref_slice %arg8[%dma_start3A_328, %dma_start3A_329] : memref<128x64xf32, #tpu.memory_space<vmem>> -> memref<16x64xf32, #tpu.memory_space<vmem>>
    %dma_start3A_331 = arith.constant 0 : i32
    %dma_start3A_332 = arith.constant 0 : i32
    %dma_start3A_333 = tpu.memref_slice %arg3[%dma_start3A_331, %dma_start3A_332] : memref<2024x64xf32, #tpu.memory_space<hbm>> -> memref<2024x64xf32, #tpu.memory_space<hbm>>
    %dma_start3A_334 = tpu.memref_slice %arg10[%dma_start3A_327] : memref<8x!tpu.dma_semaphore, #tpu.memory_space<semaphore_mem>> -> memref<1x!tpu.dma_semaphore, #tpu.memory_space<semaphore_mem>>
    %dma_start3A_335 = tpu.memref_squeeze %dma_start3A_334 : memref<1x!tpu.dma_semaphore, #tpu.memory_space<semaphore_mem>> -> memref<!tpu.dma_semaphore, #tpu.memory_space<semaphore_mem>>
    tpu.enqueue_indirect_dma source(%dma_start3A_333 : memref<2024x64xf32, #tpu.memory_space<hbm>>) target(%dma_start3A_330 : memref<16x64xf32, #tpu.memory_space<vmem>>) offsets(%gather3A_305 : vector<16xi32>) semaphore(%dma_start3A_335 : memref<!tpu.dma_semaphore, #tpu.memory_space<semaphore_mem>>)
    %dma_wait3A = arith.constant 0 : i32
    %dma_wait3A_336 = arith.constant 0 : i32
    %dma_wait3A_337 = arith.constant 0 : i32
    %dma_wait3A_338 = tpu.memref_slice %arg6[%dma_wait3A_336, %dma_wait3A_337] : memref<128x64xf32, #tpu.memory_space<vmem>> -> memref<16x64xf32, #tpu.memory_space<vmem>>
    %dma_wait3A_339 = arith.constant 0 : i32
    %dma_wait3A_340 = arith.constant 0 : i32
    %dma_wait3A_341 = tpu.memref_slice %arg3[%dma_wait3A_339, %dma_wait3A_340] : memref<2024x64xf32, #tpu.memory_space<hbm>> -> memref<2024x64xf32, #tpu.memory_space<hbm>>
    %dma_wait3A_342 = tpu.memref_slice %arg10[%dma_wait3A] : memref<8x!tpu.dma_semaphore, #tpu.memory_space<semaphore_mem>> -> memref<1x!tpu.dma_semaphore, #tpu.memory_space<semaphore_mem>>
    %dma_wait3A_343 = tpu.memref_squeeze %dma_wait3A_342 : memref<1x!tpu.dma_semaphore, #tpu.memory_space<semaphore_mem>> -> memref<!tpu.dma_semaphore, #tpu.memory_space<semaphore_mem>>
    tpu.wait_indirect_dma semaphore(%dma_wait3A_343 : memref<!tpu.dma_semaphore, #tpu.memory_space<semaphore_mem>>) src(%dma_wait3A_341 : memref<2024x64xf32, #tpu.memory_space<hbm>>) dst(%dma_wait3A_338 : memref<16x64xf32, #tpu.memory_space<vmem>>)
    %dma_wait3A_344 = arith.constant 0 : i32
    %dma_wait3A_345 = arith.constant 0 : i32
    %dma_wait3A_346 = arith.constant 0 : i32
    %dma_wait3A_347 = tpu.memref_slice %arg7[%dma_wait3A_345, %dma_wait3A_346] : memref<128x64xf32, #tpu.memory_space<vmem>> -> memref<16x64xf32, #tpu.memory_space<vmem>>
    %dma_wait3A_348 = arith.constant 0 : i32
    %dma_wait3A_349 = arith.constant 0 : i32
    %dma_wait3A_350 = tpu.memref_slice %arg3[%dma_wait3A_348, %dma_wait3A_349] : memref<2024x64xf32, #tpu.memory_space<hbm>> -> memref<2024x64xf32, #tpu.memory_space<hbm>>
    %dma_wait3A_351 = tpu.memref_slice %arg10[%dma_wait3A_344] : memref<8x!tpu.dma_semaphore, #tpu.memory_space<semaphore_mem>> -> memref<1x!tpu.dma_semaphore, #tpu.memory_space<semaphore_mem>>
    %dma_wait3A_352 = tpu.memref_squeeze %dma_wait3A_351 : memref<1x!tpu.dma_semaphore, #tpu.memory_space<semaphore_mem>> -> memref<!tpu.dma_semaphore, #tpu.memory_space<semaphore_mem>>
    tpu.wait_indirect_dma semaphore(%dma_wait3A_352 : memref<!tpu.dma_semaphore, #tpu.memory_space<semaphore_mem>>) src(%dma_wait3A_350 : memref<2024x64xf32, #tpu.memory_space<hbm>>) dst(%dma_wait3A_347 : memref<16x64xf32, #tpu.memory_space<vmem>>)
    %dma_wait3A_353 = arith.constant 0 : i32
    %dma_wait3A_354 = arith.constant 0 : i32
    %dma_wait3A_355 = arith.constant 0 : i32
    %dma_wait3A_356 = tpu.memref_slice %arg8[%dma_wait3A_354, %dma_wait3A_355] : memref<128x64xf32, #tpu.memory_space<vmem>> -> memref<16x64xf32, #tpu.memory_space<vmem>>
    %dma_wait3A_357 = arith.constant 0 : i32
    %dma_wait3A_358 = arith.constant 0 : i32
    %dma_wait3A_359 = tpu.memref_slice %arg3[%dma_wait3A_357, %dma_wait3A_358] : memref<2024x64xf32, #tpu.memory_space<hbm>> -> memref<2024x64xf32, #tpu.memory_space<hbm>>
    %dma_wait3A_360 = tpu.memref_slice %arg10[%dma_wait3A_353] : memref<8x!tpu.dma_semaphore, #tpu.memory_space<semaphore_mem>> -> memref<1x!tpu.dma_semaphore, #tpu.memory_space<semaphore_mem>>
    %dma_wait3A_361 = tpu.memref_squeeze %dma_wait3A_360 : memref<1x!tpu.dma_semaphore, #tpu.memory_space<semaphore_mem>> -> memref<!tpu.dma_semaphore, #tpu.memory_space<semaphore_mem>>
    tpu.wait_indirect_dma semaphore(%dma_wait3A_361 : memref<!tpu.dma_semaphore, #tpu.memory_space<semaphore_mem>>) src(%dma_wait3A_359 : memref<2024x64xf32, #tpu.memory_space<hbm>>) dst(%dma_wait3A_356 : memref<16x64xf32, #tpu.memory_space<vmem>>)
    %add3A_362 = arith.constant 0 : i32
    %add3A_363 = vector.broadcast %add3A_362 : i32 to vector<16xi32>
    %add3A_364 = arith.addi %add3A_363, %iota3A : vector<16xi32>
    %broadcast_in_dim3A_365 = arith.constant 1.200000e+01 : f32
    %broadcast_in_dim3A_366 = vector.broadcast %broadcast_in_dim3A_365 : f32 to vector<16xf32>
    %scan3A = arith.constant 0 : i32
    %scan3A_367 = arith.constant 8 : i32
    %scan3A_368 = arith.addi %scan3A, %scan3A_367 : i32
    %scan3A_369 = arith.constant 1 : i32
    %scan3A_370 = scf.for %scan3A_653 = %scan3A to %scan3A_368 step %scan3A_369 iter_args(%scan3A_654 = %broadcast_in_dim3A_366) -> (vector<16xf32>)  : i32 {
      %mul3A_655 = arith.constant 8 : i32
      %mul3A_656 = arith.muli %scan3A_653, %mul3A_655 : i32
      %add3A_657 = arith.constant 0 : i32
      %add3A_658 = arith.addi %mul3A_656, %add3A_657 : i32
      %add3A_659 = vector.broadcast %add3A_658 : i32 to vector<16xi32>
      %add3A_660 = arith.addi %iota3A, %add3A_659 : vector<16xi32>
      %and3A = arith.constant 63 : i32
      %and3A_661 = vector.broadcast %and3A : i32 to vector<16xi32>
      %and3A_662 = arith.andi %add3A_660, %and3A_661 : vector<16xi32>
      %gather3A_663 = tpu.vector_load_idx %arg6[%add3A_364, %and3A_662] : memref<128x64xf32, #tpu.memory_space<vmem>>[vector<16xi32>, vector<16xi32>], vector<16xf32>,
      %gather3A_664 = tpu.vector_load_idx %arg7[%add3A_364, %and3A_662] : memref<128x64xf32, #tpu.memory_space<vmem>>[vector<16xi32>, vector<16xi32>], vector<16xf32>,
      %gather3A_665 = tpu.vector_load_idx %arg8[%add3A_364, %and3A_662] : memref<128x64xf32, #tpu.memory_space<vmem>>[vector<16xi32>, vector<16xi32>], vector<16xf32>,
      %add3A_666 = arith.addf %gather3A_663, %gather3A_664 : vector<16xf32>
      %sub3A = arith.subf %add3A_666, %gather3A_665 : vector<16xf32>
      %abs3A = math.absf %sub3A : vector<16xf32>
      %sub3A_667 = arith.subf %scan3A_654, %abs3A : vector<16xf32>
      %mul3A_668 = arith.constant 8 : i32
      %mul3A_669 = arith.muli %scan3A_653, %mul3A_668 : i32
      %add3A_670 = arith.constant 1 : i32
      %add3A_671 = arith.addi %mul3A_669, %add3A_670 : i32
      %add3A_672 = vector.broadcast %add3A_671 : i32 to vector<16xi32>
      %add3A_673 = arith.addi %iota3A, %add3A_672 : vector<16xi32>
      %and3A_674 = arith.constant 63 : i32
      %and3A_675 = vector.broadcast %and3A_674 : i32 to vector<16xi32>
      %and3A_676 = arith.andi %add3A_673, %and3A_675 : vector<16xi32>
      %gather3A_677 = tpu.vector_load_idx %arg6[%add3A_364, %and3A_676] : memref<128x64xf32, #tpu.memory_space<vmem>>[vector<16xi32>, vector<16xi32>], vector<16xf32>,
      %gather3A_678 = tpu.vector_load_idx %arg7[%add3A_364, %and3A_676] : memref<128x64xf32, #tpu.memory_space<vmem>>[vector<16xi32>, vector<16xi32>], vector<16xf32>,
      %gather3A_679 = tpu.vector_load_idx %arg8[%add3A_364, %and3A_676] : memref<128x64xf32, #tpu.memory_space<vmem>>[vector<16xi32>, vector<16xi32>], vector<16xf32>,
      %add3A_680 = arith.addf %gather3A_677, %gather3A_678 : vector<16xf32>
      %sub3A_681 = arith.subf %add3A_680, %gather3A_679 : vector<16xf32>
      %abs3A_682 = math.absf %sub3A_681 : vector<16xf32>
      %sub3A_683 = arith.subf %sub3A_667, %abs3A_682 : vector<16xf32>
      %mul3A_684 = arith.constant 8 : i32
      %mul3A_685 = arith.muli %scan3A_653, %mul3A_684 : i32
      %add3A_686 = arith.constant 2 : i32
      %add3A_687 = arith.addi %mul3A_685, %add3A_686 : i32
      %add3A_688 = vector.broadcast %add3A_687 : i32 to vector<16xi32>
      %add3A_689 = arith.addi %iota3A, %add3A_688 : vector<16xi32>
      %and3A_690 = arith.constant 63 : i32
      %and3A_691 = vector.broadcast %and3A_690 : i32 to vector<16xi32>
      %and3A_692 = arith.andi %add3A_689, %and3A_691 : vector<16xi32>
      %gather3A_693 = tpu.vector_load_idx %arg6[%add3A_364, %and3A_692] : memref<128x64xf32, #tpu.memory_space<vmem>>[vector<16xi32>, vector<16xi32>], vector<16xf32>,
      %gather3A_694 = tpu.vector_load_idx %arg7[%add3A_364, %and3A_692] : memref<128x64xf32, #tpu.memory_space<vmem>>[vector<16xi32>, vector<16xi32>], vector<16xf32>,
      %gather3A_695 = tpu.vector_load_idx %arg8[%add3A_364, %and3A_692] : memref<128x64xf32, #tpu.memory_space<vmem>>[vector<16xi32>, vector<16xi32>], vector<16xf32>,
      %add3A_696 = arith.addf %gather3A_693, %gather3A_694 : vector<16xf32>
      %sub3A_697 = arith.subf %add3A_696, %gather3A_695 : vector<16xf32>
      %abs3A_698 = math.absf %sub3A_697 : vector<16xf32>
      %sub3A_699 = arith.subf %sub3A_683, %abs3A_698 : vector<16xf32>
      %mul3A_700 = arith.constant 8 : i32
      %mul3A_701 = arith.muli %scan3A_653, %mul3A_700 : i32
      %add3A_702 = arith.constant 3 : i32
      %add3A_703 = arith.addi %mul3A_701, %add3A_702 : i32
      %add3A_704 = vector.broadcast %add3A_703 : i32 to vector<16xi32>
      %add3A_705 = arith.addi %iota3A, %add3A_704 : vector<16xi32>
      %and3A_706 = arith.constant 63 : i32
      %and3A_707 = vector.broadcast %and3A_706 : i32 to vector<16xi32>
      %and3A_708 = arith.andi %add3A_705, %and3A_707 : vector<16xi32>
      %gather3A_709 = tpu.vector_load_idx %arg6[%add3A_364, %and3A_708] : memref<128x64xf32, #tpu.memory_space<vmem>>[vector<16xi32>, vector<16xi32>], vector<16xf32>,
      %gather3A_710 = tpu.vector_load_idx %arg7[%add3A_364, %and3A_708] : memref<128x64xf32, #tpu.memory_space<vmem>>[vector<16xi32>, vector<16xi32>], vector<16xf32>,
      %gather3A_711 = tpu.vector_load_idx %arg8[%add3A_364, %and3A_708] : memref<128x64xf32, #tpu.memory_space<vmem>>[vector<16xi32>, vector<16xi32>], vector<16xf32>,
      %add3A_712 = arith.addf %gather3A_709, %gather3A_710 : vector<16xf32>
      %sub3A_713 = arith.subf %add3A_712, %gather3A_711 : vector<16xf32>
      %abs3A_714 = math.absf %sub3A_713 : vector<16xf32>
      %sub3A_715 = arith.subf %sub3A_699, %abs3A_714 : vector<16xf32>
      %mul3A_716 = arith.constant 8 : i32
      %mul3A_717 = arith.muli %scan3A_653, %mul3A_716 : i32
      %add3A_718 = arith.constant 4 : i32
      %add3A_719 = arith.addi %mul3A_717, %add3A_718 : i32
      %add3A_720 = vector.broadcast %add3A_719 : i32 to vector<16xi32>
      %add3A_721 = arith.addi %iota3A, %add3A_720 : vector<16xi32>
      %and3A_722 = arith.constant 63 : i32
      %and3A_723 = vector.broadcast %and3A_722 : i32 to vector<16xi32>
      %and3A_724 = arith.andi %add3A_721, %and3A_723 : vector<16xi32>
      %gather3A_725 = tpu.vector_load_idx %arg6[%add3A_364, %and3A_724] : memref<128x64xf32, #tpu.memory_space<vmem>>[vector<16xi32>, vector<16xi32>], vector<16xf32>,
      %gather3A_726 = tpu.vector_load_idx %arg7[%add3A_364, %and3A_724] : memref<128x64xf32, #tpu.memory_space<vmem>>[vector<16xi32>, vector<16xi32>], vector<16xf32>,
      %gather3A_727 = tpu.vector_load_idx %arg8[%add3A_364, %and3A_724] : memref<128x64xf32, #tpu.memory_space<vmem>>[vector<16xi32>, vector<16xi32>], vector<16xf32>,
      %add3A_728 = arith.addf %gather3A_725, %gather3A_726 : vector<16xf32>
      %sub3A_729 = arith.subf %add3A_728, %gather3A_727 : vector<16xf32>
      %abs3A_730 = math.absf %sub3A_729 : vector<16xf32>
      %sub3A_731 = arith.subf %sub3A_715, %abs3A_730 : vector<16xf32>
      %mul3A_732 = arith.constant 8 : i32
      %mul3A_733 = arith.muli %scan3A_653, %mul3A_732 : i32
      %add3A_734 = arith.constant 5 : i32
      %add3A_735 = arith.addi %mul3A_733, %add3A_734 : i32
      %add3A_736 = vector.broadcast %add3A_735 : i32 to vector<16xi32>
      %add3A_737 = arith.addi %iota3A, %add3A_736 : vector<16xi32>
      %and3A_738 = arith.constant 63 : i32
      %and3A_739 = vector.broadcast %and3A_738 : i32 to vector<16xi32>
      %and3A_740 = arith.andi %add3A_737, %and3A_739 : vector<16xi32>
      %gather3A_741 = tpu.vector_load_idx %arg6[%add3A_364, %and3A_740] : memref<128x64xf32, #tpu.memory_space<vmem>>[vector<16xi32>, vector<16xi32>], vector<16xf32>,
      %gather3A_742 = tpu.vector_load_idx %arg7[%add3A_364, %and3A_740] : memref<128x64xf32, #tpu.memory_space<vmem>>[vector<16xi32>, vector<16xi32>], vector<16xf32>,
      %gather3A_743 = tpu.vector_load_idx %arg8[%add3A_364, %and3A_740] : memref<128x64xf32, #tpu.memory_space<vmem>>[vector<16xi32>, vector<16xi32>], vector<16xf32>,
      %add3A_744 = arith.addf %gather3A_741, %gather3A_742 : vector<16xf32>
      %sub3A_745 = arith.subf %add3A_744, %gather3A_743 : vector<16xf32>
      %abs3A_746 = math.absf %sub3A_745 : vector<16xf32>
      %sub3A_747 = arith.subf %sub3A_731, %abs3A_746 : vector<16xf32>
      %mul3A_748 = arith.constant 8 : i32
      %mul3A_749 = arith.muli %scan3A_653, %mul3A_748 : i32
      %add3A_750 = arith.constant 6 : i32
      %add3A_751 = arith.addi %mul3A_749, %add3A_750 : i32
      %add3A_752 = vector.broadcast %add3A_751 : i32 to vector<16xi32>
      %add3A_753 = arith.addi %iota3A, %add3A_752 : vector<16xi32>
      %and3A_754 = arith.constant 63 : i32
      %and3A_755 = vector.broadcast %and3A_754 : i32 to vector<16xi32>
      %and3A_756 = arith.andi %add3A_753, %and3A_755 : vector<16xi32>
      %gather3A_757 = tpu.vector_load_idx %arg6[%add3A_364, %and3A_756] : memref<128x64xf32, #tpu.memory_space<vmem>>[vector<16xi32>, vector<16xi32>], vector<16xf32>,
      %gather3A_758 = tpu.vector_load_idx %arg7[%add3A_364, %and3A_756] : memref<128x64xf32, #tpu.memory_space<vmem>>[vector<16xi32>, vector<16xi32>], vector<16xf32>,
      %gather3A_759 = tpu.vector_load_idx %arg8[%add3A_364, %and3A_756] : memref<128x64xf32, #tpu.memory_space<vmem>>[vector<16xi32>, vector<16xi32>], vector<16xf32>,
      %add3A_760 = arith.addf %gather3A_757, %gather3A_758 : vector<16xf32>
      %sub3A_761 = arith.subf %add3A_760, %gather3A_759 : vector<16xf32>
      %abs3A_762 = math.absf %sub3A_761 : vector<16xf32>
      %sub3A_763 = arith.subf %sub3A_747, %abs3A_762 : vector<16xf32>
      %mul3A_764 = arith.constant 8 : i32
      %mul3A_765 = arith.muli %scan3A_653, %mul3A_764 : i32
      %add3A_766 = arith.constant 7 : i32
      %add3A_767 = arith.addi %mul3A_765, %add3A_766 : i32
      %add3A_768 = vector.broadcast %add3A_767 : i32 to vector<16xi32>
      %add3A_769 = arith.addi %iota3A, %add3A_768 : vector<16xi32>
      %and3A_770 = arith.constant 63 : i32
      %and3A_771 = vector.broadcast %and3A_770 : i32 to vector<16xi32>
      %and3A_772 = arith.andi %add3A_769, %and3A_771 : vector<16xi32>
      %gather3A_773 = tpu.vector_load_idx %arg6[%add3A_364, %and3A_772] : memref<128x64xf32, #tpu.memory_space<vmem>>[vector<16xi32>, vector<16xi32>], vector<16xf32>,
      %gather3A_774 = tpu.vector_load_idx %arg7[%add3A_364, %and3A_772] : memref<128x64xf32, #tpu.memory_space<vmem>>[vector<16xi32>, vector<16xi32>], vector<16xf32>,
      %gather3A_775 = tpu.vector_load_idx %arg8[%add3A_364, %and3A_772] : memref<128x64xf32, #tpu.memory_space<vmem>>[vector<16xi32>, vector<16xi32>], vector<16xf32>,
      %add3A_776 = arith.addf %gather3A_773, %gather3A_774 : vector<16xf32>
      %sub3A_777 = arith.subf %add3A_776, %gather3A_775 : vector<16xf32>
      %abs3A_778 = math.absf %sub3A_777 : vector<16xf32>
      %sub3A_779 = arith.subf %sub3A_763, %abs3A_778 : vector<16xf32>
      scf.yield %sub3A_779 : vector<16xf32>
    }
    %scan3A_371 = arith.constant 8 : i32
    %swap3A = arith.constant 0 : index
    %swap3A_372 = tpu.vector_load %arg9[%swap3A] {strides = array<i32>} : memref<128xf32, #tpu.memory_space<vmem>>, vector<16xf32>,
    tpu.vector_store %arg9[%swap3A], %scan3A_370 {strides = array<i32>} : memref<128xf32, #tpu.memory_space<vmem>>, vector<16xf32>,
    %dma_wait3A_373 = arith.constant 1 : i32
    %dma_wait3A_374 = arith.constant 16 : i32
    %dma_wait3A_375 = arith.constant 0 : i32
    %dma_wait3A_376 = tpu.memref_slice %arg6[%dma_wait3A_374, %dma_wait3A_375] : memref<128x64xf32, #tpu.memory_space<vmem>> -> memref<16x64xf32, #tpu.memory_space<vmem>>
    %dma_wait3A_377 = arith.constant 0 : i32
    %dma_wait3A_378 = arith.constant 0 : i32
    %dma_wait3A_379 = tpu.memref_slice %arg3[%dma_wait3A_377, %dma_wait3A_378] : memref<2024x64xf32, #tpu.memory_space<hbm>> -> memref<2024x64xf32, #tpu.memory_space<hbm>>
    %dma_wait3A_380 = tpu.memref_slice %arg10[%dma_wait3A_373] : memref<8x!tpu.dma_semaphore, #tpu.memory_space<semaphore_mem>> -> memref<1x!tpu.dma_semaphore, #tpu.memory_space<semaphore_mem>>
    %dma_wait3A_381 = tpu.memref_squeeze %dma_wait3A_380 : memref<1x!tpu.dma_semaphore, #tpu.memory_space<semaphore_mem>> -> memref<!tpu.dma_semaphore, #tpu.memory_space<semaphore_mem>>
    tpu.wait_indirect_dma semaphore(%dma_wait3A_381 : memref<!tpu.dma_semaphore, #tpu.memory_space<semaphore_mem>>) src(%dma_wait3A_379 : memref<2024x64xf32, #tpu.memory_space<hbm>>) dst(%dma_wait3A_376 : memref<16x64xf32, #tpu.memory_space<vmem>>)
    %dma_wait3A_382 = arith.constant 1 : i32
    %dma_wait3A_383 = arith.constant 16 : i32
    %dma_wait3A_384 = arith.constant 0 : i32
    %dma_wait3A_385 = tpu.memref_slice %arg7[%dma_wait3A_383, %dma_wait3A_384] : memref<128x64xf32, #tpu.memory_space<vmem>> -> memref<16x64xf32, #tpu.memory_space<vmem>>
    %dma_wait3A_386 = arith.constant 0 : i32
    %dma_wait3A_387 = arith.constant 0 : i32
    %dma_wait3A_388 = tpu.memref_slice %arg3[%dma_wait3A_386, %dma_wait3A_387] : memref<2024x64xf32, #tpu.memory_space<hbm>> -> memref<2024x64xf32, #tpu.memory_space<hbm>>
    %dma_wait3A_389 = tpu.memref_slice %arg10[%dma_wait3A_382] : memref<8x!tpu.dma_semaphore, #tpu.memory_space<semaphore_mem>> -> memref<1x!tpu.dma_semaphore, #tpu.memory_space<semaphore_mem>>
    %dma_wait3A_390 = tpu.memref_squeeze %dma_wait3A_389 : memref<1x!tpu.dma_semaphore, #tpu.memory_space<semaphore_mem>> -> memref<!tpu.dma_semaphore, #tpu.memory_space<semaphore_mem>>
    tpu.wait_indirect_dma semaphore(%dma_wait3A_390 : memref<!tpu.dma_semaphore, #tpu.memory_space<semaphore_mem>>) src(%dma_wait3A_388 : memref<2024x64xf32, #tpu.memory_space<hbm>>) dst(%dma_wait3A_385 : memref<16x64xf32, #tpu.memory_space<vmem>>)
    %dma_wait3A_391 = arith.constant 1 : i32
    %dma_wait3A_392 = arith.constant 16 : i32
    %dma_wait3A_393 = arith.constant 0 : i32
    %dma_wait3A_394 = tpu.memref_slice %arg8[%dma_wait3A_392, %dma_wait3A_393] : memref<128x64xf32, #tpu.memory_space<vmem>> -> memref<16x64xf32, #tpu.memory_space<vmem>>
    %dma_wait3A_395 = arith.constant 0 : i32
    %dma_wait3A_396 = arith.constant 0 : i32
    %dma_wait3A_397 = tpu.memref_slice %arg3[%dma_wait3A_395, %dma_wait3A_396] : memref<2024x64xf32, #tpu.memory_space<hbm>> -> memref<2024x64xf32, #tpu.memory_space<hbm>>
    %dma_wait3A_398 = tpu.memref_slice %arg10[%dma_wait3A_391] : memref<8x!tpu.dma_semaphore, #tpu.memory_space<semaphore_mem>> -> memref<1x!tpu.dma_semaphore, #tpu.memory_space<semaphore_mem>>
    %dma_wait3A_399 = tpu.memref_squeeze %dma_wait3A_398 : memref<1x!tpu.dma_semaphore, #tpu.memory_space<semaphore_mem>> -> memref<!tpu.dma_semaphore, #tpu.memory_space<semaphore_mem>>
    tpu.wait_indirect_dma semaphore(%dma_wait3A_399 : memref<!tpu.dma_semaphore, #tpu.memory_space<semaphore_mem>>) src(%dma_wait3A_397 : memref<2024x64xf32, #tpu.memory_space<hbm>>) dst(%dma_wait3A_394 : memref<16x64xf32, #tpu.memory_space<vmem>>)
    %add3A_400 = arith.constant 16 : i32
    %add3A_401 = vector.broadcast %add3A_400 : i32 to vector<16xi32>
    %add3A_402 = arith.addi %add3A_401, %iota3A : vector<16xi32>
    %broadcast_in_dim3A_403 = arith.constant 1.200000e+01 : f32
    %broadcast_in_dim3A_404 = vector.broadcast %broadcast_in_dim3A_403 : f32 to vector<16xf32>
    %scan3A_405 = arith.constant 0 : i32
    %scan3A_406 = arith.constant 8 : i32
    %scan3A_407 = arith.addi %scan3A_405, %scan3A_406 : i32
    %scan3A_408 = arith.constant 1 : i32
    %scan3A_409 = scf.for %scan3A_653 = %scan3A_405 to %scan3A_407 step %scan3A_408 iter_args(%scan3A_654 = %broadcast_in_dim3A_404) -> (vector<16xf32>)  : i32 {
      %mul3A_655 = arith.constant 8 : i32
      %mul3A_656 = arith.muli %scan3A_653, %mul3A_655 : i32
      %add3A_657 = arith.constant 0 : i32
      %add3A_658 = arith.addi %mul3A_656, %add3A_657 : i32
      %add3A_659 = vector.broadcast %add3A_658 : i32 to vector<16xi32>
      %add3A_660 = arith.addi %iota3A, %add3A_659 : vector<16xi32>
      %and3A = arith.constant 63 : i32
      %and3A_661 = vector.broadcast %and3A : i32 to vector<16xi32>
      %and3A_662 = arith.andi %add3A_660, %and3A_661 : vector<16xi32>
      %gather3A_663 = tpu.vector_load_idx %arg6[%add3A_402, %and3A_662] : memref<128x64xf32, #tpu.memory_space<vmem>>[vector<16xi32>, vector<16xi32>], vector<16xf32>,
      %gather3A_664 = tpu.vector_load_idx %arg7[%add3A_402, %and3A_662] : memref<128x64xf32, #tpu.memory_space<vmem>>[vector<16xi32>, vector<16xi32>], vector<16xf32>,
      %gather3A_665 = tpu.vector_load_idx %arg8[%add3A_402, %and3A_662] : memref<128x64xf32, #tpu.memory_space<vmem>>[vector<16xi32>, vector<16xi32>], vector<16xf32>,
      %add3A_666 = arith.addf %gather3A_663, %gather3A_664 : vector<16xf32>
      %sub3A = arith.subf %add3A_666, %gather3A_665 : vector<16xf32>
      %abs3A = math.absf %sub3A : vector<16xf32>
      %sub3A_667 = arith.subf %scan3A_654, %abs3A : vector<16xf32>
      %mul3A_668 = arith.constant 8 : i32
      %mul3A_669 = arith.muli %scan3A_653, %mul3A_668 : i32
      %add3A_670 = arith.constant 1 : i32
      %add3A_671 = arith.addi %mul3A_669, %add3A_670 : i32
      %add3A_672 = vector.broadcast %add3A_671 : i32 to vector<16xi32>
      %add3A_673 = arith.addi %iota3A, %add3A_672 : vector<16xi32>
      %and3A_674 = arith.constant 63 : i32
      %and3A_675 = vector.broadcast %and3A_674 : i32 to vector<16xi32>
      %and3A_676 = arith.andi %add3A_673, %and3A_675 : vector<16xi32>
      %gather3A_677 = tpu.vector_load_idx %arg6[%add3A_402, %and3A_676] : memref<128x64xf32, #tpu.memory_space<vmem>>[vector<16xi32>, vector<16xi32>], vector<16xf32>,
      %gather3A_678 = tpu.vector_load_idx %arg7[%add3A_402, %and3A_676] : memref<128x64xf32, #tpu.memory_space<vmem>>[vector<16xi32>, vector<16xi32>], vector<16xf32>,
      %gather3A_679 = tpu.vector_load_idx %arg8[%add3A_402, %and3A_676] : memref<128x64xf32, #tpu.memory_space<vmem>>[vector<16xi32>, vector<16xi32>], vector<16xf32>,
      %add3A_680 = arith.addf %gather3A_677, %gather3A_678 : vector<16xf32>
      %sub3A_681 = arith.subf %add3A_680, %gather3A_679 : vector<16xf32>
      %abs3A_682 = math.absf %sub3A_681 : vector<16xf32>
      %sub3A_683 = arith.subf %sub3A_667, %abs3A_682 : vector<16xf32>
      %mul3A_684 = arith.constant 8 : i32
      %mul3A_685 = arith.muli %scan3A_653, %mul3A_684 : i32
      %add3A_686 = arith.constant 2 : i32
      %add3A_687 = arith.addi %mul3A_685, %add3A_686 : i32
      %add3A_688 = vector.broadcast %add3A_687 : i32 to vector<16xi32>
      %add3A_689 = arith.addi %iota3A, %add3A_688 : vector<16xi32>
      %and3A_690 = arith.constant 63 : i32
      %and3A_691 = vector.broadcast %and3A_690 : i32 to vector<16xi32>
      %and3A_692 = arith.andi %add3A_689, %and3A_691 : vector<16xi32>
      %gather3A_693 = tpu.vector_load_idx %arg6[%add3A_402, %and3A_692] : memref<128x64xf32, #tpu.memory_space<vmem>>[vector<16xi32>, vector<16xi32>], vector<16xf32>,
      %gather3A_694 = tpu.vector_load_idx %arg7[%add3A_402, %and3A_692] : memref<128x64xf32, #tpu.memory_space<vmem>>[vector<16xi32>, vector<16xi32>], vector<16xf32>,
      %gather3A_695 = tpu.vector_load_idx %arg8[%add3A_402, %and3A_692] : memref<128x64xf32, #tpu.memory_space<vmem>>[vector<16xi32>, vector<16xi32>], vector<16xf32>,
      %add3A_696 = arith.addf %gather3A_693, %gather3A_694 : vector<16xf32>
      %sub3A_697 = arith.subf %add3A_696, %gather3A_695 : vector<16xf32>
      %abs3A_698 = math.absf %sub3A_697 : vector<16xf32>
      %sub3A_699 = arith.subf %sub3A_683, %abs3A_698 : vector<16xf32>
      %mul3A_700 = arith.constant 8 : i32
      %mul3A_701 = arith.muli %scan3A_653, %mul3A_700 : i32
      %add3A_702 = arith.constant 3 : i32
      %add3A_703 = arith.addi %mul3A_701, %add3A_702 : i32
      %add3A_704 = vector.broadcast %add3A_703 : i32 to vector<16xi32>
      %add3A_705 = arith.addi %iota3A, %add3A_704 : vector<16xi32>
      %and3A_706 = arith.constant 63 : i32
      %and3A_707 = vector.broadcast %and3A_706 : i32 to vector<16xi32>
      %and3A_708 = arith.andi %add3A_705, %and3A_707 : vector<16xi32>
      %gather3A_709 = tpu.vector_load_idx %arg6[%add3A_402, %and3A_708] : memref<128x64xf32, #tpu.memory_space<vmem>>[vector<16xi32>, vector<16xi32>], vector<16xf32>,
      %gather3A_710 = tpu.vector_load_idx %arg7[%add3A_402, %and3A_708] : memref<128x64xf32, #tpu.memory_space<vmem>>[vector<16xi32>, vector<16xi32>], vector<16xf32>,
      %gather3A_711 = tpu.vector_load_idx %arg8[%add3A_402, %and3A_708] : memref<128x64xf32, #tpu.memory_space<vmem>>[vector<16xi32>, vector<16xi32>], vector<16xf32>,
      %add3A_712 = arith.addf %gather3A_709, %gather3A_710 : vector<16xf32>
      %sub3A_713 = arith.subf %add3A_712, %gather3A_711 : vector<16xf32>
      %abs3A_714 = math.absf %sub3A_713 : vector<16xf32>
      %sub3A_715 = arith.subf %sub3A_699, %abs3A_714 : vector<16xf32>
      %mul3A_716 = arith.constant 8 : i32
      %mul3A_717 = arith.muli %scan3A_653, %mul3A_716 : i32
      %add3A_718 = arith.constant 4 : i32
      %add3A_719 = arith.addi %mul3A_717, %add3A_718 : i32
      %add3A_720 = vector.broadcast %add3A_719 : i32 to vector<16xi32>
      %add3A_721 = arith.addi %iota3A, %add3A_720 : vector<16xi32>
      %and3A_722 = arith.constant 63 : i32
      %and3A_723 = vector.broadcast %and3A_722 : i32 to vector<16xi32>
      %and3A_724 = arith.andi %add3A_721, %and3A_723 : vector<16xi32>
      %gather3A_725 = tpu.vector_load_idx %arg6[%add3A_402, %and3A_724] : memref<128x64xf32, #tpu.memory_space<vmem>>[vector<16xi32>, vector<16xi32>], vector<16xf32>,
      %gather3A_726 = tpu.vector_load_idx %arg7[%add3A_402, %and3A_724] : memref<128x64xf32, #tpu.memory_space<vmem>>[vector<16xi32>, vector<16xi32>], vector<16xf32>,
      %gather3A_727 = tpu.vector_load_idx %arg8[%add3A_402, %and3A_724] : memref<128x64xf32, #tpu.memory_space<vmem>>[vector<16xi32>, vector<16xi32>], vector<16xf32>,
      %add3A_728 = arith.addf %gather3A_725, %gather3A_726 : vector<16xf32>
      %sub3A_729 = arith.subf %add3A_728, %gather3A_727 : vector<16xf32>
      %abs3A_730 = math.absf %sub3A_729 : vector<16xf32>
      %sub3A_731 = arith.subf %sub3A_715, %abs3A_730 : vector<16xf32>
      %mul3A_732 = arith.constant 8 : i32
      %mul3A_733 = arith.muli %scan3A_653, %mul3A_732 : i32
      %add3A_734 = arith.constant 5 : i32
      %add3A_735 = arith.addi %mul3A_733, %add3A_734 : i32
      %add3A_736 = vector.broadcast %add3A_735 : i32 to vector<16xi32>
      %add3A_737 = arith.addi %iota3A, %add3A_736 : vector<16xi32>
      %and3A_738 = arith.constant 63 : i32
      %and3A_739 = vector.broadcast %and3A_738 : i32 to vector<16xi32>
      %and3A_740 = arith.andi %add3A_737, %and3A_739 : vector<16xi32>
      %gather3A_741 = tpu.vector_load_idx %arg6[%add3A_402, %and3A_740] : memref<128x64xf32, #tpu.memory_space<vmem>>[vector<16xi32>, vector<16xi32>], vector<16xf32>,
      %gather3A_742 = tpu.vector_load_idx %arg7[%add3A_402, %and3A_740] : memref<128x64xf32, #tpu.memory_space<vmem>>[vector<16xi32>, vector<16xi32>], vector<16xf32>,
      %gather3A_743 = tpu.vector_load_idx %arg8[%add3A_402, %and3A_740] : memref<128x64xf32, #tpu.memory_space<vmem>>[vector<16xi32>, vector<16xi32>], vector<16xf32>,
      %add3A_744 = arith.addf %gather3A_741, %gather3A_742 : vector<16xf32>
      %sub3A_745 = arith.subf %add3A_744, %gather3A_743 : vector<16xf32>
      %abs3A_746 = math.absf %sub3A_745 : vector<16xf32>
      %sub3A_747 = arith.subf %sub3A_731, %abs3A_746 : vector<16xf32>
      %mul3A_748 = arith.constant 8 : i32
      %mul3A_749 = arith.muli %scan3A_653, %mul3A_748 : i32
      %add3A_750 = arith.constant 6 : i32
      %add3A_751 = arith.addi %mul3A_749, %add3A_750 : i32
      %add3A_752 = vector.broadcast %add3A_751 : i32 to vector<16xi32>
      %add3A_753 = arith.addi %iota3A, %add3A_752 : vector<16xi32>
      %and3A_754 = arith.constant 63 : i32
      %and3A_755 = vector.broadcast %and3A_754 : i32 to vector<16xi32>
      %and3A_756 = arith.andi %add3A_753, %and3A_755 : vector<16xi32>
      %gather3A_757 = tpu.vector_load_idx %arg6[%add3A_402, %and3A_756] : memref<128x64xf32, #tpu.memory_space<vmem>>[vector<16xi32>, vector<16xi32>], vector<16xf32>,
      %gather3A_758 = tpu.vector_load_idx %arg7[%add3A_402, %and3A_756] : memref<128x64xf32, #tpu.memory_space<vmem>>[vector<16xi32>, vector<16xi32>], vector<16xf32>,
      %gather3A_759 = tpu.vector_load_idx %arg8[%add3A_402, %and3A_756] : memref<128x64xf32, #tpu.memory_space<vmem>>[vector<16xi32>, vector<16xi32>], vector<16xf32>,
      %add3A_760 = arith.addf %gather3A_757, %gather3A_758 : vector<16xf32>
      %sub3A_761 = arith.subf %add3A_760, %gather3A_759 : vector<16xf32>
      %abs3A_762 = math.absf %sub3A_761 : vector<16xf32>
      %sub3A_763 = arith.subf %sub3A_747, %abs3A_762 : vector<16xf32>
      %mul3A_764 = arith.constant 8 : i32
      %mul3A_765 = arith.muli %scan3A_653, %mul3A_764 : i32
      %add3A_766 = arith.constant 7 : i32
      %add3A_767 = arith.addi %mul3A_765, %add3A_766 : i32
      %add3A_768 = vector.broadcast %add3A_767 : i32 to vector<16xi32>
      %add3A_769 = arith.addi %iota3A, %add3A_768 : vector<16xi32>
      %and3A_770 = arith.constant 63 : i32
      %and3A_771 = vector.broadcast %and3A_770 : i32 to vector<16xi32>
      %and3A_772 = arith.andi %add3A_769, %and3A_771 : vector<16xi32>
      %gather3A_773 = tpu.vector_load_idx %arg6[%add3A_402, %and3A_772] : memref<128x64xf32, #tpu.memory_space<vmem>>[vector<16xi32>, vector<16xi32>], vector<16xf32>,
      %gather3A_774 = tpu.vector_load_idx %arg7[%add3A_402, %and3A_772] : memref<128x64xf32, #tpu.memory_space<vmem>>[vector<16xi32>, vector<16xi32>], vector<16xf32>,
      %gather3A_775 = tpu.vector_load_idx %arg8[%add3A_402, %and3A_772] : memref<128x64xf32, #tpu.memory_space<vmem>>[vector<16xi32>, vector<16xi32>], vector<16xf32>,
      %add3A_776 = arith.addf %gather3A_773, %gather3A_774 : vector<16xf32>
      %sub3A_777 = arith.subf %add3A_776, %gather3A_775 : vector<16xf32>
      %abs3A_778 = math.absf %sub3A_777 : vector<16xf32>
      %sub3A_779 = arith.subf %sub3A_763, %abs3A_778 : vector<16xf32>
      scf.yield %sub3A_779 : vector<16xf32>
    }
    %scan3A_410 = arith.constant 8 : i32
    %swap3A_411 = arith.constant 16 : index
    %swap3A_412 = tpu.vector_load %arg9[%swap3A_411] {strides = array<i32>} : memref<128xf32, #tpu.memory_space<vmem>>, vector<16xf32>,
    tpu.vector_store %arg9[%swap3A_411], %scan3A_409 {strides = array<i32>} : memref<128xf32, #tpu.memory_space<vmem>>, vector<16xf32>,
    %dma_wait3A_413 = arith.constant 2 : i32
    %dma_wait3A_414 = arith.constant 32 : i32
    %dma_wait3A_415 = arith.constant 0 : i32
    %dma_wait3A_416 = tpu.memref_slice %arg6[%dma_wait3A_414, %dma_wait3A_415] : memref<128x64xf32, #tpu.memory_space<vmem>> -> memref<16x64xf32, #tpu.memory_space<vmem>>
    %dma_wait3A_417 = arith.constant 0 : i32
    %dma_wait3A_418 = arith.constant 0 : i32
    %dma_wait3A_419 = tpu.memref_slice %arg3[%dma_wait3A_417, %dma_wait3A_418] : memref<2024x64xf32, #tpu.memory_space<hbm>> -> memref<2024x64xf32, #tpu.memory_space<hbm>>
    %dma_wait3A_420 = tpu.memref_slice %arg10[%dma_wait3A_413] : memref<8x!tpu.dma_semaphore, #tpu.memory_space<semaphore_mem>> -> memref<1x!tpu.dma_semaphore, #tpu.memory_space<semaphore_mem>>
    %dma_wait3A_421 = tpu.memref_squeeze %dma_wait3A_420 : memref<1x!tpu.dma_semaphore, #tpu.memory_space<semaphore_mem>> -> memref<!tpu.dma_semaphore, #tpu.memory_space<semaphore_mem>>
    tpu.wait_indirect_dma semaphore(%dma_wait3A_421 : memref<!tpu.dma_semaphore, #tpu.memory_space<semaphore_mem>>) src(%dma_wait3A_419 : memref<2024x64xf32, #tpu.memory_space<hbm>>) dst(%dma_wait3A_416 : memref<16x64xf32, #tpu.memory_space<vmem>>)
    %dma_wait3A_422 = arith.constant 2 : i32
    %dma_wait3A_423 = arith.constant 32 : i32
    %dma_wait3A_424 = arith.constant 0 : i32
    %dma_wait3A_425 = tpu.memref_slice %arg7[%dma_wait3A_423, %dma_wait3A_424] : memref<128x64xf32, #tpu.memory_space<vmem>> -> memref<16x64xf32, #tpu.memory_space<vmem>>
    %dma_wait3A_426 = arith.constant 0 : i32
    %dma_wait3A_427 = arith.constant 0 : i32
    %dma_wait3A_428 = tpu.memref_slice %arg3[%dma_wait3A_426, %dma_wait3A_427] : memref<2024x64xf32, #tpu.memory_space<hbm>> -> memref<2024x64xf32, #tpu.memory_space<hbm>>
    %dma_wait3A_429 = tpu.memref_slice %arg10[%dma_wait3A_422] : memref<8x!tpu.dma_semaphore, #tpu.memory_space<semaphore_mem>> -> memref<1x!tpu.dma_semaphore, #tpu.memory_space<semaphore_mem>>
    %dma_wait3A_430 = tpu.memref_squeeze %dma_wait3A_429 : memref<1x!tpu.dma_semaphore, #tpu.memory_space<semaphore_mem>> -> memref<!tpu.dma_semaphore, #tpu.memory_space<semaphore_mem>>
    tpu.wait_indirect_dma semaphore(%dma_wait3A_430 : memref<!tpu.dma_semaphore, #tpu.memory_space<semaphore_mem>>) src(%dma_wait3A_428 : memref<2024x64xf32, #tpu.memory_space<hbm>>) dst(%dma_wait3A_425 : memref<16x64xf32, #tpu.memory_space<vmem>>)
    %dma_wait3A_431 = arith.constant 2 : i32
    %dma_wait3A_432 = arith.constant 32 : i32
    %dma_wait3A_433 = arith.constant 0 : i32
    %dma_wait3A_434 = tpu.memref_slice %arg8[%dma_wait3A_432, %dma_wait3A_433] : memref<128x64xf32, #tpu.memory_space<vmem>> -> memref<16x64xf32, #tpu.memory_space<vmem>>
    %dma_wait3A_435 = arith.constant 0 : i32
    %dma_wait3A_436 = arith.constant 0 : i32
    %dma_wait3A_437 = tpu.memref_slice %arg3[%dma_wait3A_435, %dma_wait3A_436] : memref<2024x64xf32, #tpu.memory_space<hbm>> -> memref<2024x64xf32, #tpu.memory_space<hbm>>
    %dma_wait3A_438 = tpu.memref_slice %arg10[%dma_wait3A_431] : memref<8x!tpu.dma_semaphore, #tpu.memory_space<semaphore_mem>> -> memref<1x!tpu.dma_semaphore, #tpu.memory_space<semaphore_mem>>
    %dma_wait3A_439 = tpu.memref_squeeze %dma_wait3A_438 : memref<1x!tpu.dma_semaphore, #tpu.memory_space<semaphore_mem>> -> memref<!tpu.dma_semaphore, #tpu.memory_space<semaphore_mem>>
    tpu.wait_indirect_dma semaphore(%dma_wait3A_439 : memref<!tpu.dma_semaphore, #tpu.memory_space<semaphore_mem>>) src(%dma_wait3A_437 : memref<2024x64xf32, #tpu.memory_space<hbm>>) dst(%dma_wait3A_434 : memref<16x64xf32, #tpu.memory_space<vmem>>)
    %add3A_440 = arith.constant 32 : i32
    %add3A_441 = vector.broadcast %add3A_440 : i32 to vector<16xi32>
    %add3A_442 = arith.addi %add3A_441, %iota3A : vector<16xi32>
    %broadcast_in_dim3A_443 = arith.constant 1.200000e+01 : f32
    %broadcast_in_dim3A_444 = vector.broadcast %broadcast_in_dim3A_443 : f32 to vector<16xf32>
    %scan3A_445 = arith.constant 0 : i32
    %scan3A_446 = arith.constant 8 : i32
    %scan3A_447 = arith.addi %scan3A_445, %scan3A_446 : i32
    %scan3A_448 = arith.constant 1 : i32
    %scan3A_449 = scf.for %scan3A_653 = %scan3A_445 to %scan3A_447 step %scan3A_448 iter_args(%scan3A_654 = %broadcast_in_dim3A_444) -> (vector<16xf32>)  : i32 {
      %mul3A_655 = arith.constant 8 : i32
      %mul3A_656 = arith.muli %scan3A_653, %mul3A_655 : i32
      %add3A_657 = arith.constant 0 : i32
      %add3A_658 = arith.addi %mul3A_656, %add3A_657 : i32
      %add3A_659 = vector.broadcast %add3A_658 : i32 to vector<16xi32>
      %add3A_660 = arith.addi %iota3A, %add3A_659 : vector<16xi32>
      %and3A = arith.constant 63 : i32
      %and3A_661 = vector.broadcast %and3A : i32 to vector<16xi32>
      %and3A_662 = arith.andi %add3A_660, %and3A_661 : vector<16xi32>
      %gather3A_663 = tpu.vector_load_idx %arg6[%add3A_442, %and3A_662] : memref<128x64xf32, #tpu.memory_space<vmem>>[vector<16xi32>, vector<16xi32>], vector<16xf32>,
      %gather3A_664 = tpu.vector_load_idx %arg7[%add3A_442, %and3A_662] : memref<128x64xf32, #tpu.memory_space<vmem>>[vector<16xi32>, vector<16xi32>], vector<16xf32>,
      %gather3A_665 = tpu.vector_load_idx %arg8[%add3A_442, %and3A_662] : memref<128x64xf32, #tpu.memory_space<vmem>>[vector<16xi32>, vector<16xi32>], vector<16xf32>,
      %add3A_666 = arith.addf %gather3A_663, %gather3A_664 : vector<16xf32>
      %sub3A = arith.subf %add3A_666, %gather3A_665 : vector<16xf32>
      %abs3A = math.absf %sub3A : vector<16xf32>
      %sub3A_667 = arith.subf %scan3A_654, %abs3A : vector<16xf32>
      %mul3A_668 = arith.constant 8 : i32
      %mul3A_669 = arith.muli %scan3A_653, %mul3A_668 : i32
      %add3A_670 = arith.constant 1 : i32
      %add3A_671 = arith.addi %mul3A_669, %add3A_670 : i32
      %add3A_672 = vector.broadcast %add3A_671 : i32 to vector<16xi32>
      %add3A_673 = arith.addi %iota3A, %add3A_672 : vector<16xi32>
      %and3A_674 = arith.constant 63 : i32
      %and3A_675 = vector.broadcast %and3A_674 : i32 to vector<16xi32>
      %and3A_676 = arith.andi %add3A_673, %and3A_675 : vector<16xi32>
      %gather3A_677 = tpu.vector_load_idx %arg6[%add3A_442, %and3A_676] : memref<128x64xf32, #tpu.memory_space<vmem>>[vector<16xi32>, vector<16xi32>], vector<16xf32>,
      %gather3A_678 = tpu.vector_load_idx %arg7[%add3A_442, %and3A_676] : memref<128x64xf32, #tpu.memory_space<vmem>>[vector<16xi32>, vector<16xi32>], vector<16xf32>,
      %gather3A_679 = tpu.vector_load_idx %arg8[%add3A_442, %and3A_676] : memref<128x64xf32, #tpu.memory_space<vmem>>[vector<16xi32>, vector<16xi32>], vector<16xf32>,
      %add3A_680 = arith.addf %gather3A_677, %gather3A_678 : vector<16xf32>
      %sub3A_681 = arith.subf %add3A_680, %gather3A_679 : vector<16xf32>
      %abs3A_682 = math.absf %sub3A_681 : vector<16xf32>
      %sub3A_683 = arith.subf %sub3A_667, %abs3A_682 : vector<16xf32>
      %mul3A_684 = arith.constant 8 : i32
      %mul3A_685 = arith.muli %scan3A_653, %mul3A_684 : i32
      %add3A_686 = arith.constant 2 : i32
      %add3A_687 = arith.addi %mul3A_685, %add3A_686 : i32
      %add3A_688 = vector.broadcast %add3A_687 : i32 to vector<16xi32>
      %add3A_689 = arith.addi %iota3A, %add3A_688 : vector<16xi32>
      %and3A_690 = arith.constant 63 : i32
      %and3A_691 = vector.broadcast %and3A_690 : i32 to vector<16xi32>
      %and3A_692 = arith.andi %add3A_689, %and3A_691 : vector<16xi32>
      %gather3A_693 = tpu.vector_load_idx %arg6[%add3A_442, %and3A_692] : memref<128x64xf32, #tpu.memory_space<vmem>>[vector<16xi32>, vector<16xi32>], vector<16xf32>,
      %gather3A_694 = tpu.vector_load_idx %arg7[%add3A_442, %and3A_692] : memref<128x64xf32, #tpu.memory_space<vmem>>[vector<16xi32>, vector<16xi32>], vector<16xf32>,
      %gather3A_695 = tpu.vector_load_idx %arg8[%add3A_442, %and3A_692] : memref<128x64xf32, #tpu.memory_space<vmem>>[vector<16xi32>, vector<16xi32>], vector<16xf32>,
      %add3A_696 = arith.addf %gather3A_693, %gather3A_694 : vector<16xf32>
      %sub3A_697 = arith.subf %add3A_696, %gather3A_695 : vector<16xf32>
      %abs3A_698 = math.absf %sub3A_697 : vector<16xf32>
      %sub3A_699 = arith.subf %sub3A_683, %abs3A_698 : vector<16xf32>
      %mul3A_700 = arith.constant 8 : i32
      %mul3A_701 = arith.muli %scan3A_653, %mul3A_700 : i32
      %add3A_702 = arith.constant 3 : i32
      %add3A_703 = arith.addi %mul3A_701, %add3A_702 : i32
      %add3A_704 = vector.broadcast %add3A_703 : i32 to vector<16xi32>
      %add3A_705 = arith.addi %iota3A, %add3A_704 : vector<16xi32>
      %and3A_706 = arith.constant 63 : i32
      %and3A_707 = vector.broadcast %and3A_706 : i32 to vector<16xi32>
      %and3A_708 = arith.andi %add3A_705, %and3A_707 : vector<16xi32>
      %gather3A_709 = tpu.vector_load_idx %arg6[%add3A_442, %and3A_708] : memref<128x64xf32, #tpu.memory_space<vmem>>[vector<16xi32>, vector<16xi32>], vector<16xf32>,
      %gather3A_710 = tpu.vector_load_idx %arg7[%add3A_442, %and3A_708] : memref<128x64xf32, #tpu.memory_space<vmem>>[vector<16xi32>, vector<16xi32>], vector<16xf32>,
      %gather3A_711 = tpu.vector_load_idx %arg8[%add3A_442, %and3A_708] : memref<128x64xf32, #tpu.memory_space<vmem>>[vector<16xi32>, vector<16xi32>], vector<16xf32>,
      %add3A_712 = arith.addf %gather3A_709, %gather3A_710 : vector<16xf32>
      %sub3A_713 = arith.subf %add3A_712, %gather3A_711 : vector<16xf32>
      %abs3A_714 = math.absf %sub3A_713 : vector<16xf32>
      %sub3A_715 = arith.subf %sub3A_699, %abs3A_714 : vector<16xf32>
      %mul3A_716 = arith.constant 8 : i32
      %mul3A_717 = arith.muli %scan3A_653, %mul3A_716 : i32
      %add3A_718 = arith.constant 4 : i32
      %add3A_719 = arith.addi %mul3A_717, %add3A_718 : i32
      %add3A_720 = vector.broadcast %add3A_719 : i32 to vector<16xi32>
      %add3A_721 = arith.addi %iota3A, %add3A_720 : vector<16xi32>
      %and3A_722 = arith.constant 63 : i32
      %and3A_723 = vector.broadcast %and3A_722 : i32 to vector<16xi32>
      %and3A_724 = arith.andi %add3A_721, %and3A_723 : vector<16xi32>
      %gather3A_725 = tpu.vector_load_idx %arg6[%add3A_442, %and3A_724] : memref<128x64xf32, #tpu.memory_space<vmem>>[vector<16xi32>, vector<16xi32>], vector<16xf32>,
      %gather3A_726 = tpu.vector_load_idx %arg7[%add3A_442, %and3A_724] : memref<128x64xf32, #tpu.memory_space<vmem>>[vector<16xi32>, vector<16xi32>], vector<16xf32>,
      %gather3A_727 = tpu.vector_load_idx %arg8[%add3A_442, %and3A_724] : memref<128x64xf32, #tpu.memory_space<vmem>>[vector<16xi32>, vector<16xi32>], vector<16xf32>,
      %add3A_728 = arith.addf %gather3A_725, %gather3A_726 : vector<16xf32>
      %sub3A_729 = arith.subf %add3A_728, %gather3A_727 : vector<16xf32>
      %abs3A_730 = math.absf %sub3A_729 : vector<16xf32>
      %sub3A_731 = arith.subf %sub3A_715, %abs3A_730 : vector<16xf32>
      %mul3A_732 = arith.constant 8 : i32
      %mul3A_733 = arith.muli %scan3A_653, %mul3A_732 : i32
      %add3A_734 = arith.constant 5 : i32
      %add3A_735 = arith.addi %mul3A_733, %add3A_734 : i32
      %add3A_736 = vector.broadcast %add3A_735 : i32 to vector<16xi32>
      %add3A_737 = arith.addi %iota3A, %add3A_736 : vector<16xi32>
      %and3A_738 = arith.constant 63 : i32
      %and3A_739 = vector.broadcast %and3A_738 : i32 to vector<16xi32>
      %and3A_740 = arith.andi %add3A_737, %and3A_739 : vector<16xi32>
      %gather3A_741 = tpu.vector_load_idx %arg6[%add3A_442, %and3A_740] : memref<128x64xf32, #tpu.memory_space<vmem>>[vector<16xi32>, vector<16xi32>], vector<16xf32>,
      %gather3A_742 = tpu.vector_load_idx %arg7[%add3A_442, %and3A_740] : memref<128x64xf32, #tpu.memory_space<vmem>>[vector<16xi32>, vector<16xi32>], vector<16xf32>,
      %gather3A_743 = tpu.vector_load_idx %arg8[%add3A_442, %and3A_740] : memref<128x64xf32, #tpu.memory_space<vmem>>[vector<16xi32>, vector<16xi32>], vector<16xf32>,
      %add3A_744 = arith.addf %gather3A_741, %gather3A_742 : vector<16xf32>
      %sub3A_745 = arith.subf %add3A_744, %gather3A_743 : vector<16xf32>
      %abs3A_746 = math.absf %sub3A_745 : vector<16xf32>
      %sub3A_747 = arith.subf %sub3A_731, %abs3A_746 : vector<16xf32>
      %mul3A_748 = arith.constant 8 : i32
      %mul3A_749 = arith.muli %scan3A_653, %mul3A_748 : i32
      %add3A_750 = arith.constant 6 : i32
      %add3A_751 = arith.addi %mul3A_749, %add3A_750 : i32
      %add3A_752 = vector.broadcast %add3A_751 : i32 to vector<16xi32>
      %add3A_753 = arith.addi %iota3A, %add3A_752 : vector<16xi32>
      %and3A_754 = arith.constant 63 : i32
      %and3A_755 = vector.broadcast %and3A_754 : i32 to vector<16xi32>
      %and3A_756 = arith.andi %add3A_753, %and3A_755 : vector<16xi32>
      %gather3A_757 = tpu.vector_load_idx %arg6[%add3A_442, %and3A_756] : memref<128x64xf32, #tpu.memory_space<vmem>>[vector<16xi32>, vector<16xi32>], vector<16xf32>,
      %gather3A_758 = tpu.vector_load_idx %arg7[%add3A_442, %and3A_756] : memref<128x64xf32, #tpu.memory_space<vmem>>[vector<16xi32>, vector<16xi32>], vector<16xf32>,
      %gather3A_759 = tpu.vector_load_idx %arg8[%add3A_442, %and3A_756] : memref<128x64xf32, #tpu.memory_space<vmem>>[vector<16xi32>, vector<16xi32>], vector<16xf32>,
      %add3A_760 = arith.addf %gather3A_757, %gather3A_758 : vector<16xf32>
      %sub3A_761 = arith.subf %add3A_760, %gather3A_759 : vector<16xf32>
      %abs3A_762 = math.absf %sub3A_761 : vector<16xf32>
      %sub3A_763 = arith.subf %sub3A_747, %abs3A_762 : vector<16xf32>
      %mul3A_764 = arith.constant 8 : i32
      %mul3A_765 = arith.muli %scan3A_653, %mul3A_764 : i32
      %add3A_766 = arith.constant 7 : i32
      %add3A_767 = arith.addi %mul3A_765, %add3A_766 : i32
      %add3A_768 = vector.broadcast %add3A_767 : i32 to vector<16xi32>
      %add3A_769 = arith.addi %iota3A, %add3A_768 : vector<16xi32>
      %and3A_770 = arith.constant 63 : i32
      %and3A_771 = vector.broadcast %and3A_770 : i32 to vector<16xi32>
      %and3A_772 = arith.andi %add3A_769, %and3A_771 : vector<16xi32>
      %gather3A_773 = tpu.vector_load_idx %arg6[%add3A_442, %and3A_772] : memref<128x64xf32, #tpu.memory_space<vmem>>[vector<16xi32>, vector<16xi32>], vector<16xf32>,
      %gather3A_774 = tpu.vector_load_idx %arg7[%add3A_442, %and3A_772] : memref<128x64xf32, #tpu.memory_space<vmem>>[vector<16xi32>, vector<16xi32>], vector<16xf32>,
      %gather3A_775 = tpu.vector_load_idx %arg8[%add3A_442, %and3A_772] : memref<128x64xf32, #tpu.memory_space<vmem>>[vector<16xi32>, vector<16xi32>], vector<16xf32>,
      %add3A_776 = arith.addf %gather3A_773, %gather3A_774 : vector<16xf32>
      %sub3A_777 = arith.subf %add3A_776, %gather3A_775 : vector<16xf32>
      %abs3A_778 = math.absf %sub3A_777 : vector<16xf32>
      %sub3A_779 = arith.subf %sub3A_763, %abs3A_778 : vector<16xf32>
      scf.yield %sub3A_779 : vector<16xf32>
    }
    %scan3A_450 = arith.constant 8 : i32
    %swap3A_451 = arith.constant 32 : index
    %swap3A_452 = tpu.vector_load %arg9[%swap3A_451] {strides = array<i32>} : memref<128xf32, #tpu.memory_space<vmem>>, vector<16xf32>,
    tpu.vector_store %arg9[%swap3A_451], %scan3A_449 {strides = array<i32>} : memref<128xf32, #tpu.memory_space<vmem>>, vector<16xf32>,
    %dma_wait3A_453 = arith.constant 3 : i32
    %dma_wait3A_454 = arith.constant 48 : i32
    %dma_wait3A_455 = arith.constant 0 : i32
    %dma_wait3A_456 = tpu.memref_slice %arg6[%dma_wait3A_454, %dma_wait3A_455] : memref<128x64xf32, #tpu.memory_space<vmem>> -> memref<16x64xf32, #tpu.memory_space<vmem>>
    %dma_wait3A_457 = arith.constant 0 : i32
    %dma_wait3A_458 = arith.constant 0 : i32
    %dma_wait3A_459 = tpu.memref_slice %arg3[%dma_wait3A_457, %dma_wait3A_458] : memref<2024x64xf32, #tpu.memory_space<hbm>> -> memref<2024x64xf32, #tpu.memory_space<hbm>>
    %dma_wait3A_460 = tpu.memref_slice %arg10[%dma_wait3A_453] : memref<8x!tpu.dma_semaphore, #tpu.memory_space<semaphore_mem>> -> memref<1x!tpu.dma_semaphore, #tpu.memory_space<semaphore_mem>>
    %dma_wait3A_461 = tpu.memref_squeeze %dma_wait3A_460 : memref<1x!tpu.dma_semaphore, #tpu.memory_space<semaphore_mem>> -> memref<!tpu.dma_semaphore, #tpu.memory_space<semaphore_mem>>
    tpu.wait_indirect_dma semaphore(%dma_wait3A_461 : memref<!tpu.dma_semaphore, #tpu.memory_space<semaphore_mem>>) src(%dma_wait3A_459 : memref<2024x64xf32, #tpu.memory_space<hbm>>) dst(%dma_wait3A_456 : memref<16x64xf32, #tpu.memory_space<vmem>>)
    %dma_wait3A_462 = arith.constant 3 : i32
    %dma_wait3A_463 = arith.constant 48 : i32
    %dma_wait3A_464 = arith.constant 0 : i32
    %dma_wait3A_465 = tpu.memref_slice %arg7[%dma_wait3A_463, %dma_wait3A_464] : memref<128x64xf32, #tpu.memory_space<vmem>> -> memref<16x64xf32, #tpu.memory_space<vmem>>
    %dma_wait3A_466 = arith.constant 0 : i32
    %dma_wait3A_467 = arith.constant 0 : i32
    %dma_wait3A_468 = tpu.memref_slice %arg3[%dma_wait3A_466, %dma_wait3A_467] : memref<2024x64xf32, #tpu.memory_space<hbm>> -> memref<2024x64xf32, #tpu.memory_space<hbm>>
    %dma_wait3A_469 = tpu.memref_slice %arg10[%dma_wait3A_462] : memref<8x!tpu.dma_semaphore, #tpu.memory_space<semaphore_mem>> -> memref<1x!tpu.dma_semaphore, #tpu.memory_space<semaphore_mem>>
    %dma_wait3A_470 = tpu.memref_squeeze %dma_wait3A_469 : memref<1x!tpu.dma_semaphore, #tpu.memory_space<semaphore_mem>> -> memref<!tpu.dma_semaphore, #tpu.memory_space<semaphore_mem>>
    tpu.wait_indirect_dma semaphore(%dma_wait3A_470 : memref<!tpu.dma_semaphore, #tpu.memory_space<semaphore_mem>>) src(%dma_wait3A_468 : memref<2024x64xf32, #tpu.memory_space<hbm>>) dst(%dma_wait3A_465 : memref<16x64xf32, #tpu.memory_space<vmem>>)
    %dma_wait3A_471 = arith.constant 3 : i32
    %dma_wait3A_472 = arith.constant 48 : i32
    %dma_wait3A_473 = arith.constant 0 : i32
    %dma_wait3A_474 = tpu.memref_slice %arg8[%dma_wait3A_472, %dma_wait3A_473] : memref<128x64xf32, #tpu.memory_space<vmem>> -> memref<16x64xf32, #tpu.memory_space<vmem>>
    %dma_wait3A_475 = arith.constant 0 : i32
    %dma_wait3A_476 = arith.constant 0 : i32
    %dma_wait3A_477 = tpu.memref_slice %arg3[%dma_wait3A_475, %dma_wait3A_476] : memref<2024x64xf32, #tpu.memory_space<hbm>> -> memref<2024x64xf32, #tpu.memory_space<hbm>>
    %dma_wait3A_478 = tpu.memref_slice %arg10[%dma_wait3A_471] : memref<8x!tpu.dma_semaphore, #tpu.memory_space<semaphore_mem>> -> memref<1x!tpu.dma_semaphore, #tpu.memory_space<semaphore_mem>>
    %dma_wait3A_479 = tpu.memref_squeeze %dma_wait3A_478 : memref<1x!tpu.dma_semaphore, #tpu.memory_space<semaphore_mem>> -> memref<!tpu.dma_semaphore, #tpu.memory_space<semaphore_mem>>
    tpu.wait_indirect_dma semaphore(%dma_wait3A_479 : memref<!tpu.dma_semaphore, #tpu.memory_space<semaphore_mem>>) src(%dma_wait3A_477 : memref<2024x64xf32, #tpu.memory_space<hbm>>) dst(%dma_wait3A_474 : memref<16x64xf32, #tpu.memory_space<vmem>>)
    %add3A_480 = arith.constant 48 : i32
    %add3A_481 = vector.broadcast %add3A_480 : i32 to vector<16xi32>
    %add3A_482 = arith.addi %add3A_481, %iota3A : vector<16xi32>
    %broadcast_in_dim3A_483 = arith.constant 1.200000e+01 : f32
    %broadcast_in_dim3A_484 = vector.broadcast %broadcast_in_dim3A_483 : f32 to vector<16xf32>
    %scan3A_485 = arith.constant 0 : i32
    %scan3A_486 = arith.constant 8 : i32
    %scan3A_487 = arith.addi %scan3A_485, %scan3A_486 : i32
    %scan3A_488 = arith.constant 1 : i32
    %scan3A_489 = scf.for %scan3A_653 = %scan3A_485 to %scan3A_487 step %scan3A_488 iter_args(%scan3A_654 = %broadcast_in_dim3A_484) -> (vector<16xf32>)  : i32 {
      %mul3A_655 = arith.constant 8 : i32
      %mul3A_656 = arith.muli %scan3A_653, %mul3A_655 : i32
      %add3A_657 = arith.constant 0 : i32
      %add3A_658 = arith.addi %mul3A_656, %add3A_657 : i32
      %add3A_659 = vector.broadcast %add3A_658 : i32 to vector<16xi32>
      %add3A_660 = arith.addi %iota3A, %add3A_659 : vector<16xi32>
      %and3A = arith.constant 63 : i32
      %and3A_661 = vector.broadcast %and3A : i32 to vector<16xi32>
      %and3A_662 = arith.andi %add3A_660, %and3A_661 : vector<16xi32>
      %gather3A_663 = tpu.vector_load_idx %arg6[%add3A_482, %and3A_662] : memref<128x64xf32, #tpu.memory_space<vmem>>[vector<16xi32>, vector<16xi32>], vector<16xf32>,
      %gather3A_664 = tpu.vector_load_idx %arg7[%add3A_482, %and3A_662] : memref<128x64xf32, #tpu.memory_space<vmem>>[vector<16xi32>, vector<16xi32>], vector<16xf32>,
      %gather3A_665 = tpu.vector_load_idx %arg8[%add3A_482, %and3A_662] : memref<128x64xf32, #tpu.memory_space<vmem>>[vector<16xi32>, vector<16xi32>], vector<16xf32>,
      %add3A_666 = arith.addf %gather3A_663, %gather3A_664 : vector<16xf32>
      %sub3A = arith.subf %add3A_666, %gather3A_665 : vector<16xf32>
      %abs3A = math.absf %sub3A : vector<16xf32>
      %sub3A_667 = arith.subf %scan3A_654, %abs3A : vector<16xf32>
      %mul3A_668 = arith.constant 8 : i32
      %mul3A_669 = arith.muli %scan3A_653, %mul3A_668 : i32
      %add3A_670 = arith.constant 1 : i32
      %add3A_671 = arith.addi %mul3A_669, %add3A_670 : i32
      %add3A_672 = vector.broadcast %add3A_671 : i32 to vector<16xi32>
      %add3A_673 = arith.addi %iota3A, %add3A_672 : vector<16xi32>
      %and3A_674 = arith.constant 63 : i32
      %and3A_675 = vector.broadcast %and3A_674 : i32 to vector<16xi32>
      %and3A_676 = arith.andi %add3A_673, %and3A_675 : vector<16xi32>
      %gather3A_677 = tpu.vector_load_idx %arg6[%add3A_482, %and3A_676] : memref<128x64xf32, #tpu.memory_space<vmem>>[vector<16xi32>, vector<16xi32>], vector<16xf32>,
      %gather3A_678 = tpu.vector_load_idx %arg7[%add3A_482, %and3A_676] : memref<128x64xf32, #tpu.memory_space<vmem>>[vector<16xi32>, vector<16xi32>], vector<16xf32>,
      %gather3A_679 = tpu.vector_load_idx %arg8[%add3A_482, %and3A_676] : memref<128x64xf32, #tpu.memory_space<vmem>>[vector<16xi32>, vector<16xi32>], vector<16xf32>,
      %add3A_680 = arith.addf %gather3A_677, %gather3A_678 : vector<16xf32>
      %sub3A_681 = arith.subf %add3A_680, %gather3A_679 : vector<16xf32>
      %abs3A_682 = math.absf %sub3A_681 : vector<16xf32>
      %sub3A_683 = arith.subf %sub3A_667, %abs3A_682 : vector<16xf32>
      %mul3A_684 = arith.constant 8 : i32
      %mul3A_685 = arith.muli %scan3A_653, %mul3A_684 : i32
      %add3A_686 = arith.constant 2 : i32
      %add3A_687 = arith.addi %mul3A_685, %add3A_686 : i32
      %add3A_688 = vector.broadcast %add3A_687 : i32 to vector<16xi32>
      %add3A_689 = arith.addi %iota3A, %add3A_688 : vector<16xi32>
      %and3A_690 = arith.constant 63 : i32
      %and3A_691 = vector.broadcast %and3A_690 : i32 to vector<16xi32>
      %and3A_692 = arith.andi %add3A_689, %and3A_691 : vector<16xi32>
      %gather3A_693 = tpu.vector_load_idx %arg6[%add3A_482, %and3A_692] : memref<128x64xf32, #tpu.memory_space<vmem>>[vector<16xi32>, vector<16xi32>], vector<16xf32>,
      %gather3A_694 = tpu.vector_load_idx %arg7[%add3A_482, %and3A_692] : memref<128x64xf32, #tpu.memory_space<vmem>>[vector<16xi32>, vector<16xi32>], vector<16xf32>,
      %gather3A_695 = tpu.vector_load_idx %arg8[%add3A_482, %and3A_692] : memref<128x64xf32, #tpu.memory_space<vmem>>[vector<16xi32>, vector<16xi32>], vector<16xf32>,
      %add3A_696 = arith.addf %gather3A_693, %gather3A_694 : vector<16xf32>
      %sub3A_697 = arith.subf %add3A_696, %gather3A_695 : vector<16xf32>
      %abs3A_698 = math.absf %sub3A_697 : vector<16xf32>
      %sub3A_699 = arith.subf %sub3A_683, %abs3A_698 : vector<16xf32>
      %mul3A_700 = arith.constant 8 : i32
      %mul3A_701 = arith.muli %scan3A_653, %mul3A_700 : i32
      %add3A_702 = arith.constant 3 : i32
      %add3A_703 = arith.addi %mul3A_701, %add3A_702 : i32
      %add3A_704 = vector.broadcast %add3A_703 : i32 to vector<16xi32>
      %add3A_705 = arith.addi %iota3A, %add3A_704 : vector<16xi32>
      %and3A_706 = arith.constant 63 : i32
      %and3A_707 = vector.broadcast %and3A_706 : i32 to vector<16xi32>
      %and3A_708 = arith.andi %add3A_705, %and3A_707 : vector<16xi32>
      %gather3A_709 = tpu.vector_load_idx %arg6[%add3A_482, %and3A_708] : memref<128x64xf32, #tpu.memory_space<vmem>>[vector<16xi32>, vector<16xi32>], vector<16xf32>,
      %gather3A_710 = tpu.vector_load_idx %arg7[%add3A_482, %and3A_708] : memref<128x64xf32, #tpu.memory_space<vmem>>[vector<16xi32>, vector<16xi32>], vector<16xf32>,
      %gather3A_711 = tpu.vector_load_idx %arg8[%add3A_482, %and3A_708] : memref<128x64xf32, #tpu.memory_space<vmem>>[vector<16xi32>, vector<16xi32>], vector<16xf32>,
      %add3A_712 = arith.addf %gather3A_709, %gather3A_710 : vector<16xf32>
      %sub3A_713 = arith.subf %add3A_712, %gather3A_711 : vector<16xf32>
      %abs3A_714 = math.absf %sub3A_713 : vector<16xf32>
      %sub3A_715 = arith.subf %sub3A_699, %abs3A_714 : vector<16xf32>
      %mul3A_716 = arith.constant 8 : i32
      %mul3A_717 = arith.muli %scan3A_653, %mul3A_716 : i32
      %add3A_718 = arith.constant 4 : i32
      %add3A_719 = arith.addi %mul3A_717, %add3A_718 : i32
      %add3A_720 = vector.broadcast %add3A_719 : i32 to vector<16xi32>
      %add3A_721 = arith.addi %iota3A, %add3A_720 : vector<16xi32>
      %and3A_722 = arith.constant 63 : i32
      %and3A_723 = vector.broadcast %and3A_722 : i32 to vector<16xi32>
      %and3A_724 = arith.andi %add3A_721, %and3A_723 : vector<16xi32>
      %gather3A_725 = tpu.vector_load_idx %arg6[%add3A_482, %and3A_724] : memref<128x64xf32, #tpu.memory_space<vmem>>[vector<16xi32>, vector<16xi32>], vector<16xf32>,
      %gather3A_726 = tpu.vector_load_idx %arg7[%add3A_482, %and3A_724] : memref<128x64xf32, #tpu.memory_space<vmem>>[vector<16xi32>, vector<16xi32>], vector<16xf32>,
      %gather3A_727 = tpu.vector_load_idx %arg8[%add3A_482, %and3A_724] : memref<128x64xf32, #tpu.memory_space<vmem>>[vector<16xi32>, vector<16xi32>], vector<16xf32>,
      %add3A_728 = arith.addf %gather3A_725, %gather3A_726 : vector<16xf32>
      %sub3A_729 = arith.subf %add3A_728, %gather3A_727 : vector<16xf32>
      %abs3A_730 = math.absf %sub3A_729 : vector<16xf32>
      %sub3A_731 = arith.subf %sub3A_715, %abs3A_730 : vector<16xf32>
      %mul3A_732 = arith.constant 8 : i32
      %mul3A_733 = arith.muli %scan3A_653, %mul3A_732 : i32
      %add3A_734 = arith.constant 5 : i32
      %add3A_735 = arith.addi %mul3A_733, %add3A_734 : i32
      %add3A_736 = vector.broadcast %add3A_735 : i32 to vector<16xi32>
      %add3A_737 = arith.addi %iota3A, %add3A_736 : vector<16xi32>
      %and3A_738 = arith.constant 63 : i32
      %and3A_739 = vector.broadcast %and3A_738 : i32 to vector<16xi32>
      %and3A_740 = arith.andi %add3A_737, %and3A_739 : vector<16xi32>
      %gather3A_741 = tpu.vector_load_idx %arg6[%add3A_482, %and3A_740] : memref<128x64xf32, #tpu.memory_space<vmem>>[vector<16xi32>, vector<16xi32>], vector<16xf32>,
      %gather3A_742 = tpu.vector_load_idx %arg7[%add3A_482, %and3A_740] : memref<128x64xf32, #tpu.memory_space<vmem>>[vector<16xi32>, vector<16xi32>], vector<16xf32>,
      %gather3A_743 = tpu.vector_load_idx %arg8[%add3A_482, %and3A_740] : memref<128x64xf32, #tpu.memory_space<vmem>>[vector<16xi32>, vector<16xi32>], vector<16xf32>,
      %add3A_744 = arith.addf %gather3A_741, %gather3A_742 : vector<16xf32>
      %sub3A_745 = arith.subf %add3A_744, %gather3A_743 : vector<16xf32>
      %abs3A_746 = math.absf %sub3A_745 : vector<16xf32>
      %sub3A_747 = arith.subf %sub3A_731, %abs3A_746 : vector<16xf32>
      %mul3A_748 = arith.constant 8 : i32
      %mul3A_749 = arith.muli %scan3A_653, %mul3A_748 : i32
      %add3A_750 = arith.constant 6 : i32
      %add3A_751 = arith.addi %mul3A_749, %add3A_750 : i32
      %add3A_752 = vector.broadcast %add3A_751 : i32 to vector<16xi32>
      %add3A_753 = arith.addi %iota3A, %add3A_752 : vector<16xi32>
      %and3A_754 = arith.constant 63 : i32
      %and3A_755 = vector.broadcast %and3A_754 : i32 to vector<16xi32>
      %and3A_756 = arith.andi %add3A_753, %and3A_755 : vector<16xi32>
      %gather3A_757 = tpu.vector_load_idx %arg6[%add3A_482, %and3A_756] : memref<128x64xf32, #tpu.memory_space<vmem>>[vector<16xi32>, vector<16xi32>], vector<16xf32>,
      %gather3A_758 = tpu.vector_load_idx %arg7[%add3A_482, %and3A_756] : memref<128x64xf32, #tpu.memory_space<vmem>>[vector<16xi32>, vector<16xi32>], vector<16xf32>,
      %gather3A_759 = tpu.vector_load_idx %arg8[%add3A_482, %and3A_756] : memref<128x64xf32, #tpu.memory_space<vmem>>[vector<16xi32>, vector<16xi32>], vector<16xf32>,
      %add3A_760 = arith.addf %gather3A_757, %gather3A_758 : vector<16xf32>
      %sub3A_761 = arith.subf %add3A_760, %gather3A_759 : vector<16xf32>
      %abs3A_762 = math.absf %sub3A_761 : vector<16xf32>
      %sub3A_763 = arith.subf %sub3A_747, %abs3A_762 : vector<16xf32>
      %mul3A_764 = arith.constant 8 : i32
      %mul3A_765 = arith.muli %scan3A_653, %mul3A_764 : i32
      %add3A_766 = arith.constant 7 : i32
      %add3A_767 = arith.addi %mul3A_765, %add3A_766 : i32
      %add3A_768 = vector.broadcast %add3A_767 : i32 to vector<16xi32>
      %add3A_769 = arith.addi %iota3A, %add3A_768 : vector<16xi32>
      %and3A_770 = arith.constant 63 : i32
      %and3A_771 = vector.broadcast %and3A_770 : i32 to vector<16xi32>
      %and3A_772 = arith.andi %add3A_769, %and3A_771 : vector<16xi32>
      %gather3A_773 = tpu.vector_load_idx %arg6[%add3A_482, %and3A_772] : memref<128x64xf32, #tpu.memory_space<vmem>>[vector<16xi32>, vector<16xi32>], vector<16xf32>,
      %gather3A_774 = tpu.vector_load_idx %arg7[%add3A_482, %and3A_772] : memref<128x64xf32, #tpu.memory_space<vmem>>[vector<16xi32>, vector<16xi32>], vector<16xf32>,
      %gather3A_775 = tpu.vector_load_idx %arg8[%add3A_482, %and3A_772] : memref<128x64xf32, #tpu.memory_space<vmem>>[vector<16xi32>, vector<16xi32>], vector<16xf32>,
      %add3A_776 = arith.addf %gather3A_773, %gather3A_774 : vector<16xf32>
      %sub3A_777 = arith.subf %add3A_776, %gather3A_775 : vector<16xf32>
      %abs3A_778 = math.absf %sub3A_777 : vector<16xf32>
      %sub3A_779 = arith.subf %sub3A_763, %abs3A_778 : vector<16xf32>
      scf.yield %sub3A_779 : vector<16xf32>
    }
    %scan3A_490 = arith.constant 8 : i32
    %swap3A_491 = arith.constant 48 : index
    %swap3A_492 = tpu.vector_load %arg9[%swap3A_491] {strides = array<i32>} : memref<128xf32, #tpu.memory_space<vmem>>, vector<16xf32>,
    tpu.vector_store %arg9[%swap3A_491], %scan3A_489 {strides = array<i32>} : memref<128xf32, #tpu.memory_space<vmem>>, vector<16xf32>,
    %dma_wait3A_493 = arith.constant 4 : i32
    %dma_wait3A_494 = arith.constant 64 : i32
    %dma_wait3A_495 = arith.constant 0 : i32
    %dma_wait3A_496 = tpu.memref_slice %arg6[%dma_wait3A_494, %dma_wait3A_495] : memref<128x64xf32, #tpu.memory_space<vmem>> -> memref<16x64xf32, #tpu.memory_space<vmem>>
    %dma_wait3A_497 = arith.constant 0 : i32
    %dma_wait3A_498 = arith.constant 0 : i32
    %dma_wait3A_499 = tpu.memref_slice %arg3[%dma_wait3A_497, %dma_wait3A_498] : memref<2024x64xf32, #tpu.memory_space<hbm>> -> memref<2024x64xf32, #tpu.memory_space<hbm>>
    %dma_wait3A_500 = tpu.memref_slice %arg10[%dma_wait3A_493] : memref<8x!tpu.dma_semaphore, #tpu.memory_space<semaphore_mem>> -> memref<1x!tpu.dma_semaphore, #tpu.memory_space<semaphore_mem>>
    %dma_wait3A_501 = tpu.memref_squeeze %dma_wait3A_500 : memref<1x!tpu.dma_semaphore, #tpu.memory_space<semaphore_mem>> -> memref<!tpu.dma_semaphore, #tpu.memory_space<semaphore_mem>>
    tpu.wait_indirect_dma semaphore(%dma_wait3A_501 : memref<!tpu.dma_semaphore, #tpu.memory_space<semaphore_mem>>) src(%dma_wait3A_499 : memref<2024x64xf32, #tpu.memory_space<hbm>>) dst(%dma_wait3A_496 : memref<16x64xf32, #tpu.memory_space<vmem>>)
    %dma_wait3A_502 = arith.constant 4 : i32
    %dma_wait3A_503 = arith.constant 64 : i32
    %dma_wait3A_504 = arith.constant 0 : i32
    %dma_wait3A_505 = tpu.memref_slice %arg7[%dma_wait3A_503, %dma_wait3A_504] : memref<128x64xf32, #tpu.memory_space<vmem>> -> memref<16x64xf32, #tpu.memory_space<vmem>>
    %dma_wait3A_506 = arith.constant 0 : i32
    %dma_wait3A_507 = arith.constant 0 : i32
    %dma_wait3A_508 = tpu.memref_slice %arg3[%dma_wait3A_506, %dma_wait3A_507] : memref<2024x64xf32, #tpu.memory_space<hbm>> -> memref<2024x64xf32, #tpu.memory_space<hbm>>
    %dma_wait3A_509 = tpu.memref_slice %arg10[%dma_wait3A_502] : memref<8x!tpu.dma_semaphore, #tpu.memory_space<semaphore_mem>> -> memref<1x!tpu.dma_semaphore, #tpu.memory_space<semaphore_mem>>
    %dma_wait3A_510 = tpu.memref_squeeze %dma_wait3A_509 : memref<1x!tpu.dma_semaphore, #tpu.memory_space<semaphore_mem>> -> memref<!tpu.dma_semaphore, #tpu.memory_space<semaphore_mem>>
    tpu.wait_indirect_dma semaphore(%dma_wait3A_510 : memref<!tpu.dma_semaphore, #tpu.memory_space<semaphore_mem>>) src(%dma_wait3A_508 : memref<2024x64xf32, #tpu.memory_space<hbm>>) dst(%dma_wait3A_505 : memref<16x64xf32, #tpu.memory_space<vmem>>)
    %dma_wait3A_511 = arith.constant 4 : i32
    %dma_wait3A_512 = arith.constant 64 : i32
    %dma_wait3A_513 = arith.constant 0 : i32
    %dma_wait3A_514 = tpu.memref_slice %arg8[%dma_wait3A_512, %dma_wait3A_513] : memref<128x64xf32, #tpu.memory_space<vmem>> -> memref<16x64xf32, #tpu.memory_space<vmem>>
    %dma_wait3A_515 = arith.constant 0 : i32
    %dma_wait3A_516 = arith.constant 0 : i32
    %dma_wait3A_517 = tpu.memref_slice %arg3[%dma_wait3A_515, %dma_wait3A_516] : memref<2024x64xf32, #tpu.memory_space<hbm>> -> memref<2024x64xf32, #tpu.memory_space<hbm>>
    %dma_wait3A_518 = tpu.memref_slice %arg10[%dma_wait3A_511] : memref<8x!tpu.dma_semaphore, #tpu.memory_space<semaphore_mem>> -> memref<1x!tpu.dma_semaphore, #tpu.memory_space<semaphore_mem>>
    %dma_wait3A_519 = tpu.memref_squeeze %dma_wait3A_518 : memref<1x!tpu.dma_semaphore, #tpu.memory_space<semaphore_mem>> -> memref<!tpu.dma_semaphore, #tpu.memory_space<semaphore_mem>>
    tpu.wait_indirect_dma semaphore(%dma_wait3A_519 : memref<!tpu.dma_semaphore, #tpu.memory_space<semaphore_mem>>) src(%dma_wait3A_517 : memref<2024x64xf32, #tpu.memory_space<hbm>>) dst(%dma_wait3A_514 : memref<16x64xf32, #tpu.memory_space<vmem>>)
    %add3A_520 = arith.constant 64 : i32
    %add3A_521 = vector.broadcast %add3A_520 : i32 to vector<16xi32>
    %add3A_522 = arith.addi %add3A_521, %iota3A : vector<16xi32>
    %broadcast_in_dim3A_523 = arith.constant 1.200000e+01 : f32
    %broadcast_in_dim3A_524 = vector.broadcast %broadcast_in_dim3A_523 : f32 to vector<16xf32>
    %scan3A_525 = arith.constant 0 : i32
    %scan3A_526 = arith.constant 8 : i32
    %scan3A_527 = arith.addi %scan3A_525, %scan3A_526 : i32
    %scan3A_528 = arith.constant 1 : i32
    %scan3A_529 = scf.for %scan3A_653 = %scan3A_525 to %scan3A_527 step %scan3A_528 iter_args(%scan3A_654 = %broadcast_in_dim3A_524) -> (vector<16xf32>)  : i32 {
      %mul3A_655 = arith.constant 8 : i32
      %mul3A_656 = arith.muli %scan3A_653, %mul3A_655 : i32
      %add3A_657 = arith.constant 0 : i32
      %add3A_658 = arith.addi %mul3A_656, %add3A_657 : i32
      %add3A_659 = vector.broadcast %add3A_658 : i32 to vector<16xi32>
      %add3A_660 = arith.addi %iota3A, %add3A_659 : vector<16xi32>
      %and3A = arith.constant 63 : i32
      %and3A_661 = vector.broadcast %and3A : i32 to vector<16xi32>
      %and3A_662 = arith.andi %add3A_660, %and3A_661 : vector<16xi32>
      %gather3A_663 = tpu.vector_load_idx %arg6[%add3A_522, %and3A_662] : memref<128x64xf32, #tpu.memory_space<vmem>>[vector<16xi32>, vector<16xi32>], vector<16xf32>,
      %gather3A_664 = tpu.vector_load_idx %arg7[%add3A_522, %and3A_662] : memref<128x64xf32, #tpu.memory_space<vmem>>[vector<16xi32>, vector<16xi32>], vector<16xf32>,
      %gather3A_665 = tpu.vector_load_idx %arg8[%add3A_522, %and3A_662] : memref<128x64xf32, #tpu.memory_space<vmem>>[vector<16xi32>, vector<16xi32>], vector<16xf32>,
      %add3A_666 = arith.addf %gather3A_663, %gather3A_664 : vector<16xf32>
      %sub3A = arith.subf %add3A_666, %gather3A_665 : vector<16xf32>
      %abs3A = math.absf %sub3A : vector<16xf32>
      %sub3A_667 = arith.subf %scan3A_654, %abs3A : vector<16xf32>
      %mul3A_668 = arith.constant 8 : i32
      %mul3A_669 = arith.muli %scan3A_653, %mul3A_668 : i32
      %add3A_670 = arith.constant 1 : i32
      %add3A_671 = arith.addi %mul3A_669, %add3A_670 : i32
      %add3A_672 = vector.broadcast %add3A_671 : i32 to vector<16xi32>
      %add3A_673 = arith.addi %iota3A, %add3A_672 : vector<16xi32>
      %and3A_674 = arith.constant 63 : i32
      %and3A_675 = vector.broadcast %and3A_674 : i32 to vector<16xi32>
      %and3A_676 = arith.andi %add3A_673, %and3A_675 : vector<16xi32>
      %gather3A_677 = tpu.vector_load_idx %arg6[%add3A_522, %and3A_676] : memref<128x64xf32, #tpu.memory_space<vmem>>[vector<16xi32>, vector<16xi32>], vector<16xf32>,
      %gather3A_678 = tpu.vector_load_idx %arg7[%add3A_522, %and3A_676] : memref<128x64xf32, #tpu.memory_space<vmem>>[vector<16xi32>, vector<16xi32>], vector<16xf32>,
      %gather3A_679 = tpu.vector_load_idx %arg8[%add3A_522, %and3A_676] : memref<128x64xf32, #tpu.memory_space<vmem>>[vector<16xi32>, vector<16xi32>], vector<16xf32>,
      %add3A_680 = arith.addf %gather3A_677, %gather3A_678 : vector<16xf32>
      %sub3A_681 = arith.subf %add3A_680, %gather3A_679 : vector<16xf32>
      %abs3A_682 = math.absf %sub3A_681 : vector<16xf32>
      %sub3A_683 = arith.subf %sub3A_667, %abs3A_682 : vector<16xf32>
      %mul3A_684 = arith.constant 8 : i32
      %mul3A_685 = arith.muli %scan3A_653, %mul3A_684 : i32
      %add3A_686 = arith.constant 2 : i32
      %add3A_687 = arith.addi %mul3A_685, %add3A_686 : i32
      %add3A_688 = vector.broadcast %add3A_687 : i32 to vector<16xi32>
      %add3A_689 = arith.addi %iota3A, %add3A_688 : vector<16xi32>
      %and3A_690 = arith.constant 63 : i32
      %and3A_691 = vector.broadcast %and3A_690 : i32 to vector<16xi32>
      %and3A_692 = arith.andi %add3A_689, %and3A_691 : vector<16xi32>
      %gather3A_693 = tpu.vector_load_idx %arg6[%add3A_522, %and3A_692] : memref<128x64xf32, #tpu.memory_space<vmem>>[vector<16xi32>, vector<16xi32>], vector<16xf32>,
      %gather3A_694 = tpu.vector_load_idx %arg7[%add3A_522, %and3A_692] : memref<128x64xf32, #tpu.memory_space<vmem>>[vector<16xi32>, vector<16xi32>], vector<16xf32>,
      %gather3A_695 = tpu.vector_load_idx %arg8[%add3A_522, %and3A_692] : memref<128x64xf32, #tpu.memory_space<vmem>>[vector<16xi32>, vector<16xi32>], vector<16xf32>,
      %add3A_696 = arith.addf %gather3A_693, %gather3A_694 : vector<16xf32>
      %sub3A_697 = arith.subf %add3A_696, %gather3A_695 : vector<16xf32>
      %abs3A_698 = math.absf %sub3A_697 : vector<16xf32>
      %sub3A_699 = arith.subf %sub3A_683, %abs3A_698 : vector<16xf32>
      %mul3A_700 = arith.constant 8 : i32
      %mul3A_701 = arith.muli %scan3A_653, %mul3A_700 : i32
      %add3A_702 = arith.constant 3 : i32
      %add3A_703 = arith.addi %mul3A_701, %add3A_702 : i32
      %add3A_704 = vector.broadcast %add3A_703 : i32 to vector<16xi32>
      %add3A_705 = arith.addi %iota3A, %add3A_704 : vector<16xi32>
      %and3A_706 = arith.constant 63 : i32
      %and3A_707 = vector.broadcast %and3A_706 : i32 to vector<16xi32>
      %and3A_708 = arith.andi %add3A_705, %and3A_707 : vector<16xi32>
      %gather3A_709 = tpu.vector_load_idx %arg6[%add3A_522, %and3A_708] : memref<128x64xf32, #tpu.memory_space<vmem>>[vector<16xi32>, vector<16xi32>], vector<16xf32>,
      %gather3A_710 = tpu.vector_load_idx %arg7[%add3A_522, %and3A_708] : memref<128x64xf32, #tpu.memory_space<vmem>>[vector<16xi32>, vector<16xi32>], vector<16xf32>,
      %gather3A_711 = tpu.vector_load_idx %arg8[%add3A_522, %and3A_708] : memref<128x64xf32, #tpu.memory_space<vmem>>[vector<16xi32>, vector<16xi32>], vector<16xf32>,
      %add3A_712 = arith.addf %gather3A_709, %gather3A_710 : vector<16xf32>
      %sub3A_713 = arith.subf %add3A_712, %gather3A_711 : vector<16xf32>
      %abs3A_714 = math.absf %sub3A_713 : vector<16xf32>
      %sub3A_715 = arith.subf %sub3A_699, %abs3A_714 : vector<16xf32>
      %mul3A_716 = arith.constant 8 : i32
      %mul3A_717 = arith.muli %scan3A_653, %mul3A_716 : i32
      %add3A_718 = arith.constant 4 : i32
      %add3A_719 = arith.addi %mul3A_717, %add3A_718 : i32
      %add3A_720 = vector.broadcast %add3A_719 : i32 to vector<16xi32>
      %add3A_721 = arith.addi %iota3A, %add3A_720 : vector<16xi32>
      %and3A_722 = arith.constant 63 : i32
      %and3A_723 = vector.broadcast %and3A_722 : i32 to vector<16xi32>
      %and3A_724 = arith.andi %add3A_721, %and3A_723 : vector<16xi32>
      %gather3A_725 = tpu.vector_load_idx %arg6[%add3A_522, %and3A_724] : memref<128x64xf32, #tpu.memory_space<vmem>>[vector<16xi32>, vector<16xi32>], vector<16xf32>,
      %gather3A_726 = tpu.vector_load_idx %arg7[%add3A_522, %and3A_724] : memref<128x64xf32, #tpu.memory_space<vmem>>[vector<16xi32>, vector<16xi32>], vector<16xf32>,
      %gather3A_727 = tpu.vector_load_idx %arg8[%add3A_522, %and3A_724] : memref<128x64xf32, #tpu.memory_space<vmem>>[vector<16xi32>, vector<16xi32>], vector<16xf32>,
      %add3A_728 = arith.addf %gather3A_725, %gather3A_726 : vector<16xf32>
      %sub3A_729 = arith.subf %add3A_728, %gather3A_727 : vector<16xf32>
      %abs3A_730 = math.absf %sub3A_729 : vector<16xf32>
      %sub3A_731 = arith.subf %sub3A_715, %abs3A_730 : vector<16xf32>
      %mul3A_732 = arith.constant 8 : i32
      %mul3A_733 = arith.muli %scan3A_653, %mul3A_732 : i32
      %add3A_734 = arith.constant 5 : i32
      %add3A_735 = arith.addi %mul3A_733, %add3A_734 : i32
      %add3A_736 = vector.broadcast %add3A_735 : i32 to vector<16xi32>
      %add3A_737 = arith.addi %iota3A, %add3A_736 : vector<16xi32>
      %and3A_738 = arith.constant 63 : i32
      %and3A_739 = vector.broadcast %and3A_738 : i32 to vector<16xi32>
      %and3A_740 = arith.andi %add3A_737, %and3A_739 : vector<16xi32>
      %gather3A_741 = tpu.vector_load_idx %arg6[%add3A_522, %and3A_740] : memref<128x64xf32, #tpu.memory_space<vmem>>[vector<16xi32>, vector<16xi32>], vector<16xf32>,
      %gather3A_742 = tpu.vector_load_idx %arg7[%add3A_522, %and3A_740] : memref<128x64xf32, #tpu.memory_space<vmem>>[vector<16xi32>, vector<16xi32>], vector<16xf32>,
      %gather3A_743 = tpu.vector_load_idx %arg8[%add3A_522, %and3A_740] : memref<128x64xf32, #tpu.memory_space<vmem>>[vector<16xi32>, vector<16xi32>], vector<16xf32>,
      %add3A_744 = arith.addf %gather3A_741, %gather3A_742 : vector<16xf32>
      %sub3A_745 = arith.subf %add3A_744, %gather3A_743 : vector<16xf32>
      %abs3A_746 = math.absf %sub3A_745 : vector<16xf32>
      %sub3A_747 = arith.subf %sub3A_731, %abs3A_746 : vector<16xf32>
      %mul3A_748 = arith.constant 8 : i32
      %mul3A_749 = arith.muli %scan3A_653, %mul3A_748 : i32
      %add3A_750 = arith.constant 6 : i32
      %add3A_751 = arith.addi %mul3A_749, %add3A_750 : i32
      %add3A_752 = vector.broadcast %add3A_751 : i32 to vector<16xi32>
      %add3A_753 = arith.addi %iota3A, %add3A_752 : vector<16xi32>
      %and3A_754 = arith.constant 63 : i32
      %and3A_755 = vector.broadcast %and3A_754 : i32 to vector<16xi32>
      %and3A_756 = arith.andi %add3A_753, %and3A_755 : vector<16xi32>
      %gather3A_757 = tpu.vector_load_idx %arg6[%add3A_522, %and3A_756] : memref<128x64xf32, #tpu.memory_space<vmem>>[vector<16xi32>, vector<16xi32>], vector<16xf32>,
      %gather3A_758 = tpu.vector_load_idx %arg7[%add3A_522, %and3A_756] : memref<128x64xf32, #tpu.memory_space<vmem>>[vector<16xi32>, vector<16xi32>], vector<16xf32>,
      %gather3A_759 = tpu.vector_load_idx %arg8[%add3A_522, %and3A_756] : memref<128x64xf32, #tpu.memory_space<vmem>>[vector<16xi32>, vector<16xi32>], vector<16xf32>,
      %add3A_760 = arith.addf %gather3A_757, %gather3A_758 : vector<16xf32>
      %sub3A_761 = arith.subf %add3A_760, %gather3A_759 : vector<16xf32>
      %abs3A_762 = math.absf %sub3A_761 : vector<16xf32>
      %sub3A_763 = arith.subf %sub3A_747, %abs3A_762 : vector<16xf32>
      %mul3A_764 = arith.constant 8 : i32
      %mul3A_765 = arith.muli %scan3A_653, %mul3A_764 : i32
      %add3A_766 = arith.constant 7 : i32
      %add3A_767 = arith.addi %mul3A_765, %add3A_766 : i32
      %add3A_768 = vector.broadcast %add3A_767 : i32 to vector<16xi32>
      %add3A_769 = arith.addi %iota3A, %add3A_768 : vector<16xi32>
      %and3A_770 = arith.constant 63 : i32
      %and3A_771 = vector.broadcast %and3A_770 : i32 to vector<16xi32>
      %and3A_772 = arith.andi %add3A_769, %and3A_771 : vector<16xi32>
      %gather3A_773 = tpu.vector_load_idx %arg6[%add3A_522, %and3A_772] : memref<128x64xf32, #tpu.memory_space<vmem>>[vector<16xi32>, vector<16xi32>], vector<16xf32>,
      %gather3A_774 = tpu.vector_load_idx %arg7[%add3A_522, %and3A_772] : memref<128x64xf32, #tpu.memory_space<vmem>>[vector<16xi32>, vector<16xi32>], vector<16xf32>,
      %gather3A_775 = tpu.vector_load_idx %arg8[%add3A_522, %and3A_772] : memref<128x64xf32, #tpu.memory_space<vmem>>[vector<16xi32>, vector<16xi32>], vector<16xf32>,
      %add3A_776 = arith.addf %gather3A_773, %gather3A_774 : vector<16xf32>
      %sub3A_777 = arith.subf %add3A_776, %gather3A_775 : vector<16xf32>
      %abs3A_778 = math.absf %sub3A_777 : vector<16xf32>
      %sub3A_779 = arith.subf %sub3A_763, %abs3A_778 : vector<16xf32>
      scf.yield %sub3A_779 : vector<16xf32>
    }
    %scan3A_530 = arith.constant 8 : i32
    %swap3A_531 = arith.constant 64 : index
    %swap3A_532 = tpu.vector_load %arg9[%swap3A_531] {strides = array<i32>} : memref<128xf32, #tpu.memory_space<vmem>>, vector<16xf32>,
    tpu.vector_store %arg9[%swap3A_531], %scan3A_529 {strides = array<i32>} : memref<128xf32, #tpu.memory_space<vmem>>, vector<16xf32>,
    %dma_wait3A_533 = arith.constant 5 : i32
    %dma_wait3A_534 = arith.constant 80 : i32
    %dma_wait3A_535 = arith.constant 0 : i32
    %dma_wait3A_536 = tpu.memref_slice %arg6[%dma_wait3A_534, %dma_wait3A_535] : memref<128x64xf32, #tpu.memory_space<vmem>> -> memref<16x64xf32, #tpu.memory_space<vmem>>
    %dma_wait3A_537 = arith.constant 0 : i32
    %dma_wait3A_538 = arith.constant 0 : i32
    %dma_wait3A_539 = tpu.memref_slice %arg3[%dma_wait3A_537, %dma_wait3A_538] : memref<2024x64xf32, #tpu.memory_space<hbm>> -> memref<2024x64xf32, #tpu.memory_space<hbm>>
    %dma_wait3A_540 = tpu.memref_slice %arg10[%dma_wait3A_533] : memref<8x!tpu.dma_semaphore, #tpu.memory_space<semaphore_mem>> -> memref<1x!tpu.dma_semaphore, #tpu.memory_space<semaphore_mem>>
    %dma_wait3A_541 = tpu.memref_squeeze %dma_wait3A_540 : memref<1x!tpu.dma_semaphore, #tpu.memory_space<semaphore_mem>> -> memref<!tpu.dma_semaphore, #tpu.memory_space<semaphore_mem>>
    tpu.wait_indirect_dma semaphore(%dma_wait3A_541 : memref<!tpu.dma_semaphore, #tpu.memory_space<semaphore_mem>>) src(%dma_wait3A_539 : memref<2024x64xf32, #tpu.memory_space<hbm>>) dst(%dma_wait3A_536 : memref<16x64xf32, #tpu.memory_space<vmem>>)
    %dma_wait3A_542 = arith.constant 5 : i32
    %dma_wait3A_543 = arith.constant 80 : i32
    %dma_wait3A_544 = arith.constant 0 : i32
    %dma_wait3A_545 = tpu.memref_slice %arg7[%dma_wait3A_543, %dma_wait3A_544] : memref<128x64xf32, #tpu.memory_space<vmem>> -> memref<16x64xf32, #tpu.memory_space<vmem>>
    %dma_wait3A_546 = arith.constant 0 : i32
    %dma_wait3A_547 = arith.constant 0 : i32
    %dma_wait3A_548 = tpu.memref_slice %arg3[%dma_wait3A_546, %dma_wait3A_547] : memref<2024x64xf32, #tpu.memory_space<hbm>> -> memref<2024x64xf32, #tpu.memory_space<hbm>>
    %dma_wait3A_549 = tpu.memref_slice %arg10[%dma_wait3A_542] : memref<8x!tpu.dma_semaphore, #tpu.memory_space<semaphore_mem>> -> memref<1x!tpu.dma_semaphore, #tpu.memory_space<semaphore_mem>>
    %dma_wait3A_550 = tpu.memref_squeeze %dma_wait3A_549 : memref<1x!tpu.dma_semaphore, #tpu.memory_space<semaphore_mem>> -> memref<!tpu.dma_semaphore, #tpu.memory_space<semaphore_mem>>
    tpu.wait_indirect_dma semaphore(%dma_wait3A_550 : memref<!tpu.dma_semaphore, #tpu.memory_space<semaphore_mem>>) src(%dma_wait3A_548 : memref<2024x64xf32, #tpu.memory_space<hbm>>) dst(%dma_wait3A_545 : memref<16x64xf32, #tpu.memory_space<vmem>>)
    %dma_wait3A_551 = arith.constant 5 : i32
    %dma_wait3A_552 = arith.constant 80 : i32
    %dma_wait3A_553 = arith.constant 0 : i32
    %dma_wait3A_554 = tpu.memref_slice %arg8[%dma_wait3A_552, %dma_wait3A_553] : memref<128x64xf32, #tpu.memory_space<vmem>> -> memref<16x64xf32, #tpu.memory_space<vmem>>
    %dma_wait3A_555 = arith.constant 0 : i32
    %dma_wait3A_556 = arith.constant 0 : i32
    %dma_wait3A_557 = tpu.memref_slice %arg3[%dma_wait3A_555, %dma_wait3A_556] : memref<2024x64xf32, #tpu.memory_space<hbm>> -> memref<2024x64xf32, #tpu.memory_space<hbm>>
    %dma_wait3A_558 = tpu.memref_slice %arg10[%dma_wait3A_551] : memref<8x!tpu.dma_semaphore, #tpu.memory_space<semaphore_mem>> -> memref<1x!tpu.dma_semaphore, #tpu.memory_space<semaphore_mem>>
    %dma_wait3A_559 = tpu.memref_squeeze %dma_wait3A_558 : memref<1x!tpu.dma_semaphore, #tpu.memory_space<semaphore_mem>> -> memref<!tpu.dma_semaphore, #tpu.memory_space<semaphore_mem>>
    tpu.wait_indirect_dma semaphore(%dma_wait3A_559 : memref<!tpu.dma_semaphore, #tpu.memory_space<semaphore_mem>>) src(%dma_wait3A_557 : memref<2024x64xf32, #tpu.memory_space<hbm>>) dst(%dma_wait3A_554 : memref<16x64xf32, #tpu.memory_space<vmem>>)
    %add3A_560 = arith.constant 80 : i32
    %add3A_561 = vector.broadcast %add3A_560 : i32 to vector<16xi32>
    %add3A_562 = arith.addi %add3A_561, %iota3A : vector<16xi32>
    %broadcast_in_dim3A_563 = arith.constant 1.200000e+01 : f32
    %broadcast_in_dim3A_564 = vector.broadcast %broadcast_in_dim3A_563 : f32 to vector<16xf32>
    %scan3A_565 = arith.constant 0 : i32
    %scan3A_566 = arith.constant 8 : i32
    %scan3A_567 = arith.addi %scan3A_565, %scan3A_566 : i32
    %scan3A_568 = arith.constant 1 : i32
    %scan3A_569 = scf.for %scan3A_653 = %scan3A_565 to %scan3A_567 step %scan3A_568 iter_args(%scan3A_654 = %broadcast_in_dim3A_564) -> (vector<16xf32>)  : i32 {
      %mul3A_655 = arith.constant 8 : i32
      %mul3A_656 = arith.muli %scan3A_653, %mul3A_655 : i32
      %add3A_657 = arith.constant 0 : i32
      %add3A_658 = arith.addi %mul3A_656, %add3A_657 : i32
      %add3A_659 = vector.broadcast %add3A_658 : i32 to vector<16xi32>
      %add3A_660 = arith.addi %iota3A, %add3A_659 : vector<16xi32>
      %and3A = arith.constant 63 : i32
      %and3A_661 = vector.broadcast %and3A : i32 to vector<16xi32>
      %and3A_662 = arith.andi %add3A_660, %and3A_661 : vector<16xi32>
      %gather3A_663 = tpu.vector_load_idx %arg6[%add3A_562, %and3A_662] : memref<128x64xf32, #tpu.memory_space<vmem>>[vector<16xi32>, vector<16xi32>], vector<16xf32>,
      %gather3A_664 = tpu.vector_load_idx %arg7[%add3A_562, %and3A_662] : memref<128x64xf32, #tpu.memory_space<vmem>>[vector<16xi32>, vector<16xi32>], vector<16xf32>,
      %gather3A_665 = tpu.vector_load_idx %arg8[%add3A_562, %and3A_662] : memref<128x64xf32, #tpu.memory_space<vmem>>[vector<16xi32>, vector<16xi32>], vector<16xf32>,
      %add3A_666 = arith.addf %gather3A_663, %gather3A_664 : vector<16xf32>
      %sub3A = arith.subf %add3A_666, %gather3A_665 : vector<16xf32>
      %abs3A = math.absf %sub3A : vector<16xf32>
      %sub3A_667 = arith.subf %scan3A_654, %abs3A : vector<16xf32>
      %mul3A_668 = arith.constant 8 : i32
      %mul3A_669 = arith.muli %scan3A_653, %mul3A_668 : i32
      %add3A_670 = arith.constant 1 : i32
      %add3A_671 = arith.addi %mul3A_669, %add3A_670 : i32
      %add3A_672 = vector.broadcast %add3A_671 : i32 to vector<16xi32>
      %add3A_673 = arith.addi %iota3A, %add3A_672 : vector<16xi32>
      %and3A_674 = arith.constant 63 : i32
      %and3A_675 = vector.broadcast %and3A_674 : i32 to vector<16xi32>
      %and3A_676 = arith.andi %add3A_673, %and3A_675 : vector<16xi32>
      %gather3A_677 = tpu.vector_load_idx %arg6[%add3A_562, %and3A_676] : memref<128x64xf32, #tpu.memory_space<vmem>>[vector<16xi32>, vector<16xi32>], vector<16xf32>,
      %gather3A_678 = tpu.vector_load_idx %arg7[%add3A_562, %and3A_676] : memref<128x64xf32, #tpu.memory_space<vmem>>[vector<16xi32>, vector<16xi32>], vector<16xf32>,
      %gather3A_679 = tpu.vector_load_idx %arg8[%add3A_562, %and3A_676] : memref<128x64xf32, #tpu.memory_space<vmem>>[vector<16xi32>, vector<16xi32>], vector<16xf32>,
      %add3A_680 = arith.addf %gather3A_677, %gather3A_678 : vector<16xf32>
      %sub3A_681 = arith.subf %add3A_680, %gather3A_679 : vector<16xf32>
      %abs3A_682 = math.absf %sub3A_681 : vector<16xf32>
      %sub3A_683 = arith.subf %sub3A_667, %abs3A_682 : vector<16xf32>
      %mul3A_684 = arith.constant 8 : i32
      %mul3A_685 = arith.muli %scan3A_653, %mul3A_684 : i32
      %add3A_686 = arith.constant 2 : i32
      %add3A_687 = arith.addi %mul3A_685, %add3A_686 : i32
      %add3A_688 = vector.broadcast %add3A_687 : i32 to vector<16xi32>
      %add3A_689 = arith.addi %iota3A, %add3A_688 : vector<16xi32>
      %and3A_690 = arith.constant 63 : i32
      %and3A_691 = vector.broadcast %and3A_690 : i32 to vector<16xi32>
      %and3A_692 = arith.andi %add3A_689, %and3A_691 : vector<16xi32>
      %gather3A_693 = tpu.vector_load_idx %arg6[%add3A_562, %and3A_692] : memref<128x64xf32, #tpu.memory_space<vmem>>[vector<16xi32>, vector<16xi32>], vector<16xf32>,
      %gather3A_694 = tpu.vector_load_idx %arg7[%add3A_562, %and3A_692] : memref<128x64xf32, #tpu.memory_space<vmem>>[vector<16xi32>, vector<16xi32>], vector<16xf32>,
      %gather3A_695 = tpu.vector_load_idx %arg8[%add3A_562, %and3A_692] : memref<128x64xf32, #tpu.memory_space<vmem>>[vector<16xi32>, vector<16xi32>], vector<16xf32>,
      %add3A_696 = arith.addf %gather3A_693, %gather3A_694 : vector<16xf32>
      %sub3A_697 = arith.subf %add3A_696, %gather3A_695 : vector<16xf32>
      %abs3A_698 = math.absf %sub3A_697 : vector<16xf32>
      %sub3A_699 = arith.subf %sub3A_683, %abs3A_698 : vector<16xf32>
      %mul3A_700 = arith.constant 8 : i32
      %mul3A_701 = arith.muli %scan3A_653, %mul3A_700 : i32
      %add3A_702 = arith.constant 3 : i32
      %add3A_703 = arith.addi %mul3A_701, %add3A_702 : i32
      %add3A_704 = vector.broadcast %add3A_703 : i32 to vector<16xi32>
      %add3A_705 = arith.addi %iota3A, %add3A_704 : vector<16xi32>
      %and3A_706 = arith.constant 63 : i32
      %and3A_707 = vector.broadcast %and3A_706 : i32 to vector<16xi32>
      %and3A_708 = arith.andi %add3A_705, %and3A_707 : vector<16xi32>
      %gather3A_709 = tpu.vector_load_idx %arg6[%add3A_562, %and3A_708] : memref<128x64xf32, #tpu.memory_space<vmem>>[vector<16xi32>, vector<16xi32>], vector<16xf32>,
      %gather3A_710 = tpu.vector_load_idx %arg7[%add3A_562, %and3A_708] : memref<128x64xf32, #tpu.memory_space<vmem>>[vector<16xi32>, vector<16xi32>], vector<16xf32>,
      %gather3A_711 = tpu.vector_load_idx %arg8[%add3A_562, %and3A_708] : memref<128x64xf32, #tpu.memory_space<vmem>>[vector<16xi32>, vector<16xi32>], vector<16xf32>,
      %add3A_712 = arith.addf %gather3A_709, %gather3A_710 : vector<16xf32>
      %sub3A_713 = arith.subf %add3A_712, %gather3A_711 : vector<16xf32>
      %abs3A_714 = math.absf %sub3A_713 : vector<16xf32>
      %sub3A_715 = arith.subf %sub3A_699, %abs3A_714 : vector<16xf32>
      %mul3A_716 = arith.constant 8 : i32
      %mul3A_717 = arith.muli %scan3A_653, %mul3A_716 : i32
      %add3A_718 = arith.constant 4 : i32
      %add3A_719 = arith.addi %mul3A_717, %add3A_718 : i32
      %add3A_720 = vector.broadcast %add3A_719 : i32 to vector<16xi32>
      %add3A_721 = arith.addi %iota3A, %add3A_720 : vector<16xi32>
      %and3A_722 = arith.constant 63 : i32
      %and3A_723 = vector.broadcast %and3A_722 : i32 to vector<16xi32>
      %and3A_724 = arith.andi %add3A_721, %and3A_723 : vector<16xi32>
      %gather3A_725 = tpu.vector_load_idx %arg6[%add3A_562, %and3A_724] : memref<128x64xf32, #tpu.memory_space<vmem>>[vector<16xi32>, vector<16xi32>], vector<16xf32>,
      %gather3A_726 = tpu.vector_load_idx %arg7[%add3A_562, %and3A_724] : memref<128x64xf32, #tpu.memory_space<vmem>>[vector<16xi32>, vector<16xi32>], vector<16xf32>,
      %gather3A_727 = tpu.vector_load_idx %arg8[%add3A_562, %and3A_724] : memref<128x64xf32, #tpu.memory_space<vmem>>[vector<16xi32>, vector<16xi32>], vector<16xf32>,
      %add3A_728 = arith.addf %gather3A_725, %gather3A_726 : vector<16xf32>
      %sub3A_729 = arith.subf %add3A_728, %gather3A_727 : vector<16xf32>
      %abs3A_730 = math.absf %sub3A_729 : vector<16xf32>
      %sub3A_731 = arith.subf %sub3A_715, %abs3A_730 : vector<16xf32>
      %mul3A_732 = arith.constant 8 : i32
      %mul3A_733 = arith.muli %scan3A_653, %mul3A_732 : i32
      %add3A_734 = arith.constant 5 : i32
      %add3A_735 = arith.addi %mul3A_733, %add3A_734 : i32
      %add3A_736 = vector.broadcast %add3A_735 : i32 to vector<16xi32>
      %add3A_737 = arith.addi %iota3A, %add3A_736 : vector<16xi32>
      %and3A_738 = arith.constant 63 : i32
      %and3A_739 = vector.broadcast %and3A_738 : i32 to vector<16xi32>
      %and3A_740 = arith.andi %add3A_737, %and3A_739 : vector<16xi32>
      %gather3A_741 = tpu.vector_load_idx %arg6[%add3A_562, %and3A_740] : memref<128x64xf32, #tpu.memory_space<vmem>>[vector<16xi32>, vector<16xi32>], vector<16xf32>,
      %gather3A_742 = tpu.vector_load_idx %arg7[%add3A_562, %and3A_740] : memref<128x64xf32, #tpu.memory_space<vmem>>[vector<16xi32>, vector<16xi32>], vector<16xf32>,
      %gather3A_743 = tpu.vector_load_idx %arg8[%add3A_562, %and3A_740] : memref<128x64xf32, #tpu.memory_space<vmem>>[vector<16xi32>, vector<16xi32>], vector<16xf32>,
      %add3A_744 = arith.addf %gather3A_741, %gather3A_742 : vector<16xf32>
      %sub3A_745 = arith.subf %add3A_744, %gather3A_743 : vector<16xf32>
      %abs3A_746 = math.absf %sub3A_745 : vector<16xf32>
      %sub3A_747 = arith.subf %sub3A_731, %abs3A_746 : vector<16xf32>
      %mul3A_748 = arith.constant 8 : i32
      %mul3A_749 = arith.muli %scan3A_653, %mul3A_748 : i32
      %add3A_750 = arith.constant 6 : i32
      %add3A_751 = arith.addi %mul3A_749, %add3A_750 : i32
      %add3A_752 = vector.broadcast %add3A_751 : i32 to vector<16xi32>
      %add3A_753 = arith.addi %iota3A, %add3A_752 : vector<16xi32>
      %and3A_754 = arith.constant 63 : i32
      %and3A_755 = vector.broadcast %and3A_754 : i32 to vector<16xi32>
      %and3A_756 = arith.andi %add3A_753, %and3A_755 : vector<16xi32>
      %gather3A_757 = tpu.vector_load_idx %arg6[%add3A_562, %and3A_756] : memref<128x64xf32, #tpu.memory_space<vmem>>[vector<16xi32>, vector<16xi32>], vector<16xf32>,
      %gather3A_758 = tpu.vector_load_idx %arg7[%add3A_562, %and3A_756] : memref<128x64xf32, #tpu.memory_space<vmem>>[vector<16xi32>, vector<16xi32>], vector<16xf32>,
      %gather3A_759 = tpu.vector_load_idx %arg8[%add3A_562, %and3A_756] : memref<128x64xf32, #tpu.memory_space<vmem>>[vector<16xi32>, vector<16xi32>], vector<16xf32>,
      %add3A_760 = arith.addf %gather3A_757, %gather3A_758 : vector<16xf32>
      %sub3A_761 = arith.subf %add3A_760, %gather3A_759 : vector<16xf32>
      %abs3A_762 = math.absf %sub3A_761 : vector<16xf32>
      %sub3A_763 = arith.subf %sub3A_747, %abs3A_762 : vector<16xf32>
      %mul3A_764 = arith.constant 8 : i32
      %mul3A_765 = arith.muli %scan3A_653, %mul3A_764 : i32
      %add3A_766 = arith.constant 7 : i32
      %add3A_767 = arith.addi %mul3A_765, %add3A_766 : i32
      %add3A_768 = vector.broadcast %add3A_767 : i32 to vector<16xi32>
      %add3A_769 = arith.addi %iota3A, %add3A_768 : vector<16xi32>
      %and3A_770 = arith.constant 63 : i32
      %and3A_771 = vector.broadcast %and3A_770 : i32 to vector<16xi32>
      %and3A_772 = arith.andi %add3A_769, %and3A_771 : vector<16xi32>
      %gather3A_773 = tpu.vector_load_idx %arg6[%add3A_562, %and3A_772] : memref<128x64xf32, #tpu.memory_space<vmem>>[vector<16xi32>, vector<16xi32>], vector<16xf32>,
      %gather3A_774 = tpu.vector_load_idx %arg7[%add3A_562, %and3A_772] : memref<128x64xf32, #tpu.memory_space<vmem>>[vector<16xi32>, vector<16xi32>], vector<16xf32>,
      %gather3A_775 = tpu.vector_load_idx %arg8[%add3A_562, %and3A_772] : memref<128x64xf32, #tpu.memory_space<vmem>>[vector<16xi32>, vector<16xi32>], vector<16xf32>,
      %add3A_776 = arith.addf %gather3A_773, %gather3A_774 : vector<16xf32>
      %sub3A_777 = arith.subf %add3A_776, %gather3A_775 : vector<16xf32>
      %abs3A_778 = math.absf %sub3A_777 : vector<16xf32>
      %sub3A_779 = arith.subf %sub3A_763, %abs3A_778 : vector<16xf32>
      scf.yield %sub3A_779 : vector<16xf32>
    }
    %scan3A_570 = arith.constant 8 : i32
    %swap3A_571 = arith.constant 80 : index
    %swap3A_572 = tpu.vector_load %arg9[%swap3A_571] {strides = array<i32>} : memref<128xf32, #tpu.memory_space<vmem>>, vector<16xf32>,
    tpu.vector_store %arg9[%swap3A_571], %scan3A_569 {strides = array<i32>} : memref<128xf32, #tpu.memory_space<vmem>>, vector<16xf32>,
    %dma_wait3A_573 = arith.constant 6 : i32
    %dma_wait3A_574 = arith.constant 96 : i32
    %dma_wait3A_575 = arith.constant 0 : i32
    %dma_wait3A_576 = tpu.memref_slice %arg6[%dma_wait3A_574, %dma_wait3A_575] : memref<128x64xf32, #tpu.memory_space<vmem>> -> memref<16x64xf32, #tpu.memory_space<vmem>>
    %dma_wait3A_577 = arith.constant 0 : i32
    %dma_wait3A_578 = arith.constant 0 : i32
    %dma_wait3A_579 = tpu.memref_slice %arg3[%dma_wait3A_577, %dma_wait3A_578] : memref<2024x64xf32, #tpu.memory_space<hbm>> -> memref<2024x64xf32, #tpu.memory_space<hbm>>
    %dma_wait3A_580 = tpu.memref_slice %arg10[%dma_wait3A_573] : memref<8x!tpu.dma_semaphore, #tpu.memory_space<semaphore_mem>> -> memref<1x!tpu.dma_semaphore, #tpu.memory_space<semaphore_mem>>
    %dma_wait3A_581 = tpu.memref_squeeze %dma_wait3A_580 : memref<1x!tpu.dma_semaphore, #tpu.memory_space<semaphore_mem>> -> memref<!tpu.dma_semaphore, #tpu.memory_space<semaphore_mem>>
    tpu.wait_indirect_dma semaphore(%dma_wait3A_581 : memref<!tpu.dma_semaphore, #tpu.memory_space<semaphore_mem>>) src(%dma_wait3A_579 : memref<2024x64xf32, #tpu.memory_space<hbm>>) dst(%dma_wait3A_576 : memref<16x64xf32, #tpu.memory_space<vmem>>)
    %dma_wait3A_582 = arith.constant 6 : i32
    %dma_wait3A_583 = arith.constant 96 : i32
    %dma_wait3A_584 = arith.constant 0 : i32
    %dma_wait3A_585 = tpu.memref_slice %arg7[%dma_wait3A_583, %dma_wait3A_584] : memref<128x64xf32, #tpu.memory_space<vmem>> -> memref<16x64xf32, #tpu.memory_space<vmem>>
    %dma_wait3A_586 = arith.constant 0 : i32
    %dma_wait3A_587 = arith.constant 0 : i32
    %dma_wait3A_588 = tpu.memref_slice %arg3[%dma_wait3A_586, %dma_wait3A_587] : memref<2024x64xf32, #tpu.memory_space<hbm>> -> memref<2024x64xf32, #tpu.memory_space<hbm>>
    %dma_wait3A_589 = tpu.memref_slice %arg10[%dma_wait3A_582] : memref<8x!tpu.dma_semaphore, #tpu.memory_space<semaphore_mem>> -> memref<1x!tpu.dma_semaphore, #tpu.memory_space<semaphore_mem>>
    %dma_wait3A_590 = tpu.memref_squeeze %dma_wait3A_589 : memref<1x!tpu.dma_semaphore, #tpu.memory_space<semaphore_mem>> -> memref<!tpu.dma_semaphore, #tpu.memory_space<semaphore_mem>>
    tpu.wait_indirect_dma semaphore(%dma_wait3A_590 : memref<!tpu.dma_semaphore, #tpu.memory_space<semaphore_mem>>) src(%dma_wait3A_588 : memref<2024x64xf32, #tpu.memory_space<hbm>>) dst(%dma_wait3A_585 : memref<16x64xf32, #tpu.memory_space<vmem>>)
    %dma_wait3A_591 = arith.constant 6 : i32
    %dma_wait3A_592 = arith.constant 96 : i32
    %dma_wait3A_593 = arith.constant 0 : i32
    %dma_wait3A_594 = tpu.memref_slice %arg8[%dma_wait3A_592, %dma_wait3A_593] : memref<128x64xf32, #tpu.memory_space<vmem>> -> memref<16x64xf32, #tpu.memory_space<vmem>>
    %dma_wait3A_595 = arith.constant 0 : i32
    %dma_wait3A_596 = arith.constant 0 : i32
    %dma_wait3A_597 = tpu.memref_slice %arg3[%dma_wait3A_595, %dma_wait3A_596] : memref<2024x64xf32, #tpu.memory_space<hbm>> -> memref<2024x64xf32, #tpu.memory_space<hbm>>
    %dma_wait3A_598 = tpu.memref_slice %arg10[%dma_wait3A_591] : memref<8x!tpu.dma_semaphore, #tpu.memory_space<semaphore_mem>> -> memref<1x!tpu.dma_semaphore, #tpu.memory_space<semaphore_mem>>
    %dma_wait3A_599 = tpu.memref_squeeze %dma_wait3A_598 : memref<1x!tpu.dma_semaphore, #tpu.memory_space<semaphore_mem>> -> memref<!tpu.dma_semaphore, #tpu.memory_space<semaphore_mem>>
    tpu.wait_indirect_dma semaphore(%dma_wait3A_599 : memref<!tpu.dma_semaphore, #tpu.memory_space<semaphore_mem>>) src(%dma_wait3A_597 : memref<2024x64xf32, #tpu.memory_space<hbm>>) dst(%dma_wait3A_594 : memref<16x64xf32, #tpu.memory_space<vmem>>)
    %add3A_600 = arith.constant 96 : i32
    %add3A_601 = vector.broadcast %add3A_600 : i32 to vector<16xi32>
    %add3A_602 = arith.addi %add3A_601, %iota3A : vector<16xi32>
    %broadcast_in_dim3A_603 = arith.constant 1.200000e+01 : f32
    %broadcast_in_dim3A_604 = vector.broadcast %broadcast_in_dim3A_603 : f32 to vector<16xf32>
    %scan3A_605 = arith.constant 0 : i32
    %scan3A_606 = arith.constant 8 : i32
    %scan3A_607 = arith.addi %scan3A_605, %scan3A_606 : i32
    %scan3A_608 = arith.constant 1 : i32
    %scan3A_609 = scf.for %scan3A_653 = %scan3A_605 to %scan3A_607 step %scan3A_608 iter_args(%scan3A_654 = %broadcast_in_dim3A_604) -> (vector<16xf32>)  : i32 {
      %mul3A_655 = arith.constant 8 : i32
      %mul3A_656 = arith.muli %scan3A_653, %mul3A_655 : i32
      %add3A_657 = arith.constant 0 : i32
      %add3A_658 = arith.addi %mul3A_656, %add3A_657 : i32
      %add3A_659 = vector.broadcast %add3A_658 : i32 to vector<16xi32>
      %add3A_660 = arith.addi %iota3A, %add3A_659 : vector<16xi32>
      %and3A = arith.constant 63 : i32
      %and3A_661 = vector.broadcast %and3A : i32 to vector<16xi32>
      %and3A_662 = arith.andi %add3A_660, %and3A_661 : vector<16xi32>
      %gather3A_663 = tpu.vector_load_idx %arg6[%add3A_602, %and3A_662] : memref<128x64xf32, #tpu.memory_space<vmem>>[vector<16xi32>, vector<16xi32>], vector<16xf32>,
      %gather3A_664 = tpu.vector_load_idx %arg7[%add3A_602, %and3A_662] : memref<128x64xf32, #tpu.memory_space<vmem>>[vector<16xi32>, vector<16xi32>], vector<16xf32>,
      %gather3A_665 = tpu.vector_load_idx %arg8[%add3A_602, %and3A_662] : memref<128x64xf32, #tpu.memory_space<vmem>>[vector<16xi32>, vector<16xi32>], vector<16xf32>,
      %add3A_666 = arith.addf %gather3A_663, %gather3A_664 : vector<16xf32>
      %sub3A = arith.subf %add3A_666, %gather3A_665 : vector<16xf32>
      %abs3A = math.absf %sub3A : vector<16xf32>
      %sub3A_667 = arith.subf %scan3A_654, %abs3A : vector<16xf32>
      %mul3A_668 = arith.constant 8 : i32
      %mul3A_669 = arith.muli %scan3A_653, %mul3A_668 : i32
      %add3A_670 = arith.constant 1 : i32
      %add3A_671 = arith.addi %mul3A_669, %add3A_670 : i32
      %add3A_672 = vector.broadcast %add3A_671 : i32 to vector<16xi32>
      %add3A_673 = arith.addi %iota3A, %add3A_672 : vector<16xi32>
      %and3A_674 = arith.constant 63 : i32
      %and3A_675 = vector.broadcast %and3A_674 : i32 to vector<16xi32>
      %and3A_676 = arith.andi %add3A_673, %and3A_675 : vector<16xi32>
      %gather3A_677 = tpu.vector_load_idx %arg6[%add3A_602, %and3A_676] : memref<128x64xf32, #tpu.memory_space<vmem>>[vector<16xi32>, vector<16xi32>], vector<16xf32>,
      %gather3A_678 = tpu.vector_load_idx %arg7[%add3A_602, %and3A_676] : memref<128x64xf32, #tpu.memory_space<vmem>>[vector<16xi32>, vector<16xi32>], vector<16xf32>,
      %gather3A_679 = tpu.vector_load_idx %arg8[%add3A_602, %and3A_676] : memref<128x64xf32, #tpu.memory_space<vmem>>[vector<16xi32>, vector<16xi32>], vector<16xf32>,
      %add3A_680 = arith.addf %gather3A_677, %gather3A_678 : vector<16xf32>
      %sub3A_681 = arith.subf %add3A_680, %gather3A_679 : vector<16xf32>
      %abs3A_682 = math.absf %sub3A_681 : vector<16xf32>
      %sub3A_683 = arith.subf %sub3A_667, %abs3A_682 : vector<16xf32>
      %mul3A_684 = arith.constant 8 : i32
      %mul3A_685 = arith.muli %scan3A_653, %mul3A_684 : i32
      %add3A_686 = arith.constant 2 : i32
      %add3A_687 = arith.addi %mul3A_685, %add3A_686 : i32
      %add3A_688 = vector.broadcast %add3A_687 : i32 to vector<16xi32>
      %add3A_689 = arith.addi %iota3A, %add3A_688 : vector<16xi32>
      %and3A_690 = arith.constant 63 : i32
      %and3A_691 = vector.broadcast %and3A_690 : i32 to vector<16xi32>
      %and3A_692 = arith.andi %add3A_689, %and3A_691 : vector<16xi32>
      %gather3A_693 = tpu.vector_load_idx %arg6[%add3A_602, %and3A_692] : memref<128x64xf32, #tpu.memory_space<vmem>>[vector<16xi32>, vector<16xi32>], vector<16xf32>,
      %gather3A_694 = tpu.vector_load_idx %arg7[%add3A_602, %and3A_692] : memref<128x64xf32, #tpu.memory_space<vmem>>[vector<16xi32>, vector<16xi32>], vector<16xf32>,
      %gather3A_695 = tpu.vector_load_idx %arg8[%add3A_602, %and3A_692] : memref<128x64xf32, #tpu.memory_space<vmem>>[vector<16xi32>, vector<16xi32>], vector<16xf32>,
      %add3A_696 = arith.addf %gather3A_693, %gather3A_694 : vector<16xf32>
      %sub3A_697 = arith.subf %add3A_696, %gather3A_695 : vector<16xf32>
      %abs3A_698 = math.absf %sub3A_697 : vector<16xf32>
      %sub3A_699 = arith.subf %sub3A_683, %abs3A_698 : vector<16xf32>
      %mul3A_700 = arith.constant 8 : i32
      %mul3A_701 = arith.muli %scan3A_653, %mul3A_700 : i32
      %add3A_702 = arith.constant 3 : i32
      %add3A_703 = arith.addi %mul3A_701, %add3A_702 : i32
      %add3A_704 = vector.broadcast %add3A_703 : i32 to vector<16xi32>
      %add3A_705 = arith.addi %iota3A, %add3A_704 : vector<16xi32>
      %and3A_706 = arith.constant 63 : i32
      %and3A_707 = vector.broadcast %and3A_706 : i32 to vector<16xi32>
      %and3A_708 = arith.andi %add3A_705, %and3A_707 : vector<16xi32>
      %gather3A_709 = tpu.vector_load_idx %arg6[%add3A_602, %and3A_708] : memref<128x64xf32, #tpu.memory_space<vmem>>[vector<16xi32>, vector<16xi32>], vector<16xf32>,
      %gather3A_710 = tpu.vector_load_idx %arg7[%add3A_602, %and3A_708] : memref<128x64xf32, #tpu.memory_space<vmem>>[vector<16xi32>, vector<16xi32>], vector<16xf32>,
      %gather3A_711 = tpu.vector_load_idx %arg8[%add3A_602, %and3A_708] : memref<128x64xf32, #tpu.memory_space<vmem>>[vector<16xi32>, vector<16xi32>], vector<16xf32>,
      %add3A_712 = arith.addf %gather3A_709, %gather3A_710 : vector<16xf32>
      %sub3A_713 = arith.subf %add3A_712, %gather3A_711 : vector<16xf32>
      %abs3A_714 = math.absf %sub3A_713 : vector<16xf32>
      %sub3A_715 = arith.subf %sub3A_699, %abs3A_714 : vector<16xf32>
      %mul3A_716 = arith.constant 8 : i32
      %mul3A_717 = arith.muli %scan3A_653, %mul3A_716 : i32
      %add3A_718 = arith.constant 4 : i32
      %add3A_719 = arith.addi %mul3A_717, %add3A_718 : i32
      %add3A_720 = vector.broadcast %add3A_719 : i32 to vector<16xi32>
      %add3A_721 = arith.addi %iota3A, %add3A_720 : vector<16xi32>
      %and3A_722 = arith.constant 63 : i32
      %and3A_723 = vector.broadcast %and3A_722 : i32 to vector<16xi32>
      %and3A_724 = arith.andi %add3A_721, %and3A_723 : vector<16xi32>
      %gather3A_725 = tpu.vector_load_idx %arg6[%add3A_602, %and3A_724] : memref<128x64xf32, #tpu.memory_space<vmem>>[vector<16xi32>, vector<16xi32>], vector<16xf32>,
      %gather3A_726 = tpu.vector_load_idx %arg7[%add3A_602, %and3A_724] : memref<128x64xf32, #tpu.memory_space<vmem>>[vector<16xi32>, vector<16xi32>], vector<16xf32>,
      %gather3A_727 = tpu.vector_load_idx %arg8[%add3A_602, %and3A_724] : memref<128x64xf32, #tpu.memory_space<vmem>>[vector<16xi32>, vector<16xi32>], vector<16xf32>,
      %add3A_728 = arith.addf %gather3A_725, %gather3A_726 : vector<16xf32>
      %sub3A_729 = arith.subf %add3A_728, %gather3A_727 : vector<16xf32>
      %abs3A_730 = math.absf %sub3A_729 : vector<16xf32>
      %sub3A_731 = arith.subf %sub3A_715, %abs3A_730 : vector<16xf32>
      %mul3A_732 = arith.constant 8 : i32
      %mul3A_733 = arith.muli %scan3A_653, %mul3A_732 : i32
      %add3A_734 = arith.constant 5 : i32
      %add3A_735 = arith.addi %mul3A_733, %add3A_734 : i32
      %add3A_736 = vector.broadcast %add3A_735 : i32 to vector<16xi32>
      %add3A_737 = arith.addi %iota3A, %add3A_736 : vector<16xi32>
      %and3A_738 = arith.constant 63 : i32
      %and3A_739 = vector.broadcast %and3A_738 : i32 to vector<16xi32>
      %and3A_740 = arith.andi %add3A_737, %and3A_739 : vector<16xi32>
      %gather3A_741 = tpu.vector_load_idx %arg6[%add3A_602, %and3A_740] : memref<128x64xf32, #tpu.memory_space<vmem>>[vector<16xi32>, vector<16xi32>], vector<16xf32>,
      %gather3A_742 = tpu.vector_load_idx %arg7[%add3A_602, %and3A_740] : memref<128x64xf32, #tpu.memory_space<vmem>>[vector<16xi32>, vector<16xi32>], vector<16xf32>,
      %gather3A_743 = tpu.vector_load_idx %arg8[%add3A_602, %and3A_740] : memref<128x64xf32, #tpu.memory_space<vmem>>[vector<16xi32>, vector<16xi32>], vector<16xf32>,
      %add3A_744 = arith.addf %gather3A_741, %gather3A_742 : vector<16xf32>
      %sub3A_745 = arith.subf %add3A_744, %gather3A_743 : vector<16xf32>
      %abs3A_746 = math.absf %sub3A_745 : vector<16xf32>
      %sub3A_747 = arith.subf %sub3A_731, %abs3A_746 : vector<16xf32>
      %mul3A_748 = arith.constant 8 : i32
      %mul3A_749 = arith.muli %scan3A_653, %mul3A_748 : i32
      %add3A_750 = arith.constant 6 : i32
      %add3A_751 = arith.addi %mul3A_749, %add3A_750 : i32
      %add3A_752 = vector.broadcast %add3A_751 : i32 to vector<16xi32>
      %add3A_753 = arith.addi %iota3A, %add3A_752 : vector<16xi32>
      %and3A_754 = arith.constant 63 : i32
      %and3A_755 = vector.broadcast %and3A_754 : i32 to vector<16xi32>
      %and3A_756 = arith.andi %add3A_753, %and3A_755 : vector<16xi32>
      %gather3A_757 = tpu.vector_load_idx %arg6[%add3A_602, %and3A_756] : memref<128x64xf32, #tpu.memory_space<vmem>>[vector<16xi32>, vector<16xi32>], vector<16xf32>,
      %gather3A_758 = tpu.vector_load_idx %arg7[%add3A_602, %and3A_756] : memref<128x64xf32, #tpu.memory_space<vmem>>[vector<16xi32>, vector<16xi32>], vector<16xf32>,
      %gather3A_759 = tpu.vector_load_idx %arg8[%add3A_602, %and3A_756] : memref<128x64xf32, #tpu.memory_space<vmem>>[vector<16xi32>, vector<16xi32>], vector<16xf32>,
      %add3A_760 = arith.addf %gather3A_757, %gather3A_758 : vector<16xf32>
      %sub3A_761 = arith.subf %add3A_760, %gather3A_759 : vector<16xf32>
      %abs3A_762 = math.absf %sub3A_761 : vector<16xf32>
      %sub3A_763 = arith.subf %sub3A_747, %abs3A_762 : vector<16xf32>
      %mul3A_764 = arith.constant 8 : i32
      %mul3A_765 = arith.muli %scan3A_653, %mul3A_764 : i32
      %add3A_766 = arith.constant 7 : i32
      %add3A_767 = arith.addi %mul3A_765, %add3A_766 : i32
      %add3A_768 = vector.broadcast %add3A_767 : i32 to vector<16xi32>
      %add3A_769 = arith.addi %iota3A, %add3A_768 : vector<16xi32>
      %and3A_770 = arith.constant 63 : i32
      %and3A_771 = vector.broadcast %and3A_770 : i32 to vector<16xi32>
      %and3A_772 = arith.andi %add3A_769, %and3A_771 : vector<16xi32>
      %gather3A_773 = tpu.vector_load_idx %arg6[%add3A_602, %and3A_772] : memref<128x64xf32, #tpu.memory_space<vmem>>[vector<16xi32>, vector<16xi32>], vector<16xf32>,
      %gather3A_774 = tpu.vector_load_idx %arg7[%add3A_602, %and3A_772] : memref<128x64xf32, #tpu.memory_space<vmem>>[vector<16xi32>, vector<16xi32>], vector<16xf32>,
      %gather3A_775 = tpu.vector_load_idx %arg8[%add3A_602, %and3A_772] : memref<128x64xf32, #tpu.memory_space<vmem>>[vector<16xi32>, vector<16xi32>], vector<16xf32>,
      %add3A_776 = arith.addf %gather3A_773, %gather3A_774 : vector<16xf32>
      %sub3A_777 = arith.subf %add3A_776, %gather3A_775 : vector<16xf32>
      %abs3A_778 = math.absf %sub3A_777 : vector<16xf32>
      %sub3A_779 = arith.subf %sub3A_763, %abs3A_778 : vector<16xf32>
      scf.yield %sub3A_779 : vector<16xf32>
    }
    %scan3A_610 = arith.constant 8 : i32
    %swap3A_611 = arith.constant 96 : index
    %swap3A_612 = tpu.vector_load %arg9[%swap3A_611] {strides = array<i32>} : memref<128xf32, #tpu.memory_space<vmem>>, vector<16xf32>,
    tpu.vector_store %arg9[%swap3A_611], %scan3A_609 {strides = array<i32>} : memref<128xf32, #tpu.memory_space<vmem>>, vector<16xf32>,
    %dma_wait3A_613 = arith.constant 7 : i32
    %dma_wait3A_614 = arith.constant 112 : i32
    %dma_wait3A_615 = arith.constant 0 : i32
    %dma_wait3A_616 = tpu.memref_slice %arg6[%dma_wait3A_614, %dma_wait3A_615] : memref<128x64xf32, #tpu.memory_space<vmem>> -> memref<16x64xf32, #tpu.memory_space<vmem>>
    %dma_wait3A_617 = arith.constant 0 : i32
    %dma_wait3A_618 = arith.constant 0 : i32
    %dma_wait3A_619 = tpu.memref_slice %arg3[%dma_wait3A_617, %dma_wait3A_618] : memref<2024x64xf32, #tpu.memory_space<hbm>> -> memref<2024x64xf32, #tpu.memory_space<hbm>>
    %dma_wait3A_620 = tpu.memref_slice %arg10[%dma_wait3A_613] : memref<8x!tpu.dma_semaphore, #tpu.memory_space<semaphore_mem>> -> memref<1x!tpu.dma_semaphore, #tpu.memory_space<semaphore_mem>>
    %dma_wait3A_621 = tpu.memref_squeeze %dma_wait3A_620 : memref<1x!tpu.dma_semaphore, #tpu.memory_space<semaphore_mem>> -> memref<!tpu.dma_semaphore, #tpu.memory_space<semaphore_mem>>
    tpu.wait_indirect_dma semaphore(%dma_wait3A_621 : memref<!tpu.dma_semaphore, #tpu.memory_space<semaphore_mem>>) src(%dma_wait3A_619 : memref<2024x64xf32, #tpu.memory_space<hbm>>) dst(%dma_wait3A_616 : memref<16x64xf32, #tpu.memory_space<vmem>>)
    %dma_wait3A_622 = arith.constant 7 : i32
    %dma_wait3A_623 = arith.constant 112 : i32
    %dma_wait3A_624 = arith.constant 0 : i32
    %dma_wait3A_625 = tpu.memref_slice %arg7[%dma_wait3A_623, %dma_wait3A_624] : memref<128x64xf32, #tpu.memory_space<vmem>> -> memref<16x64xf32, #tpu.memory_space<vmem>>
    %dma_wait3A_626 = arith.constant 0 : i32
    %dma_wait3A_627 = arith.constant 0 : i32
    %dma_wait3A_628 = tpu.memref_slice %arg3[%dma_wait3A_626, %dma_wait3A_627] : memref<2024x64xf32, #tpu.memory_space<hbm>> -> memref<2024x64xf32, #tpu.memory_space<hbm>>
    %dma_wait3A_629 = tpu.memref_slice %arg10[%dma_wait3A_622] : memref<8x!tpu.dma_semaphore, #tpu.memory_space<semaphore_mem>> -> memref<1x!tpu.dma_semaphore, #tpu.memory_space<semaphore_mem>>
    %dma_wait3A_630 = tpu.memref_squeeze %dma_wait3A_629 : memref<1x!tpu.dma_semaphore, #tpu.memory_space<semaphore_mem>> -> memref<!tpu.dma_semaphore, #tpu.memory_space<semaphore_mem>>
    tpu.wait_indirect_dma semaphore(%dma_wait3A_630 : memref<!tpu.dma_semaphore, #tpu.memory_space<semaphore_mem>>) src(%dma_wait3A_628 : memref<2024x64xf32, #tpu.memory_space<hbm>>) dst(%dma_wait3A_625 : memref<16x64xf32, #tpu.memory_space<vmem>>)
    %dma_wait3A_631 = arith.constant 7 : i32
    %dma_wait3A_632 = arith.constant 112 : i32
    %dma_wait3A_633 = arith.constant 0 : i32
    %dma_wait3A_634 = tpu.memref_slice %arg8[%dma_wait3A_632, %dma_wait3A_633] : memref<128x64xf32, #tpu.memory_space<vmem>> -> memref<16x64xf32, #tpu.memory_space<vmem>>
    %dma_wait3A_635 = arith.constant 0 : i32
    %dma_wait3A_636 = arith.constant 0 : i32
    %dma_wait3A_637 = tpu.memref_slice %arg3[%dma_wait3A_635, %dma_wait3A_636] : memref<2024x64xf32, #tpu.memory_space<hbm>> -> memref<2024x64xf32, #tpu.memory_space<hbm>>
    %dma_wait3A_638 = tpu.memref_slice %arg10[%dma_wait3A_631] : memref<8x!tpu.dma_semaphore, #tpu.memory_space<semaphore_mem>> -> memref<1x!tpu.dma_semaphore, #tpu.memory_space<semaphore_mem>>
    %dma_wait3A_639 = tpu.memref_squeeze %dma_wait3A_638 : memref<1x!tpu.dma_semaphore, #tpu.memory_space<semaphore_mem>> -> memref<!tpu.dma_semaphore, #tpu.memory_space<semaphore_mem>>
    tpu.wait_indirect_dma semaphore(%dma_wait3A_639 : memref<!tpu.dma_semaphore, #tpu.memory_space<semaphore_mem>>) src(%dma_wait3A_637 : memref<2024x64xf32, #tpu.memory_space<hbm>>) dst(%dma_wait3A_634 : memref<16x64xf32, #tpu.memory_space<vmem>>)
    %add3A_640 = arith.constant 112 : i32
    %add3A_641 = vector.broadcast %add3A_640 : i32 to vector<16xi32>
    %add3A_642 = arith.addi %add3A_641, %iota3A : vector<16xi32>
    %broadcast_in_dim3A_643 = arith.constant 1.200000e+01 : f32
    %broadcast_in_dim3A_644 = vector.broadcast %broadcast_in_dim3A_643 : f32 to vector<16xf32>
    %scan3A_645 = arith.constant 0 : i32
    %scan3A_646 = arith.constant 8 : i32
    %scan3A_647 = arith.addi %scan3A_645, %scan3A_646 : i32
    %scan3A_648 = arith.constant 1 : i32
    %scan3A_649 = scf.for %scan3A_653 = %scan3A_645 to %scan3A_647 step %scan3A_648 iter_args(%scan3A_654 = %broadcast_in_dim3A_644) -> (vector<16xf32>)  : i32 {
      %mul3A_655 = arith.constant 8 : i32
      %mul3A_656 = arith.muli %scan3A_653, %mul3A_655 : i32
      %add3A_657 = arith.constant 0 : i32
      %add3A_658 = arith.addi %mul3A_656, %add3A_657 : i32
      %add3A_659 = vector.broadcast %add3A_658 : i32 to vector<16xi32>
      %add3A_660 = arith.addi %iota3A, %add3A_659 : vector<16xi32>
      %and3A = arith.constant 63 : i32
      %and3A_661 = vector.broadcast %and3A : i32 to vector<16xi32>
      %and3A_662 = arith.andi %add3A_660, %and3A_661 : vector<16xi32>
      %gather3A_663 = tpu.vector_load_idx %arg6[%add3A_642, %and3A_662] : memref<128x64xf32, #tpu.memory_space<vmem>>[vector<16xi32>, vector<16xi32>], vector<16xf32>,
      %gather3A_664 = tpu.vector_load_idx %arg7[%add3A_642, %and3A_662] : memref<128x64xf32, #tpu.memory_space<vmem>>[vector<16xi32>, vector<16xi32>], vector<16xf32>,
      %gather3A_665 = tpu.vector_load_idx %arg8[%add3A_642, %and3A_662] : memref<128x64xf32, #tpu.memory_space<vmem>>[vector<16xi32>, vector<16xi32>], vector<16xf32>,
      %add3A_666 = arith.addf %gather3A_663, %gather3A_664 : vector<16xf32>
      %sub3A = arith.subf %add3A_666, %gather3A_665 : vector<16xf32>
      %abs3A = math.absf %sub3A : vector<16xf32>
      %sub3A_667 = arith.subf %scan3A_654, %abs3A : vector<16xf32>
      %mul3A_668 = arith.constant 8 : i32
      %mul3A_669 = arith.muli %scan3A_653, %mul3A_668 : i32
      %add3A_670 = arith.constant 1 : i32
      %add3A_671 = arith.addi %mul3A_669, %add3A_670 : i32
      %add3A_672 = vector.broadcast %add3A_671 : i32 to vector<16xi32>
      %add3A_673 = arith.addi %iota3A, %add3A_672 : vector<16xi32>
      %and3A_674 = arith.constant 63 : i32
      %and3A_675 = vector.broadcast %and3A_674 : i32 to vector<16xi32>
      %and3A_676 = arith.andi %add3A_673, %and3A_675 : vector<16xi32>
      %gather3A_677 = tpu.vector_load_idx %arg6[%add3A_642, %and3A_676] : memref<128x64xf32, #tpu.memory_space<vmem>>[vector<16xi32>, vector<16xi32>], vector<16xf32>,
      %gather3A_678 = tpu.vector_load_idx %arg7[%add3A_642, %and3A_676] : memref<128x64xf32, #tpu.memory_space<vmem>>[vector<16xi32>, vector<16xi32>], vector<16xf32>,
      %gather3A_679 = tpu.vector_load_idx %arg8[%add3A_642, %and3A_676] : memref<128x64xf32, #tpu.memory_space<vmem>>[vector<16xi32>, vector<16xi32>], vector<16xf32>,
      %add3A_680 = arith.addf %gather3A_677, %gather3A_678 : vector<16xf32>
      %sub3A_681 = arith.subf %add3A_680, %gather3A_679 : vector<16xf32>
      %abs3A_682 = math.absf %sub3A_681 : vector<16xf32>
      %sub3A_683 = arith.subf %sub3A_667, %abs3A_682 : vector<16xf32>
      %mul3A_684 = arith.constant 8 : i32
      %mul3A_685 = arith.muli %scan3A_653, %mul3A_684 : i32
      %add3A_686 = arith.constant 2 : i32
      %add3A_687 = arith.addi %mul3A_685, %add3A_686 : i32
      %add3A_688 = vector.broadcast %add3A_687 : i32 to vector<16xi32>
      %add3A_689 = arith.addi %iota3A, %add3A_688 : vector<16xi32>
      %and3A_690 = arith.constant 63 : i32
      %and3A_691 = vector.broadcast %and3A_690 : i32 to vector<16xi32>
      %and3A_692 = arith.andi %add3A_689, %and3A_691 : vector<16xi32>
      %gather3A_693 = tpu.vector_load_idx %arg6[%add3A_642, %and3A_692] : memref<128x64xf32, #tpu.memory_space<vmem>>[vector<16xi32>, vector<16xi32>], vector<16xf32>,
      %gather3A_694 = tpu.vector_load_idx %arg7[%add3A_642, %and3A_692] : memref<128x64xf32, #tpu.memory_space<vmem>>[vector<16xi32>, vector<16xi32>], vector<16xf32>,
      %gather3A_695 = tpu.vector_load_idx %arg8[%add3A_642, %and3A_692] : memref<128x64xf32, #tpu.memory_space<vmem>>[vector<16xi32>, vector<16xi32>], vector<16xf32>,
      %add3A_696 = arith.addf %gather3A_693, %gather3A_694 : vector<16xf32>
      %sub3A_697 = arith.subf %add3A_696, %gather3A_695 : vector<16xf32>
      %abs3A_698 = math.absf %sub3A_697 : vector<16xf32>
      %sub3A_699 = arith.subf %sub3A_683, %abs3A_698 : vector<16xf32>
      %mul3A_700 = arith.constant 8 : i32
      %mul3A_701 = arith.muli %scan3A_653, %mul3A_700 : i32
      %add3A_702 = arith.constant 3 : i32
      %add3A_703 = arith.addi %mul3A_701, %add3A_702 : i32
      %add3A_704 = vector.broadcast %add3A_703 : i32 to vector<16xi32>
      %add3A_705 = arith.addi %iota3A, %add3A_704 : vector<16xi32>
      %and3A_706 = arith.constant 63 : i32
      %and3A_707 = vector.broadcast %and3A_706 : i32 to vector<16xi32>
      %and3A_708 = arith.andi %add3A_705, %and3A_707 : vector<16xi32>
      %gather3A_709 = tpu.vector_load_idx %arg6[%add3A_642, %and3A_708] : memref<128x64xf32, #tpu.memory_space<vmem>>[vector<16xi32>, vector<16xi32>], vector<16xf32>,
      %gather3A_710 = tpu.vector_load_idx %arg7[%add3A_642, %and3A_708] : memref<128x64xf32, #tpu.memory_space<vmem>>[vector<16xi32>, vector<16xi32>], vector<16xf32>,
      %gather3A_711 = tpu.vector_load_idx %arg8[%add3A_642, %and3A_708] : memref<128x64xf32, #tpu.memory_space<vmem>>[vector<16xi32>, vector<16xi32>], vector<16xf32>,
      %add3A_712 = arith.addf %gather3A_709, %gather3A_710 : vector<16xf32>
      %sub3A_713 = arith.subf %add3A_712, %gather3A_711 : vector<16xf32>
      %abs3A_714 = math.absf %sub3A_713 : vector<16xf32>
      %sub3A_715 = arith.subf %sub3A_699, %abs3A_714 : vector<16xf32>
      %mul3A_716 = arith.constant 8 : i32
      %mul3A_717 = arith.muli %scan3A_653, %mul3A_716 : i32
      %add3A_718 = arith.constant 4 : i32
      %add3A_719 = arith.addi %mul3A_717, %add3A_718 : i32
      %add3A_720 = vector.broadcast %add3A_719 : i32 to vector<16xi32>
      %add3A_721 = arith.addi %iota3A, %add3A_720 : vector<16xi32>
      %and3A_722 = arith.constant 63 : i32
      %and3A_723 = vector.broadcast %and3A_722 : i32 to vector<16xi32>
      %and3A_724 = arith.andi %add3A_721, %and3A_723 : vector<16xi32>
      %gather3A_725 = tpu.vector_load_idx %arg6[%add3A_642, %and3A_724] : memref<128x64xf32, #tpu.memory_space<vmem>>[vector<16xi32>, vector<16xi32>], vector<16xf32>,
      %gather3A_726 = tpu.vector_load_idx %arg7[%add3A_642, %and3A_724] : memref<128x64xf32, #tpu.memory_space<vmem>>[vector<16xi32>, vector<16xi32>], vector<16xf32>,
      %gather3A_727 = tpu.vector_load_idx %arg8[%add3A_642, %and3A_724] : memref<128x64xf32, #tpu.memory_space<vmem>>[vector<16xi32>, vector<16xi32>], vector<16xf32>,
      %add3A_728 = arith.addf %gather3A_725, %gather3A_726 : vector<16xf32>
      %sub3A_729 = arith.subf %add3A_728, %gather3A_727 : vector<16xf32>
      %abs3A_730 = math.absf %sub3A_729 : vector<16xf32>
      %sub3A_731 = arith.subf %sub3A_715, %abs3A_730 : vector<16xf32>
      %mul3A_732 = arith.constant 8 : i32
      %mul3A_733 = arith.muli %scan3A_653, %mul3A_732 : i32
      %add3A_734 = arith.constant 5 : i32
      %add3A_735 = arith.addi %mul3A_733, %add3A_734 : i32
      %add3A_736 = vector.broadcast %add3A_735 : i32 to vector<16xi32>
      %add3A_737 = arith.addi %iota3A, %add3A_736 : vector<16xi32>
      %and3A_738 = arith.constant 63 : i32
      %and3A_739 = vector.broadcast %and3A_738 : i32 to vector<16xi32>
      %and3A_740 = arith.andi %add3A_737, %and3A_739 : vector<16xi32>
      %gather3A_741 = tpu.vector_load_idx %arg6[%add3A_642, %and3A_740] : memref<128x64xf32, #tpu.memory_space<vmem>>[vector<16xi32>, vector<16xi32>], vector<16xf32>,
      %gather3A_742 = tpu.vector_load_idx %arg7[%add3A_642, %and3A_740] : memref<128x64xf32, #tpu.memory_space<vmem>>[vector<16xi32>, vector<16xi32>], vector<16xf32>,
      %gather3A_743 = tpu.vector_load_idx %arg8[%add3A_642, %and3A_740] : memref<128x64xf32, #tpu.memory_space<vmem>>[vector<16xi32>, vector<16xi32>], vector<16xf32>,
      %add3A_744 = arith.addf %gather3A_741, %gather3A_742 : vector<16xf32>
      %sub3A_745 = arith.subf %add3A_744, %gather3A_743 : vector<16xf32>
      %abs3A_746 = math.absf %sub3A_745 : vector<16xf32>
      %sub3A_747 = arith.subf %sub3A_731, %abs3A_746 : vector<16xf32>
      %mul3A_748 = arith.constant 8 : i32
      %mul3A_749 = arith.muli %scan3A_653, %mul3A_748 : i32
      %add3A_750 = arith.constant 6 : i32
      %add3A_751 = arith.addi %mul3A_749, %add3A_750 : i32
      %add3A_752 = vector.broadcast %add3A_751 : i32 to vector<16xi32>
      %add3A_753 = arith.addi %iota3A, %add3A_752 : vector<16xi32>
      %and3A_754 = arith.constant 63 : i32
      %and3A_755 = vector.broadcast %and3A_754 : i32 to vector<16xi32>
      %and3A_756 = arith.andi %add3A_753, %and3A_755 : vector<16xi32>
      %gather3A_757 = tpu.vector_load_idx %arg6[%add3A_642, %and3A_756] : memref<128x64xf32, #tpu.memory_space<vmem>>[vector<16xi32>, vector<16xi32>], vector<16xf32>,
      %gather3A_758 = tpu.vector_load_idx %arg7[%add3A_642, %and3A_756] : memref<128x64xf32, #tpu.memory_space<vmem>>[vector<16xi32>, vector<16xi32>], vector<16xf32>,
      %gather3A_759 = tpu.vector_load_idx %arg8[%add3A_642, %and3A_756] : memref<128x64xf32, #tpu.memory_space<vmem>>[vector<16xi32>, vector<16xi32>], vector<16xf32>,
      %add3A_760 = arith.addf %gather3A_757, %gather3A_758 : vector<16xf32>
      %sub3A_761 = arith.subf %add3A_760, %gather3A_759 : vector<16xf32>
      %abs3A_762 = math.absf %sub3A_761 : vector<16xf32>
      %sub3A_763 = arith.subf %sub3A_747, %abs3A_762 : vector<16xf32>
      %mul3A_764 = arith.constant 8 : i32
      %mul3A_765 = arith.muli %scan3A_653, %mul3A_764 : i32
      %add3A_766 = arith.constant 7 : i32
      %add3A_767 = arith.addi %mul3A_765, %add3A_766 : i32
      %add3A_768 = vector.broadcast %add3A_767 : i32 to vector<16xi32>
      %add3A_769 = arith.addi %iota3A, %add3A_768 : vector<16xi32>
      %and3A_770 = arith.constant 63 : i32
      %and3A_771 = vector.broadcast %and3A_770 : i32 to vector<16xi32>
      %and3A_772 = arith.andi %add3A_769, %and3A_771 : vector<16xi32>
      %gather3A_773 = tpu.vector_load_idx %arg6[%add3A_642, %and3A_772] : memref<128x64xf32, #tpu.memory_space<vmem>>[vector<16xi32>, vector<16xi32>], vector<16xf32>,
      %gather3A_774 = tpu.vector_load_idx %arg7[%add3A_642, %and3A_772] : memref<128x64xf32, #tpu.memory_space<vmem>>[vector<16xi32>, vector<16xi32>], vector<16xf32>,
      %gather3A_775 = tpu.vector_load_idx %arg8[%add3A_642, %and3A_772] : memref<128x64xf32, #tpu.memory_space<vmem>>[vector<16xi32>, vector<16xi32>], vector<16xf32>,
      %add3A_776 = arith.addf %gather3A_773, %gather3A_774 : vector<16xf32>
      %sub3A_777 = arith.subf %add3A_776, %gather3A_775 : vector<16xf32>
      %abs3A_778 = math.absf %sub3A_777 : vector<16xf32>
      %sub3A_779 = arith.subf %sub3A_763, %abs3A_778 : vector<16xf32>
      scf.yield %sub3A_779 : vector<16xf32>
    }
    %scan3A_650 = arith.constant 8 : i32
    %swap3A_651 = arith.constant 112 : index
    %swap3A_652 = tpu.vector_load %arg9[%swap3A_651] {strides = array<i32>} : memref<128xf32, #tpu.memory_space<vmem>>, vector<16xf32>,
    tpu.vector_store %arg9[%swap3A_651], %scan3A_649 {strides = array<i32>} : memref<128xf32, #tpu.memory_space<vmem>>, vector<16xf32>,
    "tpu.region"() ({
      %run_scoped3A = tpu.sem_alloc : memref<!tpu.dma_semaphore, #tpu.memory_space<semaphore_mem>>
      %dma_start3A_653 = tpu.memref_slice %arg4[%mul3A_2] : memref<4096xf32, #tpu.memory_space<hbm>> -> memref<128xf32, #tpu.memory_space<hbm>>
      %dma_start3A_654 = tpu.memref_slice %arg4[%mul3A_2] : memref<4096xf32, #tpu.memory_space<hbm>> -> memref<128xf32, #tpu.memory_space<hbm>>
      tpu.enqueue_dma source(%arg9 : memref<128xf32, #tpu.memory_space<vmem>>) target(%dma_start3A_654 : memref<128xf32, #tpu.memory_space<hbm>>) target_semaphore(%run_scoped3A : memref<!tpu.dma_semaphore, #tpu.memory_space<semaphore_mem>>)
      %dma_wait3A_655 = tpu.memref_slice %arg4[%mul3A_2] : memref<4096xf32, #tpu.memory_space<hbm>> -> memref<128xf32, #tpu.memory_space<hbm>>
      %dma_wait3A_656 = tpu.memref_slice %arg4[%mul3A_2] : memref<4096xf32, #tpu.memory_space<hbm>> -> memref<128xf32, #tpu.memory_space<hbm>>
      tpu.wait_dma2 semaphore(%run_scoped3A : memref<!tpu.dma_semaphore, #tpu.memory_space<semaphore_mem>>) src(%arg9 : memref<128xf32, #tpu.memory_space<vmem>>) dst(%dma_wait3A_656 : memref<128xf32, #tpu.memory_space<hbm>>)
      tpu.yield
    }) : () -> ()
    return
  }
}

</mosaic_0001>

<sc_bundles>
// kernel: kernel.3.cloned.1.call-start
scs
__scs_entry_jumppad:
0x0: {  	(pc) =	sbr.rel $0x88, $3  }
0x1: {  	(tag) =	ssettag $0x0;
	lr =	simm.s32 $0x1  }
0x2: {  	[smem:$0x3F9E] =	sst lr;
	_ =	strace $0xD0000000  }
0x3: {  	_ = 	snop  }
0x4: {  	_ = 	snop  }
0x5: {  	_ = 	snop  }
0x6: {  	_ = 	snop  }
0x7: {  	_ = 	snop  }
__scs_overlays_trampoline_lowered:
0x8: {  	[smem:$0x3FAD] =	sst s0  }
0x9: {  	[smem:$0x3FAE] =	sst s1  }
0xa: {  	[smem:$0x3FAF] =	sst s2  }
0xb: {  	[smem:$0x3FB0] =	sst s3  }
0xc: {  	[smem:$0x3FB1] =	sst s4  }
0xd: {  	[smem:$0x3FB2] =	sst s5  }
0xe: {  	[smem:$0x3FB3] =	sst s6  }
0xf: {  	[smem:$0x3FB4] =	sst s7  }
0x10: {  	[smem:$0x3FB5] =	sst s8  }
0x11: {  	[smem:$0x3FB6] =	sst s9;
	s0 =	simm.s32 @!p0 $0x0  }
0x12: {  	s1 =	sld [smem:$0x3F9C];
	s0 =	simm.s32 @p0 $0x1  }
0x13: {  	[smem:$0x3FB7] =	sst s0;
	s0 =	simm.s32 @!p1 $0x0  }
0x14: {  	s2 =	sld [smem:$0x3F9B];
	s0 =	simm.s32 @p1 $0x1  }
0x15: {  	[smem:$0x3FB8] =	sst s0;
	s0 =	simm.s32 @!p2 $0x0  }
0x16: {  	s3 =	sld [smem:$0x3FDB];
	s0 =	simm.s32 @p2 $0x1  }
0x17: {  	s4 =	simm.s32 $0x1BF5;
	[smem:$0x3FBA] =	sst s0  }
0x18: {  	s0 =	sld [smem:$0x3F9D];
	_ =	swait.ge [sflag:s4], $0x0  }
0x19: {  	s7 =	sld [smem:$0x3F9E]  }
0x1a: {  	s8 =	sadd.s32 $0xFFFFE003, lr  }
0x1b: {  	s9 =	sadd.s32 $0xFFFFFEF7, lr;
	s5 =	simm.s32 $0xFFFFFFFF;
	p2 =	slt.u32 s8, $0xFFFFF086  }
0x1c: {  	p1 =	slt.u32 s9, $0xF7A;
	s5 =	simm.s32 @!p2 $0x0  }
0x1d: {  	s5 =	simm.s32 @p1 $0x1;
	p0 =	seq.s32 s7, s2  }
0x1e: {  	s7 =	smul.u32 @!p0 $0xF7A, s2;
	p2 =	seq.s32 @!p0 s5, $0x0  }
0x1f: {  	s9 =	smul.u32 $0xF7A, s1;
	s8 =	simm.s32 @!p0 $0x1BF5;
	p2 =	por !p2, p0  }
0x20: {  	[sflag:s8] =	ssyncset.s32 @!p0 $0xFFFFF086;
	s6 =	sadd.s32 @!p0 s3, s7;
	s7 =	simm.s32 @!p0 $0x108  }
0x21: {  	s3 =	sadd.s32 s3, s9;
	s6 =	sadd.s32 @!p0 $0x88, s6;
	s7 =	simm.s32 @p2 $0x1082  }
0x22: {  	[simem:s7], [sflag:s8] =	dma.local @!p0 [hbm:s6], $0xF7A  }
0x23: {  	s9 =	sor.u32 $0xD0000000, s2;
	s6 =	simm.s32 $0x108;
	_ =	swait.ge @!p0 [sflag:s8], $0x0  }
0x24: {  	s3 =	sadd.s32 $0x88, s3;
	s6 =	simm.s32 @!p1 $0x1082;
	[sflag:s4] =	ssyncset.s32 $0xFFFFF086  }
0x25: {  	[simem:s6], [sflag:s4] =	dma.local [hbm:s3], $0xF7A  }
0x26: {  	[smem:$0x3F9E] =	sst s1;
	(tag) =	ssettag s2;
	_ =	strace s9  }
0x27: {  	s1 =	sld [smem:$0x3FAE]  }
0x28: {  	s2 =	sld [smem:$0x3FAF]  }
0x29: {  	s4 =	sld [smem:$0x3FB1]  }
0x2a: {  	p0 =	seq.s32 s5, $0x0;
	s5 =	sld [smem:$0x3FB2]  }
0x2b: {  	s6 =	sld [smem:$0x3FB3]  }
0x2c: {  	s7 =	sld [smem:$0x3FB4]  }
0x2d: {  	s3 =	simm.s32 $0x108;
	s8 =	sld [smem:$0x3FB5]  }
0x2e: {  	s3 =	simm.s32 @!p0 $0x1082;
	s9 =	sld [smem:$0x3FB6]  }
0x2f: {  	lr =	sadd.s32 s0, s3;
	s0 =	sld [smem:$0x3FAD]  }
0x30: {  	s3 =	sld [smem:$0x3FB0]  }
0x31: {  	[smem:$0x3FB9] =	sst s10  }
0x32: {  	s10 =	sld [smem:$0x3FB7];
	_ =	sdelay $0x3  }
0x33: {  	p0 =	seq.s32 s10, $0x1;
	s10 =	sld [smem:$0x3FB9];
	_ =	sdelay $0x3  }
0x34: {  	[smem:$0x3FB9] =	sst s10  }
0x35: {  	s10 =	sld [smem:$0x3FB8];
	_ =	sdelay $0x3  }
0x36: {  	p1 =	seq.s32 s10, $0x1;
	s10 =	sld [smem:$0x3FB9];
	_ =	sdelay $0x3  }
0x37: {  	[smem:$0x3FB9] =	sst s10  }
0x38: {  	s10 =	sld [smem:$0x3FBA]  }
0x39: {  	_ = 	snop;
	(pc) =	sbr.ind lr, $3  }
0x3a: {  	_ = 	snop  }
0x3b: {  	_ = 	snop  }
0x3c: {  	p2 =	seq.s32 s10, $0x1;
	s10 =	sld [smem:$0x3FB9]  }
0x3d: {  	_ =	shalt  }
0x3e: {  	_ =	shalt  }
0x3f: {  	_ =	shalt  }
0x40: {  	_ =	shalt  }
0x41: {  	_ =	shalt  }
0x42: {  	_ =	shalt  }
0x43: {  	_ =	shalt  }
0x44: {  	_ =	shalt  }
0x45: {  	_ =	shalt  }
0x46: {  	_ =	shalt  }
0x47: {  	_ =	shalt  }
0x48: {  	_ =	shalt  }
0x49: {  	_ =	shalt  }
0x4a: {  	_ =	shalt  }
0x4b: {  	_ =	shalt  }
0x4c: {  	_ =	shalt  }
0x4d: {  	_ =	shalt  }
0x4e: {  	_ =	shalt  }
0x4f: {  	_ =	shalt  }
0x50: {  	_ =	shalt  }
0x51: {  	_ =	shalt  }
0x52: {  	_ =	shalt  }
0x53: {  	_ =	shalt  }
0x54: {  	_ =	shalt  }
0x55: {  	_ =	shalt  }
0x56: {  	_ =	shalt  }
0x57: {  	_ =	shalt  }
0x58: {  	_ =	shalt  }
0x59: {  	_ =	shalt  }
0x5a: {  	_ =	shalt  }
0x5b: {  	_ =	shalt  }
0x5c: {  	_ =	shalt  }
0x5d: {  	_ =	shalt  }
0x5e: {  	_ =	shalt  }
0x5f: {  	_ =	shalt  }
0x60: {  	_ =	shalt  }
0x61: {  	_ =	shalt  }
0x62: {  	_ =	shalt  }
0x63: {  	_ =	shalt  }
0x64: {  	_ =	shalt  }
0x65: {  	_ =	shalt  }
0x66: {  	_ =	shalt  }
0x67: {  	_ =	shalt  }
0x68: {  	_ =	shalt  }
0x69: {  	_ =	shalt  }
0x6a: {  	_ =	shalt  }
0x6b: {  	_ =	shalt  }
0x6c: {  	_ =	shalt  }
0x6d: {  	_ =	shalt  }
0x6e: {  	_ =	shalt  }
0x6f: {  	_ =	shalt  }
0x70: {  	_ =	shalt  }
0x71: {  	_ =	shalt  }
0x72: {  	_ =	shalt  }
0x73: {  	_ =	shalt  }
0x74: {  	_ =	shalt  }
0x75: {  	_ =	shalt  }
0x76: {  	_ =	shalt  }
0x77: {  	_ =	shalt  }
0x78: {  	_ =	shalt  }
0x79: {  	_ =	shalt  }
0x7a: {  	_ =	shalt  }
0x7b: {  	_ =	shalt  }
0x7c: {  	_ =	shalt  }
0x7d: {  	_ =	shalt  }
0x7e: {  	_ =	shalt  }
0x7f: {  	_ =	shalt  }
0x80: {  	_ =	shalt  }
0x81: {  	_ =	shalt  }
0x82: {  	_ =	shalt  }
0x83: {  	_ =	shalt  }
0x84: {  	_ =	shalt  }
0x85: {  	_ =	shalt  }
0x86: {  	_ =	shalt  }
0x87: {  	_ =	shalt  }
.Lfunc_end0:
.L_simem_size_0:
called_computation_lowered:
.L_overlay_start_0:
0x88: {  	s2 =	sld [smem:$0x3FD9]  }
0x89: {  	s3 =	sld [smem:$0x3FFE];
	_ =	sdelay $0x1  }
0x8a: {  	s1 =	srdreg.scid  }
0x8b: {  	s0 =	sand.u32 $0x1, s1  }
0x8c: {  	s17 =	sshll.u32 s0, $0xA;
	s2 =	sadd.s32 s3, s2  }
0x8d: {  	s2 =	sadd.s32 s2, s17  }
0x8e: {  	[smem:$0x3FC5] =	sst s2  }
0x8f: {  	_ = 	snop  }
0x90: {  	s2 =	sld [smem:$0x3FD0];
	(tm) =	ssettm $0x1  }
0x91: {  	s18 =	sld [smem:$0x3FFB];
	_ =	sdelay $0x3  }
0x92: {  	_ =	strace s18  }
0x93: {  	s3 =	sld [smem:$0x3FFC];
	_ =	sdelay $0x3  }
0x94: {  	_ =	strace s3  }
0x95: {  	s3 =	sld [smem:$0x3FFD];
	_ =	sdelay $0x3  }
0x96: {  	_ =	strace s3  }
0x97: {  	_ =	strace $0x8FFFFFFF  }
0x98: {  	s19 =	sld [smem:$0x3FDB];
	_ =	sdelay $0x1  }
0x99: {  	s4 =	simm.s32 $_scs_section_size  }
0x9a: {  	s5 =	simm.s32 $_size__tile_overlayer_lowered;
	s6 =	simm.s32 $_tile_overlayer_lowered  }
0x9b: {  	s22 =	simm.s32 $0x1BFF;
	s21 =	sshll.u32 s6, $0x1;
	s3 =	sadd.s32 s4, s19  }
0x9c: {  	s7 =	simm.s32 $0x0;
	s20 =	sshll.u32 s5, $0x1;
	s5 =	sadd.s32 s21, s3  }
0x9d: {  	[timem:s7], [sflag:s22] =	dma.local [hbm:s5], s20  }
0x9e: {  	_ =	swait.ge [sflag:s22], s20  }
0x9f: {  	s4 =	ssub.s32 $0x0, s20;
	[sflag:s22] =	ssyncset.done $0x0  }
0xa0: {  	[sflag:s22] =	ssyncadd.s32 s4;
	_ =	sdelay $0x1  }
0xa1: {  	s23 =	simm.s32 $0x1B8B  }
0xa2: {  	_ =	swait.ge [sflag:s23], $0x1  }
0xa3: {  	[sflag:s23] =	ssyncset.done $0x0  }
0xa4: {  	s25 =	simm.s32 $0x1B8E;
	s24 =	sld [smem:$0x3FFE];
	[sflag:s23] =	ssyncadd.s32 $0xFFFFFFFF  }
0xa5: {  	s26 =	simm.s32 $execute0_lowered;
	[smem:$0x3FD2] =	sst s25  }
0xa6: {  	s5 =	sshll.u32 s26, $0x1;
	_ =	strace $0x80000046;
	[dreg:$0x1] =	wrdreg $0xFFFFFFFF  }
0xa7: {  	s28 =	simm.s32 $_size_execute0_lowered;
	s3 =	sadd.s32 s3, s5;
	[dreg:$0x0] =	wrdreg $0x0  }
0xa8: {  	s5 =	sshll.u32 s28, $0x1;
	[dreg:$0x2] =	wrdreg s3  }
0xa9: {  	[dreg:$0x3] =	wrdreg s5  }
0xaa: {  	[dreg:$0x4] =	wrdreg $0xC0  }
0xab: {  	_ =	task [dreg:s7], $0x5FFFF  }
0xac: {  	[dreg:$0x1] =	wrdreg $0xFFFFFFFF  }
0xad: {  	[dreg:$0x0] =	wrdreg $0x60  }
0xae: {  	[dreg:$0x2] =	wrdreg s24  }
0xaf: {  	[dreg:$0x3] =	wrdreg s2  }
0xb0: {  	[dreg:$0x4] =	wrdreg $0x9  }
0xb1: {  	_ =	task.clear_ibuf [dreg:s7], $0x5FFFF;
	_ =	strace $0x90000046  }
0xb2: {  	s29 =	simm.s32 $0x9;
	_ =	strace $0x80000048  }
0xb3: {  	_ =	swait.ge [sflag:s29], $0x1  }
0xb4: {  	[sflag:s29] =	ssyncadd.s32 $0xFFFFFFFF  }
0xb5: {  	_ =	strace $0x90000048  }
0xb6: {  	_ =	sfence  }
0xb7: {  	s30 =	sld [smem:$0x0];
	_ =	sdelay $0x2  }
0xb8: {  	s31 =	sshll.u32 s1, $0xD;
	s1 =	sshrl.u32 s1, $0x2  }
0xb9: {  	s3 =	sand.u32 $0x4000, s31;
	s1 =	sadd.s32 s1, s30  }
0xba: {  	s0 =	sor.u32 s3, s0;
	s1 =	sshll.u32 s1, $0x11  }
0xbb: {  	s0 =	sor.u32 s1, s0  }
0xbc: {  	s0 =	sadd.s32 $0x8F2B, s0  }
0xbd: {  	[sflag:s0] =	ssyncadd.remote.s32 $0x1  }
0xbe: {  	_ =	sfence.sel $0xFFFF  }
0xbf: {  	[dreg:$0x0] =	wrdreg $0xFFFFFFFF;
	(pc) =	sbr.abs _section_cstart, $3  }
0xc0: {  	[dreg:$0x1] =	wrdreg $0xFFFFFFFF  }
0xc1: {  	_ =	task.clear_ibuf [dreg:s7], $0x2FFFF;
	_ =	strace $0x9FFFFFFF  }
0xc2: {  	(tm) =	ssettm $0x7FFFFFFF  }
0xc3: {  	_ =	shalt  }
tec
execute0_lowered:
.L_overlay_start_1:
0x0: {  	(tag) =	ssettag $0x1  }
0x1: {  	v0 =	vlaneseq.u32  }
0x2: {  	vm0 =	vmmov $0xffff;
	v22 =	vimm.s32 $0xC3824100;
	v26 =	vimm.s32 $0x7C7  }
0x3: {  	vm15 =	vcmask $0x300;
	vm1 =	vcmask $0xF00;
	vm14 =	vcmask $0x704  }
0x4: {  	vm13 =	vcmask $0xB08;
	vm11 =	vcmask $0x1310;
	vm12 =	vcmask $0xF0C  }
0x5: {  	vm10 =	vcmask $0x1714;
	vm9 =	vcmask $0x1B18;
	vm8 =	vcmask $0x1F1C  }
0x6: {  	vm7 =	vcmask $0x2320;
	vm5 =	vcmask $0x2724;
	vm6 =	vcmask $0x2B28  }
0x7: {  	vm4 =	vcmask $0x2F2C;
	vm3 =	vcmask $0x3330;
	vm2 =	vcmask $0x3734  }
0x8: {  	v29 =	vimm.s32 $0xBC7;
	v30 =	vimm.s32 $0xFC7;
	v31 =	vimm.s32 $0x13C7  }
0x9: {  	v35 =	vimm.s32 $0x17C7;
	v36 =	vimm.s32 $0x1BC7;
	v37 =	vimm.s32 $0x1FC7  }
0xa: {  	v1 =	vmul.u32 $0x8, v0;
	v25 =	vunpack.c.0.s8.s32 v22;
	v26 =	vsel vm15, $0x400, v26  }
0xb: {  	v29 =	vsel vm15, $0x800, v29;
	v30 =	vsel vm15, $0xC00, v30;
	v31 =	vsel vm15, $0x1000, v31  }
0xc: {  	v35 =	vsel vm15, $0x1400, v35;
	v36 =	vsel vm15, $0x1800, v36;
	v37 =	vsel vm15, $0x1C00, v37  }
0xd: {  	v26 =	vsel vm14, $0x441, v26;
	v29 =	vsel vm14, $0x841, v29;
	v30 =	vsel vm14, $0xC41, v30  }
0xe: {  	v31 =	vsel vm14, $0x1041, v31;
	v35 =	vsel vm14, $0x1441, v35;
	v36 =	vsel vm14, $0x1841, v36  }
0xf: {  	v37 =	vsel vm14, $0x1C41, v37;
	v2 =	vor.u32 $0x1, v1;
	v8 =	vor.u32 $0x101, v1  }
0x10: {  	v9 =	vor.u32 $0x102, v1;
	v10 =	vor.u32 $0x180, v1;
	v11 =	vor.u32 $0x181, v1  }
0x11: {  	v12 =	vor.u32 $0x182, v1;
	v13 =	vor.u32 $0x200, v1;
	v14 =	vor.u32 $0x201, v1  }
0x12: {  	v15 =	vor.u32 $0x202, v1;
	v16 =	vor.u32 $0x280, v1;
	v17 =	vor.u32 $0x281, v1  }
0x13: {  	v18 =	vor.u32 $0x282, v1;
	v19 =	vor.u32 $0x300, v1;
	v20 =	vor.u32 $0x301, v1  }
0x14: {  	v21 =	vor.u32 $0x302, v1;
	v22 =	vor.u32 $0x380, v1;
	v23 =	vor.u32 $0x381, v1  }
0x15: {  	v24 =	vor.u32 $0x382, v1;
	v25 =	vand.u32 $0xFF, v25;
	v26 =	vsel vm13, $0x482, v26  }
0x16: {  	v29 =	vsel vm13, $0x882, v29;
	v30 =	vsel vm13, $0xC82, v30;
	v31 =	vsel vm13, $0x1082, v31  }
0x17: {  	v35 =	vsel vm13, $0x1482, v35;
	v36 =	vsel vm13, $0x1882, v36;
	v37 =	vsel vm13, $0x1C82, v37  }
0x18: {  	[tilespmem:$0x1FFA0] =	vst v2;
	v2 =	vor.u32 $0x2, v1;
	v25 =	vnsel vm1, $0x3C7, v25;
	v26 =	vsel vm12, $0x4C3, v26  }
0x19: {  	vm1 =	vcmask $0x3B38;
	v29 =	vsel vm12, $0x8C3, v29;
	v30 =	vsel vm12, $0xCC3, v30  }
0x1a: {  	v31 =	vsel vm12, $0x10C3, v31;
	v35 =	vsel vm12, $0x14C3, v35;
	v36 =	vsel vm12, $0x18C3, v36  }
0x1b: {  	v37 =	vsel vm12, $0x1CC3, v37;
	[tilespmem:$0x1FFB0] =	vst v2;
	v2 =	vor.u32 $0x80, v1;
	v25 =	vsel vm11, $0x104, v25  }
0x1c: {  	v26 =	vsel vm11, $0x504, v26;
	v29 =	vsel vm11, $0x904, v29;
	v30 =	vsel vm11, $0xD04, v30  }
0x1d: {  	v31 =	vsel vm11, $0x1104, v31;
	v35 =	vsel vm11, $0x1504, v35;
	v36 =	vsel vm11, $0x1904, v36  }
0x1e: {  	v37 =	vsel vm11, $0x1D04, v37;
	[tilespmem:$0x1FFC0] =	vst v2;
	v2 =	vor.u32 $0x81, v1;
	v25 =	vsel vm10, $0x145, v25  }
0x1f: {  	v26 =	vsel vm10, $0x545, v26;
	v29 =	vsel vm10, $0x945, v29;
	v30 =	vsel vm10, $0xD45, v30  }
0x20: {  	v31 =	vsel vm10, $0x1145, v31;
	v35 =	vsel vm10, $0x1545, v35;
	v36 =	vsel vm10, $0x1945, v36  }
0x21: {  	v37 =	vsel vm10, $0x1D45, v37;
	[tilespmem:$0x1FFD0] =	vst v2;
	v2 =	vor.u32 $0x82, v1;
	v25 =	vsel vm9, $0x186, v25  }
0x22: {  	v26 =	vsel vm9, $0x586, v26;
	v29 =	vsel vm9, $0x986, v29;
	v30 =	vsel vm9, $0xD86, v30  }
0x23: {  	v31 =	vsel vm9, $0x1186, v31;
	v35 =	vsel vm9, $0x1586, v35;
	v36 =	vsel vm9, $0x1986, v36  }
0x24: {  	v37 =	vsel vm9, $0x1D86, v37;
	[tilespmem:$0x1FFE0] =	vst v2;
	v2 =	vor.u32 $0x100, v1;
	v25 =	vsel vm8, $0x1C7, v25  }
0x25: {  	v26 =	vsel vm8, $0x5C7, v26;
	v29 =	vsel vm8, $0x9C7, v29;
	v30 =	vsel vm8, $0xDC7, v30  }
0x26: {  	v31 =	vsel vm8, $0x11C7, v31;
	v35 =	vsel vm8, $0x15C7, v35;
	v36 =	vsel vm8, $0x19C7, v36  }
0x27: {  	v37 =	vsel vm8, $0x1DC7, v37;
	v25 =	vsel vm7, $0x200, v25;
	v26 =	vsel vm7, $0x600, v26  }
0x28: {  	v29 =	vsel vm7, $0xA00, v29;
	v30 =	vsel vm7, $0xE00, v30;
	v31 =	vsel vm7, $0x1200, v31  }
0x29: {  	v35 =	vsel vm7, $0x1600, v35;
	v36 =	vsel vm7, $0x1A00, v36;
	v37 =	vsel vm7, $0x1E00, v37  }
0x2a: {  	v25 =	vsel vm5, $0x241, v25;
	v26 =	vsel vm5, $0x641, v26;
	v29 =	vsel vm5, $0xA41, v29  }
0x2b: {  	v30 =	vsel vm5, $0xE41, v30;
	v31 =	vsel vm5, $0x1241, v31;
	v35 =	vsel vm5, $0x1641, v35  }
0x2c: {  	v36 =	vsel vm5, $0x1A41, v36;
	v37 =	vsel vm5, $0x1E41, v37;
	v25 =	vsel vm6, $0x282, v25  }
0x2d: {  	v26 =	vsel vm6, $0x682, v26;
	v29 =	vsel vm6, $0xA82, v29;
	v30 =	vsel vm6, $0xE82, v30  }
0x2e: {  	s0 =	rddreg [dreg:$0x0];
	v31 =	vsel vm6, $0x1282, v31;
	v35 =	vsel vm6, $0x1682, v35;
	v36 =	vsel vm6, $0x1A82, v36  }
0x2f: {  	s1 =	rddreg [dreg:$0x1];
	s3 =	srdreg.scid;
	s2 =	simm.s32 $0x0;
	v37 =	vsel vm6, $0x1E82, v37;
	v25 =	vsel vm4, $0x2C3, v25;
	v26 =	vsel vm4, $0x6C3, v26  }
0x30: {  	s4 =	stileid.u32;
	s7 =	simm.s32 $0x9;
	s8 =	simm.s32 $0x400;
	v29 =	vsel vm4, $0xAC3, v29;
	v30 =	vsel vm4, $0xEC3, v30;
	v31 =	vsel vm4, $0x12C3, v31  }
0x31: {  	s9 =	simm.s32 $0x2400;
	s10 =	simm.s32 $0x4400;
	s28 =	simm.s32 $0x3C00;
	v35 =	vsel vm4, $0x16C3, v35;
	v36 =	vsel vm4, $0x1AC3, v36;
	v37 =	vsel vm4, $0x1EC3, v37  }
0x32: {  	s29 =	simm.s32 $0x5C00;
	s30 =	simm.s32 $0x2000;
	s31 =	simm.s32 $0x4000;
	v25 =	vsel vm3, $0x304, v25;
	v26 =	vsel vm3, $0x704, v26;
	v29 =	vsel vm3, $0xB04, v29  }
0x33: {  	s11 =	simm.s32 $0x2;
	s12 =	simm.s32 $0x3;
	s13 =	simm.s32 $0x4;
	v32 =	vsel vm3, $0xF04, v30;
	v33 =	vsel vm3, $0x1304, v31;
	v35 =	vsel vm3, $0x1704, v35  }
0x34: {  	s14 =	simm.s32 $0x5;
	s15 =	simm.s32 $0x6;
	s16 =	simm.s32 $0x8;
	v36 =	vsel vm3, $0x1B04, v36;
	v37 =	vsel vm3, $0x1F04, v37;
	v27 =	vsel vm2, $0x345, v25  }
0x35: {  	s17 =	simm.s32 $0x6400;
	s18 =	simm.s32 $0x0;
	s3 =	sand.u32 $0x1, s3;
	v25 =	vmul.u32 $0x40, v0;
	v28 =	vsel vm2, $0x745, v26;
	v29 =	vsel vm2, $0xB45, v29  }
0x36: {  	s4 =	sshll.u32 s4, $0x8;
	s5 =	sshll.u32 s3, $0x7;
	s25 =	ssub.s32 $0x2, s3;
	v32 =	vsel vm2, $0xF45, v32;
	v33 =	vsel vm2, $0x1345, v33;
	v35 =	vsel vm2, $0x1745, v35  }
0x37: {  	[smem:$0x7FF] =	sst s2;
	s5 =	sor.u32 s5, s4;
	s26 =	sshrl.u32 s25, $0x1;
	v38 =	vsel vm2, $0x1B45, v36;
	v39 =	vsel vm2, $0x1F45, v37;
	v26 =	vsel vm1, $0x386, v27  }
0x38: {  	s3 =	sadd.s32 $0x1A00, s0;
	s6 =	sadd.s32 s5, s0;
	s0 =	ssub.s32 s25, s26;
	v27 =	vsel vm1, $0x786, v28;
	v29 =	vsel vm1, $0xB86, v29;
	v31 =	vsel vm1, $0xF86, v32  }
0x39: {  	s5 =	sshrl.u32 s5, $0x3;
	s25 =	simm.s32 $0x5800;
	s26 =	simm.s32 $0x1C00;
	v33 =	vsel vm1, $0x1386, v33;
	v35 =	vsel vm1, $0x1786, v35;
	v37 =	vsel vm1, $0x1B86, v38  }
0x3a: {  	s4 =	sadd.s32 $0xA00, s6;
	s5 =	sadd.s32 s1, s5;
	s6 =	smax.u32 s0, $0x1;
	[tilespmem:$0x1FFF0] =	vst v2;
	v38 =	vsel vm1, $0x1F86, v39;
	v28 =	vor.u32 $0x400, v25;
	v30 =	vor.u32 $0x800, v25  }
0x3b: {  	s0 =	simm.s32 $0x6000;
	s1 =	simm.s32 $0x1;
	_ =	strace $0x80000047;
	v32 =	vor.u32 $0xC00, v25;
	v34 =	vor.u32 $0x1000, v25;
	v36 =	vor.u32 $0x1400, v25  }
.LBB2_1:
0x3c: {  	[tilespmem:s2], [sflag:$0x9] =	stream.linear.gather [hbm4b:s4+s2], $0x400, $0x38;
	[tilespmem:$0x6480] =	vst v63  }
0x3d: {  	_ =	swait.ge [sflag:s7], $0x400  }
0x3e: {  	v2 =	vld [tilespmem:$0x1FFA0];
	_ =	sdelay $0x5  }
0x3f: {  	[sflag:s7] =	ssyncset.done $0x0  }
0x40: {  	[sflag:s7] =	ssyncadd.s32 $0xFFFFFC00  }
0x41: {  	v40 =	vld.idx.msk [tilespmem:v2+s2+$0x0], $0xffff  }
0x42: {  	v2 =	vld [tilespmem:$0x1FFB0];
	_ =	sdelay $0x3  }
0x43: {  	v39 =	vld.idx.msk [tilespmem:v1+s2+$0x0], $0xffff;
	_ =	sdelay $0x3  }
0x44: {  	v41 =	vld.idx.msk [tilespmem:v2+s2+$0x0], $0xffff  }
0x45: {  	v40 =	vadd.s32 $0x400, v40;
	v2 =	vld [tilespmem:$0x1FFC0];
	_ =	sdelay $0x2  }
0x46: {  	[tilespmem:s8], [sflag:$0x1] =	stream.indirect_vreg.gather [hbm4b:s3+s2], $0x40, v39, vm0, $0xb8;
	[tilespmem:$0x6480] =	vst v63  }
0x47: {  	_ = 	snop  }
0x48: {  	[tilespmem:s9], [sflag:$0x1] =	stream.indirect_vreg.gather [hbm4b:s3+s2], $0x40, v40, vm0, $0xb8;
	[tilespmem:$0x6480] =	vst v63  }
0x49: {  	_ = 	snop  }
0x4a: {  	[tilespmem:s10], [sflag:$0x1] =	stream.indirect_vreg.gather [hbm4b:s3+s2], $0x40, v41, vm0, $0xb8;
	[tilespmem:$0x6480] =	vst v63  }
0x4b: {  	v39 =	vld.idx.msk [tilespmem:v2+s2+$0x0], $0xffff  }
0x4c: {  	v2 =	vld [tilespmem:$0x1FFD0];
	_ =	sdelay $0x7  }
0x4d: {  	v40 =	vld.idx.msk [tilespmem:v2+s2+$0x0], $0xffff  }
0x4e: {  	v2 =	vld [tilespmem:$0x1FFE0];
	_ =	sdelay $0x7  }
0x4f: {  	v41 =	vld.idx.msk [tilespmem:v2+s2+$0x0], $0xffff  }
0x50: {  	v40 =	vadd.s32 $0x400, v40;
	v2 =	vld [tilespmem:$0x1FFF0];
	_ =	sdelay $0x1  }
0x51: {  	s19 =	simm.s32 $0x800  }
0x52: {  	[tilespmem:s19], [sflag:$0x2] =	stream.indirect_vreg.gather [hbm4b:s3+s2], $0x40, v39, vm0, $0xb8;
	[tilespmem:$0x6480] =	vst v63  }
0x53: {  	s23 =	simm.s32 $0x2800  }
0x54: {  	[tilespmem:s23], [sflag:$0x2] =	stream.indirect_vreg.gather [hbm4b:s3+s2], $0x40, v40, vm0, $0xb8;
	[tilespmem:$0x6480] =	vst v63  }
0x55: {  	s24 =	simm.s32 $0x4800  }
0x56: {  	[tilespmem:s24], [sflag:$0x2] =	stream.indirect_vreg.gather [hbm4b:s3+s2], $0x40, v41, vm0, $0xb8;
	[tilespmem:$0x6480] =	vst v63  }
0x57: {  	v39 =	vld.idx.msk [tilespmem:v2+s2+$0x0], $0xffff  }
0x58: {  	v40 =	vld.idx.msk [tilespmem:v8+s2+$0x0], $0xffff;
	_ =	sdelay $0x3  }
0x59: {  	v41 =	vld.idx.msk [tilespmem:v9+s2+$0x0], $0xffff  }
0x5a: {  	v40 =	vadd.s32 $0x400, v40;
	_ =	sdelay $0x1  }
0x5b: {  	s20 =	simm.s32 $0xC00  }
0x5c: {  	[tilespmem:s20], [sflag:$0x3] =	stream.indirect_vreg.gather [hbm4b:s3+s2], $0x40, v39, vm0, $0xb8;
	[tilespmem:$0x6480] =	vst v63  }
0x5d: {  	s21 =	simm.s32 $0x2C00  }
0x5e: {  	[tilespmem:s21], [sflag:$0x3] =	stream.indirect_vreg.gather [hbm4b:s3+s2], $0x40, v40, vm0, $0xb8;
	[tilespmem:$0x6480] =	vst v63  }
0x5f: {  	s22 =	simm.s32 $0x4C00  }
0x60: {  	[tilespmem:s22], [sflag:$0x3] =	stream.indirect_vreg.gather [hbm4b:s3+s2], $0x40, v41, vm0, $0xb8;
	[tilespmem:$0x6480] =	vst v63  }
0x61: {  	v39 =	vld.idx.msk [tilespmem:v10+s2+$0x0], $0xffff  }
0x62: {  	v40 =	vld.idx.msk [tilespmem:v11+s2+$0x0], $0xffff;
	_ =	sdelay $0x3  }
0x63: {  	v41 =	vld.idx.msk [tilespmem:v12+s2+$0x0], $0xffff  }
0x64: {  	v40 =	vadd.s32 $0x400, v40;
	_ =	sdelay $0x1  }
0x65: {  	s23 =	simm.s32 $0x1000  }
0x66: {  	[tilespmem:s23], [sflag:$0x4] =	stream.indirect_vreg.gather [hbm4b:s3+s2], $0x40, v39, vm0, $0xb8;
	[tilespmem:$0x6480] =	vst v63  }
0x67: {  	s24 =	simm.s32 $0x3000  }
0x68: {  	[tilespmem:s24], [sflag:$0x4] =	stream.indirect_vreg.gather [hbm4b:s3+s2], $0x40, v40, vm0, $0xb8;
	[tilespmem:$0x6480] =	vst v63  }
0x69: {  	s20 =	simm.s32 $0x5000  }
0x6a: {  	[tilespmem:s20], [sflag:$0x4] =	stream.indirect_vreg.gather [hbm4b:s3+s2], $0x40, v41, vm0, $0xb8;
	[tilespmem:$0x6480] =	vst v63  }
0x6b: {  	v39 =	vld.idx.msk [tilespmem:v13+s2+$0x0], $0xffff  }
0x6c: {  	v40 =	vld.idx.msk [tilespmem:v14+s2+$0x0], $0xffff;
	_ =	sdelay $0x3  }
0x6d: {  	v41 =	vld.idx.msk [tilespmem:v15+s2+$0x0], $0xffff  }
0x6e: {  	v40 =	vadd.s32 $0x400, v40;
	_ =	sdelay $0x1  }
0x6f: {  	s21 =	simm.s32 $0x1400  }
0x70: {  	[tilespmem:s21], [sflag:$0x5] =	stream.indirect_vreg.gather [hbm4b:s3+s2], $0x40, v39, vm0, $0xb8;
	[tilespmem:$0x6480] =	vst v63  }
0x71: {  	s22 =	simm.s32 $0x3400  }
0x72: {  	[tilespmem:s22], [sflag:$0x5] =	stream.indirect_vreg.gather [hbm4b:s3+s2], $0x40, v40, vm0, $0xb8;
	[tilespmem:$0x6480] =	vst v63  }
0x73: {  	s23 =	simm.s32 $0x5400  }
0x74: {  	[tilespmem:s23], [sflag:$0x5] =	stream.indirect_vreg.gather [hbm4b:s3+s2], $0x40, v41, vm0, $0xb8;
	[tilespmem:$0x6480] =	vst v63  }
0x75: {  	v39 =	vld.idx.msk [tilespmem:v16+s2+$0x0], $0xffff  }
0x76: {  	v40 =	vld.idx.msk [tilespmem:v17+s2+$0x0], $0xffff;
	_ =	sdelay $0x3  }
0x77: {  	v41 =	vld.idx.msk [tilespmem:v18+s2+$0x0], $0xffff  }
0x78: {  	v40 =	vadd.s32 $0x400, v40;
	_ =	sdelay $0x1  }
0x79: {  	s24 =	simm.s32 $0x1800  }
0x7a: {  	[tilespmem:s24], [sflag:$0x6] =	stream.indirect_vreg.gather [hbm4b:s3+s2], $0x40, v39, vm0, $0xb8;
	[tilespmem:$0x6480] =	vst v63  }
0x7b: {  	s20 =	simm.s32 $0x3800  }
0x7c: {  	[tilespmem:s20], [sflag:$0x6] =	stream.indirect_vreg.gather [hbm4b:s3+s2], $0x40, v40, vm0, $0xb8;
	[tilespmem:$0x6480] =	vst v63  }
0x7d: {  	_ = 	snop  }
0x7e: {  	[tilespmem:s25], [sflag:$0x6] =	stream.indirect_vreg.gather [hbm4b:s3+s2], $0x40, v41, vm0, $0xb8;
	[tilespmem:$0x6480] =	vst v63  }
0x7f: {  	v39 =	vld.idx.msk [tilespmem:v19+s2+$0x0], $0xffff  }
0x80: {  	v40 =	vld.idx.msk [tilespmem:v20+s2+$0x0], $0xffff;
	_ =	sdelay $0x3  }
0x81: {  	v41 =	vld.idx.msk [tilespmem:v21+s2+$0x0], $0xffff  }
0x82: {  	v40 =	vadd.s32 $0x400, v40;
	_ =	sdelay $0x2  }
0x83: {  	[tilespmem:s26], [sflag:$0x7] =	stream.indirect_vreg.gather [hbm4b:s3+s2], $0x40, v39, vm0, $0xb8;
	[tilespmem:$0x6480] =	vst v63  }
0x84: {  	_ = 	snop  }
0x85: {  	[tilespmem:s28], [sflag:$0x7] =	stream.indirect_vreg.gather [hbm4b:s3+s2], $0x40, v40, vm0, $0xb8;
	[tilespmem:$0x6480] =	vst v63  }
0x86: {  	_ = 	snop  }
0x87: {  	[tilespmem:s29], [sflag:$0x7] =	stream.indirect_vreg.gather [hbm4b:s3+s2], $0x40, v41, vm0, $0xb8;
	[tilespmem:$0x6480] =	vst v63  }
0x88: {  	v39 =	vld.idx.msk [tilespmem:v22+s2+$0x0], $0xffff  }
0x89: {  	v40 =	vld.idx.msk [tilespmem:v23+s2+$0x0], $0xffff;
	_ =	sdelay $0x3  }
0x8a: {  	v41 =	vld.idx.msk [tilespmem:v24+s2+$0x0], $0xffff  }
0x8b: {  	v40 =	vadd.s32 $0x400, v40;
	_ =	sdelay $0x2  }
0x8c: {  	[tilespmem:s30], [sflag:$0x8] =	stream.indirect_vreg.gather [hbm4b:s3+s2], $0x40, v39, vm0, $0xb8;
	[tilespmem:$0x6480] =	vst v63  }
0x8d: {  	_ = 	snop  }
0x8e: {  	[tilespmem:s31], [sflag:$0x8] =	stream.indirect_vreg.gather [hbm4b:s3+s2], $0x40, v40, vm0, $0xb8;
	[tilespmem:$0x6480] =	vst v63  }
0x8f: {  	_ = 	snop  }
0x90: {  	[tilespmem:s0], [sflag:$0x8] =	stream.indirect_vreg.gather [hbm4b:s3+s2], $0x40, v41, vm0, $0xb8;
	[tilespmem:$0x6480] =	vst v63  }
0x91: {  	_ =	swait.ge [sflag:s1], $0x400  }
0x92: {  	s21 =	simm.s32 $0x7;
	[sflag:s1] =	ssyncset.done $0x0  }
0x93: {  	v57 =	vadd.s32 s21, v0;
	s22 =	simm.s32 $0x5;
	[sflag:s1] =	ssyncadd.s32 $0xFFFFFC00  }
0x94: {  	v58 =	vadd.s32 s22, v0;
	s20 =	simm.s32 $0x4;
	v39 =	vand.u32 $0x3F, v57;
	_ =	swait.ge [sflag:s1], $0x400  }
0x95: {  	s24 =	simm.s32 $0x2;
	v59 =	vadd.s32 s20, v0;
	v45 =	vor.u32 v25, v39;
	v40 =	vand.u32 $0x3F, v58;
	[sflag:s1] =	ssyncset.done $0x0  }
0x96: {  	s21 =	simm.s32 $0x1;
	v61 =	vadd.s32 s24, v0;
	v42 =	vor.u32 v25, v40;
	v41 =	vand.u32 $0x3F, v59;
	[sflag:s1] =	ssyncadd.s32 $0xFFFFFC00  }
0x97: {  	v62 =	vadd.s32 s21, v0;
	s22 =	simm.s32 $0x0;
	v40 =	vand.u32 $0x3F, v61;
	v43 =	vor.u32 v25, v41;
	_ =	swait.ge [sflag:s1], $0x400  }
0x98: {  	v44 =	vadd.s32 s22, v0;
	v46 =	vor.u32 v25, v40;
	v41 =	vand.u32 $0x3F, v62;
	[sflag:s1] =	ssyncset.done $0x0  }
0x99: {  	v44 =	vand.u32 $0x38, v44;
	v47 =	vor.u32 v25, v41;
	[sflag:s1] =	ssyncadd.s32 $0xFFFFFC00  }
0x9a: {  	v44 =	vor.u32 v26, v44;
	v40 =	vld.idx.msk [tilespmem:v45+s8+$0x0], $0xffff  }
0x9b: {  	v41 =	vld.idx.msk [tilespmem:v42+s10+$0x0], $0xffff  }
0x9c: {  	v55 =	vld.idx.msk [tilespmem:v43+s10+$0x0], $0xffff  }
0x9d: {  	v49 =	vld.idx.msk [tilespmem:v46+s10+$0x0], $0xffff  }
0x9e: {  	s23 =	simm.s32 $0x3;
	v48 =	vld.idx.msk [tilespmem:v47+s10+$0x0], $0xffff  }
0x9f: {  	v60 =	vadd.s32 s23, v0;
	v51 =	vld.idx.msk [tilespmem:v44+s10+$0x0], $0xffff  }
0xa0: {  	v39 =	vand.u32 $0x3F, v60;
	v52 =	vld.idx.msk [tilespmem:v44+s8+$0x0], $0xffff  }
0xa1: {  	v39 =	vor.u32 v25, v39;
	v44 =	vld.idx.msk [tilespmem:v44+s9+$0x0], $0xffff  }
0xa2: {  	v53 =	vld.idx.msk [tilespmem:v47+s8+$0x0], $0xffff  }
0xa3: {  	s23 =	simm.s32 $0xC;
	v47 =	vld.idx.msk [tilespmem:v47+s9+$0x0], $0xffff  }
0xa4: {  	v54 =	vadd.s32 s23, v0;
	s23 =	simm.s32 $0x9;
	v57 =	vld.idx.msk [tilespmem:v46+s8+$0x0], $0xffff  }
0xa5: {  	s21 =	simm.s32 $0x6;
	v2 =	vadd.s32 s23, v0;
	v54 =	vand.u32 $0x3F, v54;
	s24 =	simm.s32 $0xD;
	v46 =	vld.idx.msk [tilespmem:v46+s9+$0x0], $0xffff  }
0xa6: {  	s19 =	simm.s32 $0xF;
	v2 =	vand.u32 $0x3F, v2;
	v56 =	vadd.s32 s24, v0;
	v58 =	vadd.s32 s21, v0;
	v63 =	vld.idx.msk [tilespmem:v39+s8+$0x0], $0xffff  }
0xa7: {  	v56 =	vand.u32 $0x3F, v56;
	v60 =	vadd.s32 s19, v0;
	v58 =	vand.u32 $0x3F, v58;
	v3 =	vld.idx.msk [tilespmem:v39+s9+$0x0], $0xffff  }
0xa8: {  	s21 =	simm.s32 $0xA;
	v60 =	vand.u32 $0x3F, v60;
	v58 =	vor.u32 v25, v58;
	v50 =	vld.idx.msk [tilespmem:v39+s10+$0x0], $0xffff;
	v44 =	vadd.f32 v44, v52  }
0xa9: {  	s22 =	simm.s32 $0xB;
	v61 =	vadd.s32 s21, v0;
	v59 =	vimm.f32 $1.200000000e+01;
	v39 =	vor.u32 v25, v60;
	v60 =	vld.idx.msk [tilespmem:v43+s8+$0x0], $0xffff  }
0xaa: {  	v62 =	vadd.s32 s22, v0;
	v4 =	vld.idx.msk [tilespmem:v42+s9+$0x0], $0xffff;
	v47 =	vadd.f32 v47, v53;
	v44 =	vsub.f32 v44, v51  }
0xab: {  	v61 =	vand.u32 $0x3F, v61;
	v53 =	vld.idx.msk [tilespmem:v43+s9+$0x0], $0xffff;
	v43 =	vand.u32 $0x3F, v62;
	v46 =	vadd.f32 v46, v57  }
0xac: {  	s24 =	simm.s32 $0x8;
	v62 =	vld.idx.msk [tilespmem:v42+s8+$0x0], $0xffff;
	v3 =	vadd.f32 v3, v63;
	v47 =	vsub.f32 v47, v48;
	v44 =	vand.u32 $0x7FFFFFFF, v44  }
0xad: {  	v52 =	vadd.s32 s24, v0;
	v42 =	vor.u32 v25, v56;
	v48 =	vld.idx.msk [tilespmem:v58+s8+$0x0], $0xffff;
	v56 =	vsub.f32 v59, v44  }
0xae: {  	v46 =	vsub.f32 v46, v49;
	v51 =	vld.idx.msk [tilespmem:v58+s9+$0x0], $0xffff;
	v3 =	vsub.f32 v3, v50;
	v47 =	vand.u32 $0x7FFFFFFF, v47  }
0xaf: {  	v49 =	vld.idx.msk [tilespmem:v45+s9+$0x0], $0xffff;
	v44 =	vor.u32 v25, v43;
	v43 =	vor.u32 v25, v54;
	v54 =	vsub.f32 v56, v47  }
0xb0: {  	v52 =	vand.u32 $0x38, v52;
	v50 =	vld.idx.msk [tilespmem:v45+s10+$0x0], $0xffff;
	v63 =	vadd.f32 v53, v60;
	v56 =	vand.u32 $0x7FFFFFFF, v46  }
0xb1: {  	v57 =	vand.u32 $0x7FFFFFFF, v3;
	v53 =	vld.idx.msk [tilespmem:v58+s10+$0x0], $0xffff;
	v46 =	vor.u32 v25, v61;
	v54 =	vsub.f32 v54, v56  }
0xb2: {  	s20 =	simm.s32 $0x17;
	v45 =	vld.idx.msk [tilespmem:v39+s8+$0x0], $0xffff;
	v47 =	vor.u32 v25, v2;
	v55 =	vsub.f32 v63, v55;
	v56 =	vadd.f32 v4, v62  }
.LBB2_2:
0xb3: {  	p0 =	sne.s32 s20, $0x3F;
	v2 =	vor.u32 v26, v52;
	v3 =	vld.idx.msk [tilespmem:v42+s10+$0x0], $0xffff;
	v4 =	vsub.f32 v54, v57  }
0xb4: {  	v48 =	vadd.f32 v51, v48;
	v58 =	vld.idx.msk [tilespmem:v43+s10+$0x0], $0xffff;
	v52 =	vand.u32 $0x7FFFFFFF, v55;
	v41 =	vsub.f32 v56, v41  }
0xb5: {  	v54 =	vld.idx.msk [tilespmem:v44+s10+$0x0], $0xffff;
	v4 =	vsub.f32 v4, v52  }
0xb6: {  	v5 =	vadd.f32 v49, v40;
	v48 =	vsub.f32 v48, v53;
	v51 =	vld.idx.msk [tilespmem:v46+s10+$0x0], $0xffff;
	v41 =	vand.u32 $0x7FFFFFFF, v41  }
0xb7: {  	v49 =	vld.idx.msk [tilespmem:v47+s10+$0x0], $0xffff;
	v4 =	vsub.f32 v4, v41  }
0xb8: {  	v6 =	vand.u32 $0x7FFFFFFF, v48;
	v48 =	vsub.f32 v5, v50;
	v40 =	vmov v45;
	v52 =	vld.idx.msk [tilespmem:v2+s10+$0x0], $0xffff  }
0xb9: {  	v45 =	vld.idx.msk [tilespmem:v2+s8+$0x0], $0xffff;
	v4 =	vsub.f32 v4, v6;
	v41 =	vmov v3  }
0xba: {  	v3 =	vand.u32 $0x7FFFFFFF, v48;
	v2 =	vld.idx.msk [tilespmem:v2+s9+$0x0], $0xffff  }
0xbb: {  	v48 =	vld.idx.msk [tilespmem:v47+s8+$0x0], $0xffff;
	v3 =	vsub.f32 v4, v3  }
0xbc: {  	v4 =	vadd.s32 s20, v0;
	v47 =	vld.idx.msk [tilespmem:v47+s9+$0x0], $0xffff  }
0xbd: {  	s21 =	sadd.s32 $0xFFFFFFFD, s20;
	s22 =	sadd.s32 $0xFFFFFFFE, s20;
	s19 =	sadd.s32 $0xFFFFFFFF, s19;
	v4 =	vand.u32 $0x3F, v4;
	v50 =	vld.idx.msk [tilespmem:v46+s8+$0x0], $0xffff  }
0xbe: {  	s23 =	sadd.s32 $0xFFFFFFFB, s20;
	s24 =	sadd.s32 $0xFFFFFFFC, s20;
	v55 =	vadd.s32 s22, v0;
	v56 =	vadd.s32 s19, v0;
	s19 =	smov.u32 s20;
	v53 =	vadd.s32 s21, v0;
	v46 =	vld.idx.msk [tilespmem:v46+s9+$0x0], $0xffff  }
0xbf: {  	v57 =	vadd.s32 s23, v0;
	v59 =	vadd.s32 s24, v0;
	s21 =	sadd.s32 $0xFFFFFFFA, s20;
	v56 =	vand.u32 $0x3F, v56;
	v60 =	vld.idx.msk [tilespmem:v44+s8+$0x0], $0xffff  }
0xc0: {  	s22 =	sadd.s32 $0xFFFFFFF9, s20;
	v61 =	vadd.s32 s21, v0;
	v2 =	vadd.f32 v2, v45;
	v45 =	vor.u32 v25, v56;
	v44 =	vld.idx.msk [tilespmem:v44+s9+$0x0], $0xffff  }
0xc1: {  	v55 =	vand.u32 $0x3F, v55;
	v4 =	vor.u32 v25, v4;
	v56 =	vadd.s32 s22, v0;
	v62 =	vld.idx.msk [tilespmem:v43+s8+$0x0], $0xffff  }
0xc2: {  	v53 =	vand.u32 $0x3F, v53;
	v2 =	vsub.f32 v2, v52;
	v47 =	vadd.f32 v47, v48;
	v63 =	vld.idx.msk [tilespmem:v43+s9+$0x0], $0xffff  }
0xc3: {  	v57 =	vand.u32 $0x3F, v57;
	v61 =	vand.u32 $0x3F, v61;
	v43 =	vand.u32 $0x3F, v59;
	v59 =	vld.idx.msk [tilespmem:v42+s8+$0x0], $0xffff  }
0xc4: {  	v2 =	vand.u32 $0x7FFFFFFF, v2;
	v47 =	vsub.f32 v47, v49;
	v46 =	vadd.f32 v46, v50;
	v5 =	vld.idx.msk [tilespmem:v42+s9+$0x0], $0xffff  }
0xc5: {  	v52 =	vand.u32 $0x38, v56;
	v42 =	vor.u32 v25, v55;
	v2 =	vsub.f32 v3, v2;
	v48 =	vld.idx.msk [tilespmem:v45+s8+$0x0], $0xffff  }
.Ltmp0:
0xc6: {  	v3 =	vand.u32 $0x7FFFFFFF, v47;
	v46 =	vsub.f32 v46, v51;
	v47 =	vadd.f32 v44, v60;
	v51 =	vld.idx.msk [tilespmem:v45+s9+$0x0], $0xffff;
	(pc) =	sbr.rel @p0 .LBB2_2-.Ltmp0, $4  }
0xc7: {  	v44 =	vor.u32 v25, v43;
	v43 =	vor.u32 v25, v53;
	v2 =	vsub.f32 v2, v3;
	v49 =	vld.idx.msk [tilespmem:v39+s9+$0x0], $0xffff  }
0xc8: {  	v3 =	vand.u32 $0x7FFFFFFF, v46;
	v55 =	vsub.f32 v47, v54;
	v56 =	vadd.f32 v63, v62;
	v53 =	vld.idx.msk [tilespmem:v45+s10+$0x0], $0xffff  }
0xc9: {  	v47 =	vor.u32 v25, v61;
	v46 =	vor.u32 v25, v57;
	v54 =	vsub.f32 v2, v3;
	v50 =	vld.idx.msk [tilespmem:v39+s10+$0x0], $0xffff  }
0xca: {  	s20 =	sadd.s32 $0x8, s20;
	v57 =	vand.u32 $0x7FFFFFFF, v55;
	v55 =	vsub.f32 v56, v58;
	v56 =	vadd.f32 v5, v59;
	v39 =	vmovc v4;
	v45 =	vld.idx.msk [tilespmem:v4+s8+$0x0], $0xffff  }
0xcb: {  	_ =	sdelay $0x3  }
0xcc: {  	v2 =	vor.u32 v26, v52;
	v3 =	vld.idx.msk [tilespmem:v42+s10+$0x0], $0xffff  }
0xcd: {  	v4 =	vld.idx.msk [tilespmem:v43+s10+$0x0], $0xffff  }
0xce: {  	v5 =	vld.idx.msk [tilespmem:v44+s10+$0x0], $0xffff  }
0xcf: {  	v52 =	vld.idx.msk [tilespmem:v46+s10+$0x0], $0xffff  }
0xd0: {  	v58 =	vld.idx.msk [tilespmem:v47+s10+$0x0], $0xffff  }
0xd1: {  	v59 =	vld.idx.msk [tilespmem:v2+s10+$0x0], $0xffff  }
0xd2: {  	v60 =	vld.idx.msk [tilespmem:v2+s8+$0x0], $0xffff  }
0xd3: {  	v54 =	vsub.f32 v54, v57;
	v2 =	vld.idx.msk [tilespmem:v2+s9+$0x0], $0xffff  }
0xd4: {  	v48 =	vadd.f32 v51, v48;
	v63 =	vand.u32 $0x7FFFFFFF, v55;
	v41 =	vsub.f32 v56, v41;
	v55 =	vld.idx.msk [tilespmem:v47+s8+$0x0], $0xffff  }
0xd5: {  	v56 =	vld.idx.msk [tilespmem:v47+s9+$0x0], $0xffff;
	v40 =	vadd.f32 v49, v40;
	v51 =	vsub.f32 v54, v63  }
0xd6: {  	s19 =	sadd.s32 $0xFFFFFFFF, s19;
	v49 =	vld.idx.msk [tilespmem:v46+s8+$0x0], $0xffff;
	v48 =	vsub.f32 v48, v53;
	v41 =	vand.u32 $0x7FFFFFFF, v41  }
0xd7: {  	v46 =	vld.idx.msk [tilespmem:v46+s9+$0x0], $0xffff;
	v57 =	vadd.s32 s19, v0;
	v40 =	vsub.f32 v40, v50;
	v41 =	vsub.f32 v51, v41  }
0xd8: {  	v61 =	vld.idx.msk [tilespmem:v44+s8+$0x0], $0xffff;
	v48 =	vand.u32 $0x7FFFFFFF, v48;
	v51 =	vand.u32 $0x3F, v57;
	v2 =	vadd.f32 v2, v60  }
0xd9: {  	v62 =	vld.idx.msk [tilespmem:v44+s9+$0x0], $0xffff;
	v63 =	vor.u32 v25, v51;
	v41 =	vsub.f32 v41, v48  }
0xda: {  	v54 =	vld.idx.msk [tilespmem:v43+s8+$0x0], $0xffff;
	v40 =	vand.u32 $0x7FFFFFFF, v40;
	v47 =	vadd.f32 v56, v55;
	v2 =	vsub.f32 v2, v59  }
0xdb: {  	v56 =	vld.idx.msk [tilespmem:v43+s9+$0x0], $0xffff;
	v40 =	vsub.f32 v41, v40  }
0xdc: {  	v57 =	vld.idx.msk [tilespmem:v42+s8+$0x0], $0xffff;
	v46 =	vadd.f32 v46, v49;
	v47 =	vsub.f32 v47, v58;
	v2 =	vand.u32 $0x7FFFFFFF, v2  }
0xdd: {  	v59 =	vld.idx.msk [tilespmem:v42+s9+$0x0], $0xffff;
	v2 =	vsub.f32 v40, v2  }
0xde: {  	v44 =	vadd.f32 v62, v61;
	v46 =	vsub.f32 v46, v52;
	v60 =	vld.idx.msk [tilespmem:v63+s8+$0x0], $0xffff;
	v47 =	vand.u32 $0x7FFFFFFF, v47  }
0xdf: {  	v61 =	vld.idx.msk [tilespmem:v63+s9+$0x0], $0xffff;
	v2 =	vsub.f32 v2, v47  }
0xe0: {  	v62 =	vld.idx.msk [tilespmem:v39+s9+$0x0], $0xffff;
	v5 =	vsub.f32 v44, v5;
	v46 =	vand.u32 $0x7FFFFFFF, v46;
	v41 =	vadd.f32 v56, v54  }
0xe1: {  	v63 =	vld.idx.msk [tilespmem:v63+s10+$0x0], $0xffff;
	v2 =	vsub.f32 v2, v46  }
0xe2: {  	v5 =	vand.u32 $0x7FFFFFFF, v5;
	v4 =	vsub.f32 v41, v4;
	v46 =	vadd.f32 v59, v57  }
0xe3: {  	v48 =	vld.idx.msk [tilespmem:v39+s10+$0x0], $0xffff;
	v2 =	vsub.f32 v2, v5  }
0xe4: {  	v4 =	vand.u32 $0x7FFFFFFF, v4;
	v50 =	vadd.f32 v61, v60;
	v3 =	vsub.f32 v46, v3  }
0xe5: {  	v2 =	vsub.f32 v2, v4  }
0xe6: {  	v52 =	vadd.f32 v62, v45;
	v51 =	vsub.f32 v50, v63;
	v3 =	vand.u32 $0x7FFFFFFF, v3  }
0xe7: {  	v2 =	vsub.f32 v2, v3  }
0xe8: {  	v53 =	vsub.f32 v52, v48;
	v3 =	vand.u32 $0x7FFFFFFF, v51  }
0xe9: {  	v2 =	vsub.f32 v2, v3  }
0xea: {  	v3 =	vand.u32 $0x7FFFFFFF, v53  }
0xeb: {  	v2 =	vsub.f32 v2, v3;
	_ =	sdelay $0x1  }
0xec: {  	[tilespmem:$0x6400] =	vst v2  }
0xed: {  	s20 =	simm.s32 $0x7;
	_ =	swait.ge [sflag:s11], $0x400  }
0xee: {  	v2 =	vadd.s32 s20, v0;
	s20 =	simm.s32 $0x4;
	[sflag:s11] =	ssyncset.done $0x0  }
0xef: {  	s22 =	simm.s32 $0x3;
	s23 =	simm.s32 $0x2;
	v54 =	vadd.s32 s20, v0;
	[sflag:s11] =	ssyncadd.s32 $0xFFFFFC00  }
0xf0: {  	v55 =	vadd.s32 s22, v0;
	v56 =	vadd.s32 s23, v0;
	v4 =	vand.u32 $0x3F, v54;
	_ =	swait.ge [sflag:s11], $0x400  }
0xf1: {  	s21 =	simm.s32 $0x5;
	s24 =	simm.s32 $0x1;
	v39 =	vand.u32 $0x3F, v56;
	v5 =	vand.u32 $0x3F, v55;
	v4 =	vor.u32 v28, v4;
	[sflag:s11] =	ssyncset.done $0x0  }
0xf2: {  	v57 =	vadd.s32 s24, v0;
	v5 =	vor.u32 v28, v5;
	v3 =	vadd.s32 s21, v0;
	s21 =	simm.s32 $0x0;
	[sflag:s11] =	ssyncadd.s32 $0xFFFFFC00  }
0xf3: {  	v39 =	vor.u32 v28, v39;
	v40 =	vand.u32 $0x3F, v57;
	v58 =	vadd.s32 s21, v0;
	_ =	swait.ge [sflag:s11], $0x400  }
0xf4: {  	v59 =	vor.u32 v28, v40;
	v41 =	vand.u32 $0x38, v58;
	[sflag:s11] =	ssyncset.done $0x0  }
0xf5: {  	v60 =	vor.u32 v27, v41;
	[sflag:s11] =	ssyncadd.s32 $0xFFFFFC00  }
0xf6: {  	v55 =	vld.idx.msk [tilespmem:v4+s10+$0x0], $0xffff  }
0xf7: {  	v45 =	vld.idx.msk [tilespmem:v5+s10+$0x0], $0xffff  }
0xf8: {  	v44 =	vld.idx.msk [tilespmem:v39+s10+$0x0], $0xffff  }
0xf9: {  	v46 =	vld.idx.msk [tilespmem:v59+s10+$0x0], $0xffff  }
0xfa: {  	v47 =	vld.idx.msk [tilespmem:v60+s10+$0x0], $0xffff  }
0xfb: {  	v48 =	vld.idx.msk [tilespmem:v60+s8+$0x0], $0xffff  }
0xfc: {  	v43 =	vld.idx.msk [tilespmem:v60+s9+$0x0], $0xffff  }
0xfd: {  	v49 =	vld.idx.msk [tilespmem:v59+s8+$0x0], $0xffff  }
0xfe: {  	v42 =	vld.idx.msk [tilespmem:v59+s9+$0x0], $0xffff  }
0xff: {  	s22 =	simm.s32 $0x6;
	v2 =	vand.u32 $0x3F, v2;
	v52 =	vld.idx.msk [tilespmem:v39+s8+$0x0], $0xffff  }
0x100: {  	s19 =	simm.s32 $0xF;
	v62 =	vadd.s32 s22, v0;
	s23 =	simm.s32 $0xA;
	v3 =	vand.u32 $0x3F, v3;
	v2 =	vor.u32 v28, v2;
	v56 =	vld.idx.msk [tilespmem:v39+s9+$0x0], $0xffff  }
0x101: {  	v61 =	vadd.s32 s19, v0;
	v57 =	vadd.s32 s23, v0;
	v3 =	vor.u32 v28, v3;
	v59 =	vld.idx.msk [tilespmem:v5+s8+$0x0], $0xffff  }
0x102: {  	v50 =	vand.u32 $0x3F, v61;
	v57 =	vand.u32 $0x3F, v57;
	v39 =	vand.u32 $0x3F, v62;
	v5 =	vld.idx.msk [tilespmem:v5+s9+$0x0], $0xffff  }
0x103: {  	s24 =	simm.s32 $0xB;
	v51 =	vimm.f32 $1.200000000e+01;
	s21 =	simm.s32 $0xD;
	v61 =	vor.u32 v28, v39;
	v39 =	vor.u32 v28, v50;
	v50 =	vld.idx.msk [tilespmem:v4+s8+$0x0], $0xffff  }
0x104: {  	v58 =	vadd.s32 s24, v0;
	s24 =	simm.s32 $0x8;
	s20 =	simm.s32 $0xC;
	v54 =	vadd.s32 s21, v0;
	v4 =	vld.idx.msk [tilespmem:v4+s9+$0x0], $0xffff;
	v43 =	vadd.f32 v43, v48  }
0x105: {  	v63 =	vadd.s32 s24, v0;
	v53 =	vadd.s32 s20, v0;
	v54 =	vand.u32 $0x3F, v54;
	v40 =	vld.idx.msk [tilespmem:v2+s8+$0x0], $0xffff  }
0x106: {  	s22 =	simm.s32 $0x9;
	v53 =	vand.u32 $0x3F, v53;
	v41 =	vld.idx.msk [tilespmem:v3+s10+$0x0], $0xffff;
	v42 =	vadd.f32 v42, v49;
	v43 =	vsub.f32 v43, v47  }
0x107: {  	v60 =	vadd.s32 s22, v0;
	v62 =	vld.idx.msk [tilespmem:v3+s8+$0x0], $0xffff;
	v56 =	vadd.f32 v56, v52;
	v52 =	vand.u32 $0x38, v63  }
0x108: {  	v3 =	vld.idx.msk [tilespmem:v3+s9+$0x0], $0xffff;
	v5 =	vadd.f32 v5, v59;
	v46 =	vsub.f32 v42, v46;
	v43 =	vand.u32 $0x7FFFFFFF, v43  }
0x109: {  	v49 =	vld.idx.msk [tilespmem:v2+s9+$0x0], $0xffff;
	v4 =	vadd.f32 v4, v50;
	v47 =	vand.u32 $0x3F, v60;
	v63 =	vsub.f32 v51, v43  }
0x10a: {  	v48 =	vld.idx.msk [tilespmem:v61+s8+$0x0], $0xffff;
	v42 =	vor.u32 v28, v54;
	v56 =	vsub.f32 v56, v44;
	v46 =	vand.u32 $0x7FFFFFFF, v46  }
0x10b: {  	v60 =	vand.u32 $0x3F, v58;
	v51 =	vld.idx.msk [tilespmem:v61+s9+$0x0], $0xffff;
	v43 =	vor.u32 v28, v53;
	v54 =	vsub.f32 v63, v46  }
0x10c: {  	v50 =	vld.idx.msk [tilespmem:v2+s10+$0x0], $0xffff;
	v5 =	vsub.f32 v5, v45;
	v44 =	vor.u32 v28, v60;
	v56 =	vand.u32 $0x7FFFFFFF, v56  }
0x10d: {  	v47 =	vor.u32 v28, v47;
	v53 =	vld.idx.msk [tilespmem:v61+s10+$0x0], $0xffff;
	v46 =	vor.u32 v28, v57;
	v54 =	vsub.f32 v54, v56  }
0x10e: {  	s20 =	simm.s32 $0x17;
	v45 =	vld.idx.msk [tilespmem:v39+s8+$0x0], $0xffff;
	v55 =	vsub.f32 v4, v55;
	v57 =	vand.u32 $0x7FFFFFFF, v5;
	v56 =	vadd.f32 v3, v62  }
.LBB2_4:
0x10f: {  	p0 =	sne.s32 s20, $0x3F;
	v2 =	vor.u32 v27, v52;
	v3 =	vld.idx.msk [tilespmem:v42+s10+$0x0], $0xffff;
	v4 =	vsub.f32 v54, v57  }
0x110: {  	v48 =	vadd.f32 v51, v48;
	v5 =	vld.idx.msk [tilespmem:v43+s10+$0x0], $0xffff;
	v52 =	vand.u32 $0x7FFFFFFF, v55;
	v41 =	vsub.f32 v56, v41  }
0x111: {  	v54 =	vld.idx.msk [tilespmem:v44+s10+$0x0], $0xffff;
	v4 =	vsub.f32 v4, v52  }
0x112: {  	v6 =	vadd.f32 v49, v40;
	v48 =	vsub.f32 v48, v53;
	v51 =	vld.idx.msk [tilespmem:v46+s10+$0x0], $0xffff;
	v41 =	vand.u32 $0x7FFFFFFF, v41  }
0x113: {  	v49 =	vld.idx.msk [tilespmem:v47+s10+$0x0], $0xffff;
	v4 =	vsub.f32 v4, v41  }
0x114: {  	v7 =	vand.u32 $0x7FFFFFFF, v48;
	v48 =	vsub.f32 v6, v50;
	v40 =	vmov v45;
	v52 =	vld.idx.msk [tilespmem:v2+s10+$0x0], $0xffff  }
0x115: {  	v45 =	vld.idx.msk [tilespmem:v2+s8+$0x0], $0xffff;
	v4 =	vsub.f32 v4, v7;
	v41 =	vmov v3  }
0x116: {  	v3 =	vand.u32 $0x7FFFFFFF, v48;
	v2 =	vld.idx.msk [tilespmem:v2+s9+$0x0], $0xffff  }
0x117: {  	v48 =	vld.idx.msk [tilespmem:v47+s8+$0x0], $0xffff;
	v3 =	vsub.f32 v4, v3  }
0x118: {  	v4 =	vadd.s32 s20, v0;
	v47 =	vld.idx.msk [tilespmem:v47+s9+$0x0], $0xffff  }
0x119: {  	s21 =	sadd.s32 $0xFFFFFFFD, s20;
	s22 =	sadd.s32 $0xFFFFFFFE, s20;
	s19 =	sadd.s32 $0xFFFFFFFF, s19;
	v4 =	vand.u32 $0x3F, v4;
	v50 =	vld.idx.msk [tilespmem:v46+s8+$0x0], $0xffff  }
0x11a: {  	s23 =	sadd.s32 $0xFFFFFFFB, s20;
	s24 =	sadd.s32 $0xFFFFFFFC, s20;
	v55 =	vadd.s32 s22, v0;
	v56 =	vadd.s32 s19, v0;
	s19 =	smov.u32 s20;
	v53 =	vadd.s32 s21, v0;
	v46 =	vld.idx.msk [tilespmem:v46+s9+$0x0], $0xffff  }
0x11b: {  	v57 =	vadd.s32 s23, v0;
	v58 =	vadd.s32 s24, v0;
	s21 =	sadd.s32 $0xFFFFFFFA, s20;
	v56 =	vand.u32 $0x3F, v56;
	v59 =	vld.idx.msk [tilespmem:v44+s8+$0x0], $0xffff  }
0x11c: {  	s22 =	sadd.s32 $0xFFFFFFF9, s20;
	v60 =	vadd.s32 s21, v0;
	v2 =	vadd.f32 v2, v45;
	v45 =	vor.u32 v28, v56;
	v44 =	vld.idx.msk [tilespmem:v44+s9+$0x0], $0xffff  }
0x11d: {  	v55 =	vand.u32 $0x3F, v55;
	v4 =	vor.u32 v28, v4;
	v56 =	vadd.s32 s22, v0;
	v61 =	vld.idx.msk [tilespmem:v43+s8+$0x0], $0xffff  }
0x11e: {  	v53 =	vand.u32 $0x3F, v53;
	v2 =	vsub.f32 v2, v52;
	v47 =	vadd.f32 v47, v48;
	v62 =	vld.idx.msk [tilespmem:v43+s9+$0x0], $0xffff  }
0x11f: {  	v57 =	vand.u32 $0x3F, v57;
	v60 =	vand.u32 $0x3F, v60;
	v43 =	vand.u32 $0x3F, v58;
	v58 =	vld.idx.msk [tilespmem:v42+s8+$0x0], $0xffff  }
0x120: {  	v2 =	vand.u32 $0x7FFFFFFF, v2;
	v47 =	vsub.f32 v47, v49;
	v46 =	vadd.f32 v46, v50;
	v63 =	vld.idx.msk [tilespmem:v42+s9+$0x0], $0xffff  }
0x121: {  	v52 =	vand.u32 $0x38, v56;
	v42 =	vor.u32 v28, v55;
	v2 =	vsub.f32 v3, v2;
	v48 =	vld.idx.msk [tilespmem:v45+s8+$0x0], $0xffff  }
.Ltmp1:
0x122: {  	v3 =	vand.u32 $0x7FFFFFFF, v47;
	v46 =	vsub.f32 v46, v51;
	v47 =	vadd.f32 v44, v59;
	v51 =	vld.idx.msk [tilespmem:v45+s9+$0x0], $0xffff;
	(pc) =	sbr.rel @p0 .LBB2_4-.Ltmp1, $4  }
0x123: {  	v44 =	vor.u32 v28, v43;
	v43 =	vor.u32 v28, v53;
	v2 =	vsub.f32 v2, v3;
	v49 =	vld.idx.msk [tilespmem:v39+s9+$0x0], $0xffff  }
0x124: {  	v3 =	vand.u32 $0x7FFFFFFF, v46;
	v55 =	vsub.f32 v47, v54;
	v56 =	vadd.f32 v62, v61;
	v53 =	vld.idx.msk [tilespmem:v45+s10+$0x0], $0xffff  }
0x125: {  	v47 =	vor.u32 v28, v60;
	v46 =	vor.u32 v28, v57;
	v54 =	vsub.f32 v2, v3;
	v50 =	vld.idx.msk [tilespmem:v39+s10+$0x0], $0xffff  }
0x126: {  	s20 =	sadd.s32 $0x8, s20;
	v57 =	vand.u32 $0x7FFFFFFF, v55;
	v55 =	vsub.f32 v56, v5;
	v56 =	vadd.f32 v63, v58;
	v39 =	vmovc v4;
	v45 =	vld.idx.msk [tilespmem:v4+s8+$0x0], $0xffff  }
0x127: {  	_ =	sdelay $0x3  }
0x128: {  	v2 =	vor.u32 v27, v52;
	v3 =	vld.idx.msk [tilespmem:v42+s10+$0x0], $0xffff  }
0x129: {  	v4 =	vld.idx.msk [tilespmem:v43+s10+$0x0], $0xffff  }
0x12a: {  	v5 =	vld.idx.msk [tilespmem:v44+s10+$0x0], $0xffff  }
0x12b: {  	v52 =	vld.idx.msk [tilespmem:v46+s10+$0x0], $0xffff  }
0x12c: {  	v58 =	vld.idx.msk [tilespmem:v47+s10+$0x0], $0xffff  }
0x12d: {  	v59 =	vld.idx.msk [tilespmem:v2+s10+$0x0], $0xffff  }
0x12e: {  	v60 =	vld.idx.msk [tilespmem:v2+s8+$0x0], $0xffff  }
0x12f: {  	v54 =	vsub.f32 v54, v57;
	v2 =	vld.idx.msk [tilespmem:v2+s9+$0x0], $0xffff  }
0x130: {  	v48 =	vadd.f32 v51, v48;
	v63 =	vand.u32 $0x7FFFFFFF, v55;
	v41 =	vsub.f32 v56, v41;
	v55 =	vld.idx.msk [tilespmem:v47+s8+$0x0], $0xffff  }
0x131: {  	v56 =	vld.idx.msk [tilespmem:v47+s9+$0x0], $0xffff;
	v40 =	vadd.f32 v49, v40;
	v51 =	vsub.f32 v54, v63  }
0x132: {  	s19 =	sadd.s32 $0xFFFFFFFF, s19;
	v49 =	vld.idx.msk [tilespmem:v46+s8+$0x0], $0xffff;
	v48 =	vsub.f32 v48, v53;
	v41 =	vand.u32 $0x7FFFFFFF, v41  }
0x133: {  	v46 =	vld.idx.msk [tilespmem:v46+s9+$0x0], $0xffff;
	v57 =	vadd.s32 s19, v0;
	v40 =	vsub.f32 v40, v50;
	v41 =	vsub.f32 v51, v41  }
0x134: {  	v61 =	vld.idx.msk [tilespmem:v44+s8+$0x0], $0xffff;
	v48 =	vand.u32 $0x7FFFFFFF, v48;
	v51 =	vand.u32 $0x3F, v57;
	v2 =	vadd.f32 v2, v60  }
0x135: {  	v62 =	vld.idx.msk [tilespmem:v44+s9+$0x0], $0xffff;
	v63 =	vor.u32 v28, v51;
	v41 =	vsub.f32 v41, v48  }
0x136: {  	v54 =	vld.idx.msk [tilespmem:v43+s8+$0x0], $0xffff;
	v40 =	vand.u32 $0x7FFFFFFF, v40;
	v47 =	vadd.f32 v56, v55;
	v2 =	vsub.f32 v2, v59  }
0x137: {  	v56 =	vld.idx.msk [tilespmem:v43+s9+$0x0], $0xffff;
	v40 =	vsub.f32 v41, v40  }
0x138: {  	v57 =	vld.idx.msk [tilespmem:v42+s8+$0x0], $0xffff;
	v46 =	vadd.f32 v46, v49;
	v47 =	vsub.f32 v47, v58;
	v2 =	vand.u32 $0x7FFFFFFF, v2  }
0x139: {  	v59 =	vld.idx.msk [tilespmem:v42+s9+$0x0], $0xffff;
	v2 =	vsub.f32 v40, v2  }
0x13a: {  	v44 =	vadd.f32 v62, v61;
	v46 =	vsub.f32 v46, v52;
	v60 =	vld.idx.msk [tilespmem:v63+s8+$0x0], $0xffff;
	v47 =	vand.u32 $0x7FFFFFFF, v47  }
0x13b: {  	v61 =	vld.idx.msk [tilespmem:v63+s9+$0x0], $0xffff;
	v2 =	vsub.f32 v2, v47  }
0x13c: {  	v62 =	vld.idx.msk [tilespmem:v39+s9+$0x0], $0xffff;
	v5 =	vsub.f32 v44, v5;
	v46 =	vand.u32 $0x7FFFFFFF, v46;
	v41 =	vadd.f32 v56, v54  }
0x13d: {  	v63 =	vld.idx.msk [tilespmem:v63+s10+$0x0], $0xffff;
	v2 =	vsub.f32 v2, v46  }
0x13e: {  	v5 =	vand.u32 $0x7FFFFFFF, v5;
	v4 =	vsub.f32 v41, v4;
	v46 =	vadd.f32 v59, v57  }
0x13f: {  	v48 =	vld.idx.msk [tilespmem:v39+s10+$0x0], $0xffff;
	v2 =	vsub.f32 v2, v5  }
0x140: {  	v4 =	vand.u32 $0x7FFFFFFF, v4;
	v50 =	vadd.f32 v61, v60;
	v3 =	vsub.f32 v46, v3  }
0x141: {  	v2 =	vsub.f32 v2, v4  }
0x142: {  	v52 =	vadd.f32 v62, v45;
	v51 =	vsub.f32 v50, v63;
	v3 =	vand.u32 $0x7FFFFFFF, v3  }
0x143: {  	v2 =	vsub.f32 v2, v3  }
0x144: {  	v53 =	vsub.f32 v52, v48;
	v3 =	vand.u32 $0x7FFFFFFF, v51  }
0x145: {  	v2 =	vsub.f32 v2, v3  }
0x146: {  	v3 =	vand.u32 $0x7FFFFFFF, v53  }
0x147: {  	v2 =	vsub.f32 v2, v3;
	_ =	sdelay $0x1  }
0x148: {  	[tilespmem:$0x6410] =	vst v2  }
0x149: {  	s20 =	simm.s32 $0x7;
	_ =	swait.ge [sflag:s12], $0x400  }
0x14a: {  	v2 =	vadd.s32 s20, v0;
	s20 =	simm.s32 $0x4;
	[sflag:s12] =	ssyncset.done $0x0  }
0x14b: {  	s22 =	simm.s32 $0x3;
	s23 =	simm.s32 $0x2;
	v54 =	vadd.s32 s20, v0;
	[sflag:s12] =	ssyncadd.s32 $0xFFFFFC00  }
0x14c: {  	v55 =	vadd.s32 s22, v0;
	v56 =	vadd.s32 s23, v0;
	v4 =	vand.u32 $0x3F, v54;
	_ =	swait.ge [sflag:s12], $0x400  }
0x14d: {  	s21 =	simm.s32 $0x5;
	s24 =	simm.s32 $0x1;
	v39 =	vand.u32 $0x3F, v56;
	v5 =	vand.u32 $0x3F, v55;
	v4 =	vor.u32 v30, v4;
	[sflag:s12] =	ssyncset.done $0x0  }
0x14e: {  	v57 =	vadd.s32 s24, v0;
	v5 =	vor.u32 v30, v5;
	v3 =	vadd.s32 s21, v0;
	s21 =	simm.s32 $0x0;
	[sflag:s12] =	ssyncadd.s32 $0xFFFFFC00  }
0x14f: {  	v39 =	vor.u32 v30, v39;
	v40 =	vand.u32 $0x3F, v57;
	v58 =	vadd.s32 s21, v0;
	_ =	swait.ge [sflag:s12], $0x400  }
0x150: {  	v59 =	vor.u32 v30, v40;
	v41 =	vand.u32 $0x38, v58;
	[sflag:s12] =	ssyncset.done $0x0  }
0x151: {  	v60 =	vor.u32 v29, v41;
	[sflag:s12] =	ssyncadd.s32 $0xFFFFFC00  }
0x152: {  	v55 =	vld.idx.msk [tilespmem:v4+s10+$0x0], $0xffff  }
0x153: {  	v45 =	vld.idx.msk [tilespmem:v5+s10+$0x0], $0xffff  }
0x154: {  	v44 =	vld.idx.msk [tilespmem:v39+s10+$0x0], $0xffff  }
0x155: {  	v46 =	vld.idx.msk [tilespmem:v59+s10+$0x0], $0xffff  }
0x156: {  	v47 =	vld.idx.msk [tilespmem:v60+s10+$0x0], $0xffff  }
0x157: {  	v48 =	vld.idx.msk [tilespmem:v60+s8+$0x0], $0xffff  }
0x158: {  	v43 =	vld.idx.msk [tilespmem:v60+s9+$0x0], $0xffff  }
0x159: {  	v49 =	vld.idx.msk [tilespmem:v59+s8+$0x0], $0xffff  }
0x15a: {  	v42 =	vld.idx.msk [tilespmem:v59+s9+$0x0], $0xffff  }
0x15b: {  	s22 =	simm.s32 $0x6;
	v2 =	vand.u32 $0x3F, v2;
	v52 =	vld.idx.msk [tilespmem:v39+s8+$0x0], $0xffff  }
0x15c: {  	s19 =	simm.s32 $0xF;
	v62 =	vadd.s32 s22, v0;
	s23 =	simm.s32 $0xA;
	v3 =	vand.u32 $0x3F, v3;
	v2 =	vor.u32 v30, v2;
	v56 =	vld.idx.msk [tilespmem:v39+s9+$0x0], $0xffff  }
0x15d: {  	v61 =	vadd.s32 s19, v0;
	v57 =	vadd.s32 s23, v0;
	v3 =	vor.u32 v30, v3;
	v59 =	vld.idx.msk [tilespmem:v5+s8+$0x0], $0xffff  }
0x15e: {  	v50 =	vand.u32 $0x3F, v61;
	v57 =	vand.u32 $0x3F, v57;
	v39 =	vand.u32 $0x3F, v62;
	v5 =	vld.idx.msk [tilespmem:v5+s9+$0x0], $0xffff  }
0x15f: {  	s24 =	simm.s32 $0xB;
	v51 =	vimm.f32 $1.200000000e+01;
	s21 =	simm.s32 $0xD;
	v61 =	vor.u32 v30, v39;
	v39 =	vor.u32 v30, v50;
	v50 =	vld.idx.msk [tilespmem:v4+s8+$0x0], $0xffff  }
0x160: {  	v58 =	vadd.s32 s24, v0;
	s24 =	simm.s32 $0x8;
	s20 =	simm.s32 $0xC;
	v54 =	vadd.s32 s21, v0;
	v4 =	vld.idx.msk [tilespmem:v4+s9+$0x0], $0xffff;
	v43 =	vadd.f32 v43, v48  }
0x161: {  	v63 =	vadd.s32 s24, v0;
	v53 =	vadd.s32 s20, v0;
	v54 =	vand.u32 $0x3F, v54;
	v40 =	vld.idx.msk [tilespmem:v2+s8+$0x0], $0xffff  }
0x162: {  	s22 =	simm.s32 $0x9;
	v53 =	vand.u32 $0x3F, v53;
	v41 =	vld.idx.msk [tilespmem:v3+s10+$0x0], $0xffff;
	v42 =	vadd.f32 v42, v49;
	v43 =	vsub.f32 v43, v47  }
0x163: {  	v60 =	vadd.s32 s22, v0;
	v62 =	vld.idx.msk [tilespmem:v3+s8+$0x0], $0xffff;
	v56 =	vadd.f32 v56, v52;
	v52 =	vand.u32 $0x38, v63  }
0x164: {  	v3 =	vld.idx.msk [tilespmem:v3+s9+$0x0], $0xffff;
	v5 =	vadd.f32 v5, v59;
	v46 =	vsub.f32 v42, v46;
	v43 =	vand.u32 $0x7FFFFFFF, v43  }
0x165: {  	v49 =	vld.idx.msk [tilespmem:v2+s9+$0x0], $0xffff;
	v4 =	vadd.f32 v4, v50;
	v47 =	vand.u32 $0x3F, v60;
	v63 =	vsub.f32 v51, v43  }
0x166: {  	v48 =	vld.idx.msk [tilespmem:v61+s8+$0x0], $0xffff;
	v42 =	vor.u32 v30, v54;
	v56 =	vsub.f32 v56, v44;
	v46 =	vand.u32 $0x7FFFFFFF, v46  }
0x167: {  	v60 =	vand.u32 $0x3F, v58;
	v51 =	vld.idx.msk [tilespmem:v61+s9+$0x0], $0xffff;
	v43 =	vor.u32 v30, v53;
	v54 =	vsub.f32 v63, v46  }
0x168: {  	v50 =	vld.idx.msk [tilespmem:v2+s10+$0x0], $0xffff;
	v5 =	vsub.f32 v5, v45;
	v44 =	vor.u32 v30, v60;
	v56 =	vand.u32 $0x7FFFFFFF, v56  }
0x169: {  	v47 =	vor.u32 v30, v47;
	v53 =	vld.idx.msk [tilespmem:v61+s10+$0x0], $0xffff;
	v46 =	vor.u32 v30, v57;
	v54 =	vsub.f32 v54, v56  }
0x16a: {  	s20 =	simm.s32 $0x17;
	v45 =	vld.idx.msk [tilespmem:v39+s8+$0x0], $0xffff;
	v55 =	vsub.f32 v4, v55;
	v57 =	vand.u32 $0x7FFFFFFF, v5;
	v56 =	vadd.f32 v3, v62  }
.LBB2_6:
0x16b: {  	p0 =	sne.s32 s20, $0x3F;
	v2 =	vor.u32 v29, v52;
	v3 =	vld.idx.msk [tilespmem:v42+s10+$0x0], $0xffff;
	v4 =	vsub.f32 v54, v57  }
0x16c: {  	v48 =	vadd.f32 v51, v48;
	v5 =	vld.idx.msk [tilespmem:v43+s10+$0x0], $0xffff;
	v52 =	vand.u32 $0x7FFFFFFF, v55;
	v41 =	vsub.f32 v56, v41  }
0x16d: {  	v54 =	vld.idx.msk [tilespmem:v44+s10+$0x0], $0xffff;
	v4 =	vsub.f32 v4, v52  }
0x16e: {  	v6 =	vadd.f32 v49, v40;
	v48 =	vsub.f32 v48, v53;
	v51 =	vld.idx.msk [tilespmem:v46+s10+$0x0], $0xffff;
	v41 =	vand.u32 $0x7FFFFFFF, v41  }
0x16f: {  	v49 =	vld.idx.msk [tilespmem:v47+s10+$0x0], $0xffff;
	v4 =	vsub.f32 v4, v41  }
0x170: {  	v7 =	vand.u32 $0x7FFFFFFF, v48;
	v48 =	vsub.f32 v6, v50;
	v40 =	vmov v45;
	v52 =	vld.idx.msk [tilespmem:v2+s10+$0x0], $0xffff  }
0x171: {  	v45 =	vld.idx.msk [tilespmem:v2+s8+$0x0], $0xffff;
	v4 =	vsub.f32 v4, v7;
	v41 =	vmov v3  }
0x172: {  	v3 =	vand.u32 $0x7FFFFFFF, v48;
	v2 =	vld.idx.msk [tilespmem:v2+s9+$0x0], $0xffff  }
0x173: {  	v48 =	vld.idx.msk [tilespmem:v47+s8+$0x0], $0xffff;
	v3 =	vsub.f32 v4, v3  }
0x174: {  	v4 =	vadd.s32 s20, v0;
	v47 =	vld.idx.msk [tilespmem:v47+s9+$0x0], $0xffff  }
0x175: {  	s21 =	sadd.s32 $0xFFFFFFFD, s20;
	s22 =	sadd.s32 $0xFFFFFFFE, s20;
	s19 =	sadd.s32 $0xFFFFFFFF, s19;
	v4 =	vand.u32 $0x3F, v4;
	v50 =	vld.idx.msk [tilespmem:v46+s8+$0x0], $0xffff  }
0x176: {  	s23 =	sadd.s32 $0xFFFFFFFB, s20;
	s24 =	sadd.s32 $0xFFFFFFFC, s20;
	v55 =	vadd.s32 s22, v0;
	v56 =	vadd.s32 s19, v0;
	s19 =	smov.u32 s20;
	v53 =	vadd.s32 s21, v0;
	v46 =	vld.idx.msk [tilespmem:v46+s9+$0x0], $0xffff  }
0x177: {  	v57 =	vadd.s32 s23, v0;
	v58 =	vadd.s32 s24, v0;
	s21 =	sadd.s32 $0xFFFFFFFA, s20;
	v56 =	vand.u32 $0x3F, v56;
	v59 =	vld.idx.msk [tilespmem:v44+s8+$0x0], $0xffff  }
0x178: {  	s22 =	sadd.s32 $0xFFFFFFF9, s20;
	v60 =	vadd.s32 s21, v0;
	v2 =	vadd.f32 v2, v45;
	v45 =	vor.u32 v30, v56;
	v44 =	vld.idx.msk [tilespmem:v44+s9+$0x0], $0xffff  }
0x179: {  	v55 =	vand.u32 $0x3F, v55;
	v4 =	vor.u32 v30, v4;
	v56 =	vadd.s32 s22, v0;
	v61 =	vld.idx.msk [tilespmem:v43+s8+$0x0], $0xffff  }
0x17a: {  	v53 =	vand.u32 $0x3F, v53;
	v2 =	vsub.f32 v2, v52;
	v47 =	vadd.f32 v47, v48;
	v62 =	vld.idx.msk [tilespmem:v43+s9+$0x0], $0xffff  }
0x17b: {  	v57 =	vand.u32 $0x3F, v57;
	v60 =	vand.u32 $0x3F, v60;
	v43 =	vand.u32 $0x3F, v58;
	v58 =	vld.idx.msk [tilespmem:v42+s8+$0x0], $0xffff  }
0x17c: {  	v2 =	vand.u32 $0x7FFFFFFF, v2;
	v47 =	vsub.f32 v47, v49;
	v46 =	vadd.f32 v46, v50;
	v63 =	vld.idx.msk [tilespmem:v42+s9+$0x0], $0xffff  }
0x17d: {  	v52 =	vand.u32 $0x38, v56;
	v42 =	vor.u32 v30, v55;
	v2 =	vsub.f32 v3, v2;
	v48 =	vld.idx.msk [tilespmem:v45+s8+$0x0], $0xffff  }
.Ltmp2:
0x17e: {  	v3 =	vand.u32 $0x7FFFFFFF, v47;
	v46 =	vsub.f32 v46, v51;
	v47 =	vadd.f32 v44, v59;
	v51 =	vld.idx.msk [tilespmem:v45+s9+$0x0], $0xffff;
	(pc) =	sbr.rel @p0 .LBB2_6-.Ltmp2, $4  }
0x17f: {  	v44 =	vor.u32 v30, v43;
	v43 =	vor.u32 v30, v53;
	v2 =	vsub.f32 v2, v3;
	v49 =	vld.idx.msk [tilespmem:v39+s9+$0x0], $0xffff  }
0x180: {  	v3 =	vand.u32 $0x7FFFFFFF, v46;
	v55 =	vsub.f32 v47, v54;
	v56 =	vadd.f32 v62, v61;
	v53 =	vld.idx.msk [tilespmem:v45+s10+$0x0], $0xffff  }
0x181: {  	v47 =	vor.u32 v30, v60;
	v46 =	vor.u32 v30, v57;
	v54 =	vsub.f32 v2, v3;
	v50 =	vld.idx.msk [tilespmem:v39+s10+$0x0], $0xffff  }
0x182: {  	s20 =	sadd.s32 $0x8, s20;
	v57 =	vand.u32 $0x7FFFFFFF, v55;
	v55 =	vsub.f32 v56, v5;
	v56 =	vadd.f32 v63, v58;
	v39 =	vmovc v4;
	v45 =	vld.idx.msk [tilespmem:v4+s8+$0x0], $0xffff  }
0x183: {  	_ =	sdelay $0x3  }
0x184: {  	v2 =	vor.u32 v29, v52;
	v3 =	vld.idx.msk [tilespmem:v42+s10+$0x0], $0xffff  }
0x185: {  	v4 =	vld.idx.msk [tilespmem:v43+s10+$0x0], $0xffff  }
0x186: {  	v5 =	vld.idx.msk [tilespmem:v44+s10+$0x0], $0xffff  }
0x187: {  	v52 =	vld.idx.msk [tilespmem:v46+s10+$0x0], $0xffff  }
0x188: {  	v58 =	vld.idx.msk [tilespmem:v47+s10+$0x0], $0xffff  }
0x189: {  	v59 =	vld.idx.msk [tilespmem:v2+s10+$0x0], $0xffff  }
0x18a: {  	v60 =	vld.idx.msk [tilespmem:v2+s8+$0x0], $0xffff  }
0x18b: {  	v54 =	vsub.f32 v54, v57;
	v2 =	vld.idx.msk [tilespmem:v2+s9+$0x0], $0xffff  }
0x18c: {  	v48 =	vadd.f32 v51, v48;
	v63 =	vand.u32 $0x7FFFFFFF, v55;
	v41 =	vsub.f32 v56, v41;
	v55 =	vld.idx.msk [tilespmem:v47+s8+$0x0], $0xffff  }
0x18d: {  	v56 =	vld.idx.msk [tilespmem:v47+s9+$0x0], $0xffff;
	v40 =	vadd.f32 v49, v40;
	v51 =	vsub.f32 v54, v63  }
0x18e: {  	s19 =	sadd.s32 $0xFFFFFFFF, s19;
	v49 =	vld.idx.msk [tilespmem:v46+s8+$0x0], $0xffff;
	v48 =	vsub.f32 v48, v53;
	v41 =	vand.u32 $0x7FFFFFFF, v41  }
0x18f: {  	v46 =	vld.idx.msk [tilespmem:v46+s9+$0x0], $0xffff;
	v57 =	vadd.s32 s19, v0;
	v40 =	vsub.f32 v40, v50;
	v41 =	vsub.f32 v51, v41  }
0x190: {  	v61 =	vld.idx.msk [tilespmem:v44+s8+$0x0], $0xffff;
	v48 =	vand.u32 $0x7FFFFFFF, v48;
	v51 =	vand.u32 $0x3F, v57;
	v2 =	vadd.f32 v2, v60  }
0x191: {  	v62 =	vld.idx.msk [tilespmem:v44+s9+$0x0], $0xffff;
	v63 =	vor.u32 v30, v51;
	v41 =	vsub.f32 v41, v48  }
0x192: {  	v54 =	vld.idx.msk [tilespmem:v43+s8+$0x0], $0xffff;
	v40 =	vand.u32 $0x7FFFFFFF, v40;
	v47 =	vadd.f32 v56, v55;
	v2 =	vsub.f32 v2, v59  }
0x193: {  	v56 =	vld.idx.msk [tilespmem:v43+s9+$0x0], $0xffff;
	v40 =	vsub.f32 v41, v40  }
0x194: {  	v57 =	vld.idx.msk [tilespmem:v42+s8+$0x0], $0xffff;
	v46 =	vadd.f32 v46, v49;
	v47 =	vsub.f32 v47, v58;
	v2 =	vand.u32 $0x7FFFFFFF, v2  }
0x195: {  	v59 =	vld.idx.msk [tilespmem:v42+s9+$0x0], $0xffff;
	v2 =	vsub.f32 v40, v2  }
0x196: {  	v44 =	vadd.f32 v62, v61;
	v46 =	vsub.f32 v46, v52;
	v60 =	vld.idx.msk [tilespmem:v63+s8+$0x0], $0xffff;
	v47 =	vand.u32 $0x7FFFFFFF, v47  }
0x197: {  	v61 =	vld.idx.msk [tilespmem:v63+s9+$0x0], $0xffff;
	v2 =	vsub.f32 v2, v47  }
0x198: {  	v62 =	vld.idx.msk [tilespmem:v39+s9+$0x0], $0xffff;
	v5 =	vsub.f32 v44, v5;
	v46 =	vand.u32 $0x7FFFFFFF, v46;
	v41 =	vadd.f32 v56, v54  }
0x199: {  	v63 =	vld.idx.msk [tilespmem:v63+s10+$0x0], $0xffff;
	v2 =	vsub.f32 v2, v46  }
0x19a: {  	v5 =	vand.u32 $0x7FFFFFFF, v5;
	v4 =	vsub.f32 v41, v4;
	v46 =	vadd.f32 v59, v57  }
0x19b: {  	v48 =	vld.idx.msk [tilespmem:v39+s10+$0x0], $0xffff;
	v2 =	vsub.f32 v2, v5  }
0x19c: {  	v4 =	vand.u32 $0x7FFFFFFF, v4;
	v50 =	vadd.f32 v61, v60;
	v3 =	vsub.f32 v46, v3  }
0x19d: {  	v2 =	vsub.f32 v2, v4  }
0x19e: {  	v52 =	vadd.f32 v62, v45;
	v51 =	vsub.f32 v50, v63;
	v3 =	vand.u32 $0x7FFFFFFF, v3  }
0x19f: {  	v2 =	vsub.f32 v2, v3  }
0x1a0: {  	v53 =	vsub.f32 v52, v48;
	v3 =	vand.u32 $0x7FFFFFFF, v51  }
0x1a1: {  	v2 =	vsub.f32 v2, v3  }
0x1a2: {  	v3 =	vand.u32 $0x7FFFFFFF, v53  }
0x1a3: {  	v2 =	vsub.f32 v2, v3;
	_ =	sdelay $0x1  }
0x1a4: {  	[tilespmem:$0x6420] =	vst v2  }
0x1a5: {  	s20 =	simm.s32 $0x7;
	_ =	swait.ge [sflag:s13], $0x400  }
0x1a6: {  	v2 =	vadd.s32 s20, v0;
	s20 =	simm.s32 $0x4;
	[sflag:s13] =	ssyncset.done $0x0  }
0x1a7: {  	s22 =	simm.s32 $0x3;
	s23 =	simm.s32 $0x2;
	v54 =	vadd.s32 s20, v0;
	[sflag:s13] =	ssyncadd.s32 $0xFFFFFC00  }
0x1a8: {  	v55 =	vadd.s32 s22, v0;
	v56 =	vadd.s32 s23, v0;
	v4 =	vand.u32 $0x3F, v54;
	_ =	swait.ge [sflag:s13], $0x400  }
0x1a9: {  	s21 =	simm.s32 $0x5;
	s24 =	simm.s32 $0x1;
	v39 =	vand.u32 $0x3F, v56;
	v5 =	vand.u32 $0x3F, v55;
	v4 =	vor.u32 v32, v4;
	[sflag:s13] =	ssyncset.done $0x0  }
0x1aa: {  	v57 =	vadd.s32 s24, v0;
	v5 =	vor.u32 v32, v5;
	v3 =	vadd.s32 s21, v0;
	s21 =	simm.s32 $0x0;
	[sflag:s13] =	ssyncadd.s32 $0xFFFFFC00  }
0x1ab: {  	v39 =	vor.u32 v32, v39;
	v40 =	vand.u32 $0x3F, v57;
	v58 =	vadd.s32 s21, v0;
	_ =	swait.ge [sflag:s13], $0x400  }
0x1ac: {  	v59 =	vor.u32 v32, v40;
	v41 =	vand.u32 $0x38, v58;
	[sflag:s13] =	ssyncset.done $0x0  }
0x1ad: {  	v60 =	vor.u32 v31, v41;
	[sflag:s13] =	ssyncadd.s32 $0xFFFFFC00  }
0x1ae: {  	v55 =	vld.idx.msk [tilespmem:v4+s10+$0x0], $0xffff  }
0x1af: {  	v45 =	vld.idx.msk [tilespmem:v5+s10+$0x0], $0xffff  }
0x1b0: {  	v44 =	vld.idx.msk [tilespmem:v39+s10+$0x0], $0xffff  }
0x1b1: {  	v46 =	vld.idx.msk [tilespmem:v59+s10+$0x0], $0xffff  }
0x1b2: {  	v47 =	vld.idx.msk [tilespmem:v60+s10+$0x0], $0xffff  }
0x1b3: {  	v48 =	vld.idx.msk [tilespmem:v60+s8+$0x0], $0xffff  }
0x1b4: {  	v43 =	vld.idx.msk [tilespmem:v60+s9+$0x0], $0xffff  }
0x1b5: {  	v49 =	vld.idx.msk [tilespmem:v59+s8+$0x0], $0xffff  }
0x1b6: {  	v42 =	vld.idx.msk [tilespmem:v59+s9+$0x0], $0xffff  }
0x1b7: {  	s22 =	simm.s32 $0x6;
	v2 =	vand.u32 $0x3F, v2;
	v52 =	vld.idx.msk [tilespmem:v39+s8+$0x0], $0xffff  }
0x1b8: {  	s19 =	simm.s32 $0xF;
	v62 =	vadd.s32 s22, v0;
	s23 =	simm.s32 $0xA;
	v3 =	vand.u32 $0x3F, v3;
	v2 =	vor.u32 v32, v2;
	v56 =	vld.idx.msk [tilespmem:v39+s9+$0x0], $0xffff  }
0x1b9: {  	v61 =	vadd.s32 s19, v0;
	v57 =	vadd.s32 s23, v0;
	v3 =	vor.u32 v32, v3;
	v59 =	vld.idx.msk [tilespmem:v5+s8+$0x0], $0xffff  }
0x1ba: {  	v50 =	vand.u32 $0x3F, v61;
	v57 =	vand.u32 $0x3F, v57;
	v39 =	vand.u32 $0x3F, v62;
	v5 =	vld.idx.msk [tilespmem:v5+s9+$0x0], $0xffff  }
0x1bb: {  	s24 =	simm.s32 $0xB;
	v51 =	vimm.f32 $1.200000000e+01;
	s21 =	simm.s32 $0xD;
	v61 =	vor.u32 v32, v39;
	v39 =	vor.u32 v32, v50;
	v50 =	vld.idx.msk [tilespmem:v4+s8+$0x0], $0xffff  }
0x1bc: {  	v58 =	vadd.s32 s24, v0;
	s24 =	simm.s32 $0x8;
	s20 =	simm.s32 $0xC;
	v54 =	vadd.s32 s21, v0;
	v4 =	vld.idx.msk [tilespmem:v4+s9+$0x0], $0xffff;
	v43 =	vadd.f32 v43, v48  }
0x1bd: {  	v63 =	vadd.s32 s24, v0;
	v53 =	vadd.s32 s20, v0;
	v54 =	vand.u32 $0x3F, v54;
	v40 =	vld.idx.msk [tilespmem:v2+s8+$0x0], $0xffff  }
0x1be: {  	s22 =	simm.s32 $0x9;
	v53 =	vand.u32 $0x3F, v53;
	v41 =	vld.idx.msk [tilespmem:v3+s10+$0x0], $0xffff;
	v42 =	vadd.f32 v42, v49;
	v43 =	vsub.f32 v43, v47  }
0x1bf: {  	v60 =	vadd.s32 s22, v0;
	v62 =	vld.idx.msk [tilespmem:v3+s8+$0x0], $0xffff;
	v56 =	vadd.f32 v56, v52;
	v52 =	vand.u32 $0x38, v63  }
0x1c0: {  	v3 =	vld.idx.msk [tilespmem:v3+s9+$0x0], $0xffff;
	v5 =	vadd.f32 v5, v59;
	v46 =	vsub.f32 v42, v46;
	v43 =	vand.u32 $0x7FFFFFFF, v43  }
0x1c1: {  	v49 =	vld.idx.msk [tilespmem:v2+s9+$0x0], $0xffff;
	v4 =	vadd.f32 v4, v50;
	v47 =	vand.u32 $0x3F, v60;
	v63 =	vsub.f32 v51, v43  }
0x1c2: {  	v48 =	vld.idx.msk [tilespmem:v61+s8+$0x0], $0xffff;
	v42 =	vor.u32 v32, v54;
	v56 =	vsub.f32 v56, v44;
	v46 =	vand.u32 $0x7FFFFFFF, v46  }
0x1c3: {  	v60 =	vand.u32 $0x3F, v58;
	v51 =	vld.idx.msk [tilespmem:v61+s9+$0x0], $0xffff;
	v43 =	vor.u32 v32, v53;
	v54 =	vsub.f32 v63, v46  }
0x1c4: {  	v50 =	vld.idx.msk [tilespmem:v2+s10+$0x0], $0xffff;
	v5 =	vsub.f32 v5, v45;
	v44 =	vor.u32 v32, v60;
	v56 =	vand.u32 $0x7FFFFFFF, v56  }
0x1c5: {  	v47 =	vor.u32 v32, v47;
	v53 =	vld.idx.msk [tilespmem:v61+s10+$0x0], $0xffff;
	v46 =	vor.u32 v32, v57;
	v54 =	vsub.f32 v54, v56  }
0x1c6: {  	s20 =	simm.s32 $0x17;
	v45 =	vld.idx.msk [tilespmem:v39+s8+$0x0], $0xffff;
	v55 =	vsub.f32 v4, v55;
	v57 =	vand.u32 $0x7FFFFFFF, v5;
	v56 =	vadd.f32 v3, v62  }
.LBB2_8:
0x1c7: {  	p0 =	sne.s32 s20, $0x3F;
	v2 =	vor.u32 v31, v52;
	v3 =	vld.idx.msk [tilespmem:v42+s10+$0x0], $0xffff;
	v4 =	vsub.f32 v54, v57  }
0x1c8: {  	v48 =	vadd.f32 v51, v48;
	v5 =	vld.idx.msk [tilespmem:v43+s10+$0x0], $0xffff;
	v52 =	vand.u32 $0x7FFFFFFF, v55;
	v41 =	vsub.f32 v56, v41  }
0x1c9: {  	v54 =	vld.idx.msk [tilespmem:v44+s10+$0x0], $0xffff;
	v4 =	vsub.f32 v4, v52  }
0x1ca: {  	v6 =	vadd.f32 v49, v40;
	v48 =	vsub.f32 v48, v53;
	v51 =	vld.idx.msk [tilespmem:v46+s10+$0x0], $0xffff;
	v41 =	vand.u32 $0x7FFFFFFF, v41  }
0x1cb: {  	v49 =	vld.idx.msk [tilespmem:v47+s10+$0x0], $0xffff;
	v4 =	vsub.f32 v4, v41  }
0x1cc: {  	v7 =	vand.u32 $0x7FFFFFFF, v48;
	v48 =	vsub.f32 v6, v50;
	v40 =	vmov v45;
	v52 =	vld.idx.msk [tilespmem:v2+s10+$0x0], $0xffff  }
0x1cd: {  	v45 =	vld.idx.msk [tilespmem:v2+s8+$0x0], $0xffff;
	v4 =	vsub.f32 v4, v7;
	v41 =	vmov v3  }
0x1ce: {  	v3 =	vand.u32 $0x7FFFFFFF, v48;
	v2 =	vld.idx.msk [tilespmem:v2+s9+$0x0], $0xffff  }
0x1cf: {  	v48 =	vld.idx.msk [tilespmem:v47+s8+$0x0], $0xffff;
	v3 =	vsub.f32 v4, v3  }
0x1d0: {  	v4 =	vadd.s32 s20, v0;
	v47 =	vld.idx.msk [tilespmem:v47+s9+$0x0], $0xffff  }
0x1d1: {  	s21 =	sadd.s32 $0xFFFFFFFD, s20;
	s22 =	sadd.s32 $0xFFFFFFFE, s20;
	s19 =	sadd.s32 $0xFFFFFFFF, s19;
	v4 =	vand.u32 $0x3F, v4;
	v50 =	vld.idx.msk [tilespmem:v46+s8+$0x0], $0xffff  }
0x1d2: {  	s23 =	sadd.s32 $0xFFFFFFFB, s20;
	s24 =	sadd.s32 $0xFFFFFFFC, s20;
	v55 =	vadd.s32 s22, v0;
	v56 =	vadd.s32 s19, v0;
	s19 =	smov.u32 s20;
	v53 =	vadd.s32 s21, v0;
	v46 =	vld.idx.msk [tilespmem:v46+s9+$0x0], $0xffff  }
0x1d3: {  	v57 =	vadd.s32 s23, v0;
	v58 =	vadd.s32 s24, v0;
	s21 =	sadd.s32 $0xFFFFFFFA, s20;
	v56 =	vand.u32 $0x3F, v56;
	v59 =	vld.idx.msk [tilespmem:v44+s8+$0x0], $0xffff  }
0x1d4: {  	s22 =	sadd.s32 $0xFFFFFFF9, s20;
	v60 =	vadd.s32 s21, v0;
	v2 =	vadd.f32 v2, v45;
	v45 =	vor.u32 v32, v56;
	v44 =	vld.idx.msk [tilespmem:v44+s9+$0x0], $0xffff  }
0x1d5: {  	v55 =	vand.u32 $0x3F, v55;
	v4 =	vor.u32 v32, v4;
	v56 =	vadd.s32 s22, v0;
	v61 =	vld.idx.msk [tilespmem:v43+s8+$0x0], $0xffff  }
0x1d6: {  	v53 =	vand.u32 $0x3F, v53;
	v2 =	vsub.f32 v2, v52;
	v47 =	vadd.f32 v47, v48;
	v62 =	vld.idx.msk [tilespmem:v43+s9+$0x0], $0xffff  }
0x1d7: {  	v57 =	vand.u32 $0x3F, v57;
	v60 =	vand.u32 $0x3F, v60;
	v43 =	vand.u32 $0x3F, v58;
	v58 =	vld.idx.msk [tilespmem:v42+s8+$0x0], $0xffff  }
0x1d8: {  	v2 =	vand.u32 $0x7FFFFFFF, v2;
	v47 =	vsub.f32 v47, v49;
	v46 =	vadd.f32 v46, v50;
	v63 =	vld.idx.msk [tilespmem:v42+s9+$0x0], $0xffff  }
0x1d9: {  	v52 =	vand.u32 $0x38, v56;
	v42 =	vor.u32 v32, v55;
	v2 =	vsub.f32 v3, v2;
	v48 =	vld.idx.msk [tilespmem:v45+s8+$0x0], $0xffff  }
.Ltmp3:
0x1da: {  	v3 =	vand.u32 $0x7FFFFFFF, v47;
	v46 =	vsub.f32 v46, v51;
	v47 =	vadd.f32 v44, v59;
	v51 =	vld.idx.msk [tilespmem:v45+s9+$0x0], $0xffff;
	(pc) =	sbr.rel @p0 .LBB2_8-.Ltmp3, $4  }
0x1db: {  	v44 =	vor.u32 v32, v43;
	v43 =	vor.u32 v32, v53;
	v2 =	vsub.f32 v2, v3;
	v49 =	vld.idx.msk [tilespmem:v39+s9+$0x0], $0xffff  }
0x1dc: {  	v3 =	vand.u32 $0x7FFFFFFF, v46;
	v55 =	vsub.f32 v47, v54;
	v56 =	vadd.f32 v62, v61;
	v53 =	vld.idx.msk [tilespmem:v45+s10+$0x0], $0xffff  }
0x1dd: {  	v47 =	vor.u32 v32, v60;
	v46 =	vor.u32 v32, v57;
	v54 =	vsub.f32 v2, v3;
	v50 =	vld.idx.msk [tilespmem:v39+s10+$0x0], $0xffff  }
0x1de: {  	s20 =	sadd.s32 $0x8, s20;
	v57 =	vand.u32 $0x7FFFFFFF, v55;
	v55 =	vsub.f32 v56, v5;
	v56 =	vadd.f32 v63, v58;
	v39 =	vmovc v4;
	v45 =	vld.idx.msk [tilespmem:v4+s8+$0x0], $0xffff  }
0x1df: {  	_ =	sdelay $0x3  }
0x1e0: {  	v2 =	vor.u32 v31, v52;
	v3 =	vld.idx.msk [tilespmem:v42+s10+$0x0], $0xffff  }
0x1e1: {  	v4 =	vld.idx.msk [tilespmem:v43+s10+$0x0], $0xffff  }
0x1e2: {  	v5 =	vld.idx.msk [tilespmem:v44+s10+$0x0], $0xffff  }
0x1e3: {  	v52 =	vld.idx.msk [tilespmem:v46+s10+$0x0], $0xffff  }
0x1e4: {  	v58 =	vld.idx.msk [tilespmem:v47+s10+$0x0], $0xffff  }
0x1e5: {  	v59 =	vld.idx.msk [tilespmem:v2+s10+$0x0], $0xffff  }
0x1e6: {  	v60 =	vld.idx.msk [tilespmem:v2+s8+$0x0], $0xffff  }
0x1e7: {  	v54 =	vsub.f32 v54, v57;
	v2 =	vld.idx.msk [tilespmem:v2+s9+$0x0], $0xffff  }
0x1e8: {  	v48 =	vadd.f32 v51, v48;
	v63 =	vand.u32 $0x7FFFFFFF, v55;
	v41 =	vsub.f32 v56, v41;
	v55 =	vld.idx.msk [tilespmem:v47+s8+$0x0], $0xffff  }
0x1e9: {  	v56 =	vld.idx.msk [tilespmem:v47+s9+$0x0], $0xffff;
	v40 =	vadd.f32 v49, v40;
	v51 =	vsub.f32 v54, v63  }
0x1ea: {  	s19 =	sadd.s32 $0xFFFFFFFF, s19;
	v49 =	vld.idx.msk [tilespmem:v46+s8+$0x0], $0xffff;
	v48 =	vsub.f32 v48, v53;
	v41 =	vand.u32 $0x7FFFFFFF, v41  }
0x1eb: {  	v46 =	vld.idx.msk [tilespmem:v46+s9+$0x0], $0xffff;
	v57 =	vadd.s32 s19, v0;
	v40 =	vsub.f32 v40, v50;
	v41 =	vsub.f32 v51, v41  }
0x1ec: {  	v61 =	vld.idx.msk [tilespmem:v44+s8+$0x0], $0xffff;
	v48 =	vand.u32 $0x7FFFFFFF, v48;
	v51 =	vand.u32 $0x3F, v57;
	v2 =	vadd.f32 v2, v60  }
0x1ed: {  	v62 =	vld.idx.msk [tilespmem:v44+s9+$0x0], $0xffff;
	v63 =	vor.u32 v32, v51;
	v41 =	vsub.f32 v41, v48  }
0x1ee: {  	v54 =	vld.idx.msk [tilespmem:v43+s8+$0x0], $0xffff;
	v40 =	vand.u32 $0x7FFFFFFF, v40;
	v47 =	vadd.f32 v56, v55;
	v2 =	vsub.f32 v2, v59  }
0x1ef: {  	v56 =	vld.idx.msk [tilespmem:v43+s9+$0x0], $0xffff;
	v40 =	vsub.f32 v41, v40  }
0x1f0: {  	v57 =	vld.idx.msk [tilespmem:v42+s8+$0x0], $0xffff;
	v46 =	vadd.f32 v46, v49;
	v47 =	vsub.f32 v47, v58;
	v2 =	vand.u32 $0x7FFFFFFF, v2  }
0x1f1: {  	v59 =	vld.idx.msk [tilespmem:v42+s9+$0x0], $0xffff;
	v2 =	vsub.f32 v40, v2  }
0x1f2: {  	v44 =	vadd.f32 v62, v61;
	v46 =	vsub.f32 v46, v52;
	v60 =	vld.idx.msk [tilespmem:v63+s8+$0x0], $0xffff;
	v47 =	vand.u32 $0x7FFFFFFF, v47  }
0x1f3: {  	v61 =	vld.idx.msk [tilespmem:v63+s9+$0x0], $0xffff;
	v2 =	vsub.f32 v2, v47  }
0x1f4: {  	v62 =	vld.idx.msk [tilespmem:v39+s9+$0x0], $0xffff;
	v5 =	vsub.f32 v44, v5;
	v46 =	vand.u32 $0x7FFFFFFF, v46;
	v41 =	vadd.f32 v56, v54  }
0x1f5: {  	v63 =	vld.idx.msk [tilespmem:v63+s10+$0x0], $0xffff;
	v2 =	vsub.f32 v2, v46  }
0x1f6: {  	v5 =	vand.u32 $0x7FFFFFFF, v5;
	v4 =	vsub.f32 v41, v4;
	v46 =	vadd.f32 v59, v57  }
0x1f7: {  	v48 =	vld.idx.msk [tilespmem:v39+s10+$0x0], $0xffff;
	v2 =	vsub.f32 v2, v5  }
0x1f8: {  	v4 =	vand.u32 $0x7FFFFFFF, v4;
	v50 =	vadd.f32 v61, v60;
	v3 =	vsub.f32 v46, v3  }
0x1f9: {  	v2 =	vsub.f32 v2, v4  }
0x1fa: {  	v52 =	vadd.f32 v62, v45;
	v51 =	vsub.f32 v50, v63;
	v3 =	vand.u32 $0x7FFFFFFF, v3  }
0x1fb: {  	v2 =	vsub.f32 v2, v3  }
0x1fc: {  	v53 =	vsub.f32 v52, v48;
	v3 =	vand.u32 $0x7FFFFFFF, v51  }
0x1fd: {  	v2 =	vsub.f32 v2, v3  }
0x1fe: {  	v3 =	vand.u32 $0x7FFFFFFF, v53  }
0x1ff: {  	v2 =	vsub.f32 v2, v3;
	_ =	sdelay $0x1  }
0x200: {  	[tilespmem:$0x6430] =	vst v2  }
0x201: {  	s20 =	simm.s32 $0x7;
	_ =	swait.ge [sflag:s14], $0x400  }
0x202: {  	v2 =	vadd.s32 s20, v0;
	s20 =	simm.s32 $0x4;
	[sflag:s14] =	ssyncset.done $0x0  }
0x203: {  	s22 =	simm.s32 $0x3;
	s23 =	simm.s32 $0x2;
	v54 =	vadd.s32 s20, v0;
	[sflag:s14] =	ssyncadd.s32 $0xFFFFFC00  }
0x204: {  	v55 =	vadd.s32 s22, v0;
	v56 =	vadd.s32 s23, v0;
	v4 =	vand.u32 $0x3F, v54;
	_ =	swait.ge [sflag:s14], $0x400  }
0x205: {  	s21 =	simm.s32 $0x5;
	s24 =	simm.s32 $0x1;
	v39 =	vand.u32 $0x3F, v56;
	v5 =	vand.u32 $0x3F, v55;
	v4 =	vor.u32 v34, v4;
	[sflag:s14] =	ssyncset.done $0x0  }
0x206: {  	v57 =	vadd.s32 s24, v0;
	v5 =	vor.u32 v34, v5;
	v3 =	vadd.s32 s21, v0;
	s21 =	simm.s32 $0x0;
	[sflag:s14] =	ssyncadd.s32 $0xFFFFFC00  }
0x207: {  	v39 =	vor.u32 v34, v39;
	v40 =	vand.u32 $0x3F, v57;
	v58 =	vadd.s32 s21, v0;
	_ =	swait.ge [sflag:s14], $0x400  }
0x208: {  	v59 =	vor.u32 v34, v40;
	v41 =	vand.u32 $0x38, v58;
	[sflag:s14] =	ssyncset.done $0x0  }
0x209: {  	v60 =	vor.u32 v33, v41;
	[sflag:s14] =	ssyncadd.s32 $0xFFFFFC00  }
0x20a: {  	v55 =	vld.idx.msk [tilespmem:v4+s10+$0x0], $0xffff  }
0x20b: {  	v45 =	vld.idx.msk [tilespmem:v5+s10+$0x0], $0xffff  }
0x20c: {  	v44 =	vld.idx.msk [tilespmem:v39+s10+$0x0], $0xffff  }
0x20d: {  	v46 =	vld.idx.msk [tilespmem:v59+s10+$0x0], $0xffff  }
0x20e: {  	v47 =	vld.idx.msk [tilespmem:v60+s10+$0x0], $0xffff  }
0x20f: {  	v48 =	vld.idx.msk [tilespmem:v60+s8+$0x0], $0xffff  }
0x210: {  	v43 =	vld.idx.msk [tilespmem:v60+s9+$0x0], $0xffff  }
0x211: {  	v49 =	vld.idx.msk [tilespmem:v59+s8+$0x0], $0xffff  }
0x212: {  	v42 =	vld.idx.msk [tilespmem:v59+s9+$0x0], $0xffff  }
0x213: {  	s22 =	simm.s32 $0x6;
	v2 =	vand.u32 $0x3F, v2;
	v52 =	vld.idx.msk [tilespmem:v39+s8+$0x0], $0xffff  }
0x214: {  	s19 =	simm.s32 $0xF;
	v62 =	vadd.s32 s22, v0;
	s23 =	simm.s32 $0xA;
	v3 =	vand.u32 $0x3F, v3;
	v2 =	vor.u32 v34, v2;
	v56 =	vld.idx.msk [tilespmem:v39+s9+$0x0], $0xffff  }
0x215: {  	v61 =	vadd.s32 s19, v0;
	v57 =	vadd.s32 s23, v0;
	v3 =	vor.u32 v34, v3;
	v59 =	vld.idx.msk [tilespmem:v5+s8+$0x0], $0xffff  }
0x216: {  	v50 =	vand.u32 $0x3F, v61;
	v57 =	vand.u32 $0x3F, v57;
	v39 =	vand.u32 $0x3F, v62;
	v5 =	vld.idx.msk [tilespmem:v5+s9+$0x0], $0xffff  }
0x217: {  	s24 =	simm.s32 $0xB;
	v51 =	vimm.f32 $1.200000000e+01;
	s21 =	simm.s32 $0xD;
	v61 =	vor.u32 v34, v39;
	v39 =	vor.u32 v34, v50;
	v50 =	vld.idx.msk [tilespmem:v4+s8+$0x0], $0xffff  }
0x218: {  	v58 =	vadd.s32 s24, v0;
	s24 =	simm.s32 $0x8;
	s20 =	simm.s32 $0xC;
	v54 =	vadd.s32 s21, v0;
	v4 =	vld.idx.msk [tilespmem:v4+s9+$0x0], $0xffff;
	v43 =	vadd.f32 v43, v48  }
0x219: {  	v63 =	vadd.s32 s24, v0;
	v53 =	vadd.s32 s20, v0;
	v54 =	vand.u32 $0x3F, v54;
	v40 =	vld.idx.msk [tilespmem:v2+s8+$0x0], $0xffff  }
0x21a: {  	s22 =	simm.s32 $0x9;
	v53 =	vand.u32 $0x3F, v53;
	v41 =	vld.idx.msk [tilespmem:v3+s10+$0x0], $0xffff;
	v42 =	vadd.f32 v42, v49;
	v43 =	vsub.f32 v43, v47  }
0x21b: {  	v60 =	vadd.s32 s22, v0;
	v62 =	vld.idx.msk [tilespmem:v3+s8+$0x0], $0xffff;
	v56 =	vadd.f32 v56, v52;
	v52 =	vand.u32 $0x38, v63  }
0x21c: {  	v3 =	vld.idx.msk [tilespmem:v3+s9+$0x0], $0xffff;
	v5 =	vadd.f32 v5, v59;
	v46 =	vsub.f32 v42, v46;
	v43 =	vand.u32 $0x7FFFFFFF, v43  }
0x21d: {  	v49 =	vld.idx.msk [tilespmem:v2+s9+$0x0], $0xffff;
	v4 =	vadd.f32 v4, v50;
	v47 =	vand.u32 $0x3F, v60;
	v63 =	vsub.f32 v51, v43  }
0x21e: {  	v48 =	vld.idx.msk [tilespmem:v61+s8+$0x0], $0xffff;
	v42 =	vor.u32 v34, v54;
	v56 =	vsub.f32 v56, v44;
	v46 =	vand.u32 $0x7FFFFFFF, v46  }
0x21f: {  	v60 =	vand.u32 $0x3F, v58;
	v51 =	vld.idx.msk [tilespmem:v61+s9+$0x0], $0xffff;
	v43 =	vor.u32 v34, v53;
	v54 =	vsub.f32 v63, v46  }
0x220: {  	v50 =	vld.idx.msk [tilespmem:v2+s10+$0x0], $0xffff;
	v5 =	vsub.f32 v5, v45;
	v44 =	vor.u32 v34, v60;
	v56 =	vand.u32 $0x7FFFFFFF, v56  }
0x221: {  	v47 =	vor.u32 v34, v47;
	v53 =	vld.idx.msk [tilespmem:v61+s10+$0x0], $0xffff;
	v46 =	vor.u32 v34, v57;
	v54 =	vsub.f32 v54, v56  }
0x222: {  	s20 =	simm.s32 $0x17;
	v45 =	vld.idx.msk [tilespmem:v39+s8+$0x0], $0xffff;
	v55 =	vsub.f32 v4, v55;
	v57 =	vand.u32 $0x7FFFFFFF, v5;
	v56 =	vadd.f32 v3, v62  }
.LBB2_10:
0x223: {  	p0 =	sne.s32 s20, $0x3F;
	v2 =	vor.u32 v33, v52;
	v3 =	vld.idx.msk [tilespmem:v42+s10+$0x0], $0xffff;
	v4 =	vsub.f32 v54, v57  }
0x224: {  	v48 =	vadd.f32 v51, v48;
	v5 =	vld.idx.msk [tilespmem:v43+s10+$0x0], $0xffff;
	v52 =	vand.u32 $0x7FFFFFFF, v55;
	v41 =	vsub.f32 v56, v41  }
0x225: {  	v54 =	vld.idx.msk [tilespmem:v44+s10+$0x0], $0xffff;
	v4 =	vsub.f32 v4, v52  }
0x226: {  	v6 =	vadd.f32 v49, v40;
	v48 =	vsub.f32 v48, v53;
	v51 =	vld.idx.msk [tilespmem:v46+s10+$0x0], $0xffff;
	v41 =	vand.u32 $0x7FFFFFFF, v41  }
0x227: {  	v49 =	vld.idx.msk [tilespmem:v47+s10+$0x0], $0xffff;
	v4 =	vsub.f32 v4, v41  }
0x228: {  	v7 =	vand.u32 $0x7FFFFFFF, v48;
	v48 =	vsub.f32 v6, v50;
	v40 =	vmov v45;
	v52 =	vld.idx.msk [tilespmem:v2+s10+$0x0], $0xffff  }
0x229: {  	v45 =	vld.idx.msk [tilespmem:v2+s8+$0x0], $0xffff;
	v4 =	vsub.f32 v4, v7;
	v41 =	vmov v3  }
0x22a: {  	v3 =	vand.u32 $0x7FFFFFFF, v48;
	v2 =	vld.idx.msk [tilespmem:v2+s9+$0x0], $0xffff  }
0x22b: {  	v48 =	vld.idx.msk [tilespmem:v47+s8+$0x0], $0xffff;
	v3 =	vsub.f32 v4, v3  }
0x22c: {  	v4 =	vadd.s32 s20, v0;
	v47 =	vld.idx.msk [tilespmem:v47+s9+$0x0], $0xffff  }
0x22d: {  	s21 =	sadd.s32 $0xFFFFFFFD, s20;
	s22 =	sadd.s32 $0xFFFFFFFE, s20;
	s19 =	sadd.s32 $0xFFFFFFFF, s19;
	v4 =	vand.u32 $0x3F, v4;
	v50 =	vld.idx.msk [tilespmem:v46+s8+$0x0], $0xffff  }
0x22e: {  	s23 =	sadd.s32 $0xFFFFFFFB, s20;
	s24 =	sadd.s32 $0xFFFFFFFC, s20;
	v55 =	vadd.s32 s22, v0;
	v56 =	vadd.s32 s19, v0;
	s19 =	smov.u32 s20;
	v53 =	vadd.s32 s21, v0;
	v46 =	vld.idx.msk [tilespmem:v46+s9+$0x0], $0xffff  }
0x22f: {  	v57 =	vadd.s32 s23, v0;
	v58 =	vadd.s32 s24, v0;
	s21 =	sadd.s32 $0xFFFFFFFA, s20;
	v56 =	vand.u32 $0x3F, v56;
	v59 =	vld.idx.msk [tilespmem:v44+s8+$0x0], $0xffff  }
0x230: {  	s22 =	sadd.s32 $0xFFFFFFF9, s20;
	v60 =	vadd.s32 s21, v0;
	v2 =	vadd.f32 v2, v45;
	v45 =	vor.u32 v34, v56;
	v44 =	vld.idx.msk [tilespmem:v44+s9+$0x0], $0xffff  }
0x231: {  	v55 =	vand.u32 $0x3F, v55;
	v4 =	vor.u32 v34, v4;
	v56 =	vadd.s32 s22, v0;
	v61 =	vld.idx.msk [tilespmem:v43+s8+$0x0], $0xffff  }
0x232: {  	v53 =	vand.u32 $0x3F, v53;
	v2 =	vsub.f32 v2, v52;
	v47 =	vadd.f32 v47, v48;
	v62 =	vld.idx.msk [tilespmem:v43+s9+$0x0], $0xffff  }
0x233: {  	v57 =	vand.u32 $0x3F, v57;
	v60 =	vand.u32 $0x3F, v60;
	v43 =	vand.u32 $0x3F, v58;
	v58 =	vld.idx.msk [tilespmem:v42+s8+$0x0], $0xffff  }
0x234: {  	v2 =	vand.u32 $0x7FFFFFFF, v2;
	v47 =	vsub.f32 v47, v49;
	v46 =	vadd.f32 v46, v50;
	v63 =	vld.idx.msk [tilespmem:v42+s9+$0x0], $0xffff  }
0x235: {  	v52 =	vand.u32 $0x38, v56;
	v42 =	vor.u32 v34, v55;
	v2 =	vsub.f32 v3, v2;
	v48 =	vld.idx.msk [tilespmem:v45+s8+$0x0], $0xffff  }
.Ltmp4:
0x236: {  	v3 =	vand.u32 $0x7FFFFFFF, v47;
	v46 =	vsub.f32 v46, v51;
	v47 =	vadd.f32 v44, v59;
	v51 =	vld.idx.msk [tilespmem:v45+s9+$0x0], $0xffff;
	(pc) =	sbr.rel @p0 .LBB2_10-.Ltmp4, $4  }
0x237: {  	v44 =	vor.u32 v34, v43;
	v43 =	vor.u32 v34, v53;
	v2 =	vsub.f32 v2, v3;
	v49 =	vld.idx.msk [tilespmem:v39+s9+$0x0], $0xffff  }
0x238: {  	v3 =	vand.u32 $0x7FFFFFFF, v46;
	v55 =	vsub.f32 v47, v54;
	v56 =	vadd.f32 v62, v61;
	v53 =	vld.idx.msk [tilespmem:v45+s10+$0x0], $0xffff  }
0x239: {  	v47 =	vor.u32 v34, v60;
	v46 =	vor.u32 v34, v57;
	v54 =	vsub.f32 v2, v3;
	v50 =	vld.idx.msk [tilespmem:v39+s10+$0x0], $0xffff  }
0x23a: {  	s20 =	sadd.s32 $0x8, s20;
	v57 =	vand.u32 $0x7FFFFFFF, v55;
	v55 =	vsub.f32 v56, v5;
	v56 =	vadd.f32 v63, v58;
	v39 =	vmovc v4;
	v45 =	vld.idx.msk [tilespmem:v4+s8+$0x0], $0xffff  }
0x23b: {  	_ =	sdelay $0x3  }
0x23c: {  	v2 =	vor.u32 v33, v52;
	v3 =	vld.idx.msk [tilespmem:v42+s10+$0x0], $0xffff  }
0x23d: {  	v4 =	vld.idx.msk [tilespmem:v43+s10+$0x0], $0xffff  }
0x23e: {  	v5 =	vld.idx.msk [tilespmem:v44+s10+$0x0], $0xffff  }
0x23f: {  	v52 =	vld.idx.msk [tilespmem:v46+s10+$0x0], $0xffff  }
0x240: {  	v58 =	vld.idx.msk [tilespmem:v47+s10+$0x0], $0xffff  }
0x241: {  	v59 =	vld.idx.msk [tilespmem:v2+s10+$0x0], $0xffff  }
0x242: {  	v60 =	vld.idx.msk [tilespmem:v2+s8+$0x0], $0xffff  }
0x243: {  	v54 =	vsub.f32 v54, v57;
	v2 =	vld.idx.msk [tilespmem:v2+s9+$0x0], $0xffff  }
0x244: {  	v48 =	vadd.f32 v51, v48;
	v63 =	vand.u32 $0x7FFFFFFF, v55;
	v41 =	vsub.f32 v56, v41;
	v55 =	vld.idx.msk [tilespmem:v47+s8+$0x0], $0xffff  }
0x245: {  	v56 =	vld.idx.msk [tilespmem:v47+s9+$0x0], $0xffff;
	v40 =	vadd.f32 v49, v40;
	v51 =	vsub.f32 v54, v63  }
0x246: {  	s19 =	sadd.s32 $0xFFFFFFFF, s19;
	v49 =	vld.idx.msk [tilespmem:v46+s8+$0x0], $0xffff;
	v48 =	vsub.f32 v48, v53;
	v41 =	vand.u32 $0x7FFFFFFF, v41  }
0x247: {  	v46 =	vld.idx.msk [tilespmem:v46+s9+$0x0], $0xffff;
	v57 =	vadd.s32 s19, v0;
	v40 =	vsub.f32 v40, v50;
	v41 =	vsub.f32 v51, v41  }
0x248: {  	v61 =	vld.idx.msk [tilespmem:v44+s8+$0x0], $0xffff;
	v48 =	vand.u32 $0x7FFFFFFF, v48;
	v51 =	vand.u32 $0x3F, v57;
	v2 =	vadd.f32 v2, v60  }
0x249: {  	v62 =	vld.idx.msk [tilespmem:v44+s9+$0x0], $0xffff;
	v63 =	vor.u32 v34, v51;
	v41 =	vsub.f32 v41, v48  }
0x24a: {  	v54 =	vld.idx.msk [tilespmem:v43+s8+$0x0], $0xffff;
	v40 =	vand.u32 $0x7FFFFFFF, v40;
	v47 =	vadd.f32 v56, v55;
	v2 =	vsub.f32 v2, v59  }
0x24b: {  	v56 =	vld.idx.msk [tilespmem:v43+s9+$0x0], $0xffff;
	v40 =	vsub.f32 v41, v40  }
0x24c: {  	v57 =	vld.idx.msk [tilespmem:v42+s8+$0x0], $0xffff;
	v46 =	vadd.f32 v46, v49;
	v47 =	vsub.f32 v47, v58;
	v2 =	vand.u32 $0x7FFFFFFF, v2  }
0x24d: {  	v59 =	vld.idx.msk [tilespmem:v42+s9+$0x0], $0xffff;
	v2 =	vsub.f32 v40, v2  }
0x24e: {  	v44 =	vadd.f32 v62, v61;
	v46 =	vsub.f32 v46, v52;
	v60 =	vld.idx.msk [tilespmem:v63+s8+$0x0], $0xffff;
	v47 =	vand.u32 $0x7FFFFFFF, v47  }
0x24f: {  	v61 =	vld.idx.msk [tilespmem:v63+s9+$0x0], $0xffff;
	v2 =	vsub.f32 v2, v47  }
0x250: {  	v62 =	vld.idx.msk [tilespmem:v39+s9+$0x0], $0xffff;
	v5 =	vsub.f32 v44, v5;
	v46 =	vand.u32 $0x7FFFFFFF, v46;
	v41 =	vadd.f32 v56, v54  }
0x251: {  	v63 =	vld.idx.msk [tilespmem:v63+s10+$0x0], $0xffff;
	v2 =	vsub.f32 v2, v46  }
0x252: {  	v5 =	vand.u32 $0x7FFFFFFF, v5;
	v4 =	vsub.f32 v41, v4;
	v46 =	vadd.f32 v59, v57  }
0x253: {  	v48 =	vld.idx.msk [tilespmem:v39+s10+$0x0], $0xffff;
	v2 =	vsub.f32 v2, v5  }
0x254: {  	v4 =	vand.u32 $0x7FFFFFFF, v4;
	v50 =	vadd.f32 v61, v60;
	v3 =	vsub.f32 v46, v3  }
0x255: {  	v2 =	vsub.f32 v2, v4  }
0x256: {  	v52 =	vadd.f32 v62, v45;
	v51 =	vsub.f32 v50, v63;
	v3 =	vand.u32 $0x7FFFFFFF, v3  }
0x257: {  	v2 =	vsub.f32 v2, v3  }
0x258: {  	v53 =	vsub.f32 v52, v48;
	v3 =	vand.u32 $0x7FFFFFFF, v51  }
0x259: {  	v2 =	vsub.f32 v2, v3  }
0x25a: {  	v3 =	vand.u32 $0x7FFFFFFF, v53  }
0x25b: {  	v2 =	vsub.f32 v2, v3;
	_ =	sdelay $0x1  }
0x25c: {  	[tilespmem:$0x6440] =	vst v2  }
0x25d: {  	s20 =	simm.s32 $0x7;
	_ =	swait.ge [sflag:s15], $0x400  }
0x25e: {  	v2 =	vadd.s32 s20, v0;
	s20 =	simm.s32 $0x4;
	[sflag:s15] =	ssyncset.done $0x0  }
0x25f: {  	s22 =	simm.s32 $0x3;
	s23 =	simm.s32 $0x2;
	v54 =	vadd.s32 s20, v0;
	[sflag:s15] =	ssyncadd.s32 $0xFFFFFC00  }
0x260: {  	v55 =	vadd.s32 s22, v0;
	v56 =	vadd.s32 s23, v0;
	v4 =	vand.u32 $0x3F, v54;
	_ =	swait.ge [sflag:s15], $0x400  }
0x261: {  	s21 =	simm.s32 $0x5;
	s24 =	simm.s32 $0x1;
	v39 =	vand.u32 $0x3F, v56;
	v5 =	vand.u32 $0x3F, v55;
	v4 =	vor.u32 v36, v4;
	[sflag:s15] =	ssyncset.done $0x0  }
0x262: {  	v57 =	vadd.s32 s24, v0;
	v5 =	vor.u32 v36, v5;
	v3 =	vadd.s32 s21, v0;
	s21 =	simm.s32 $0x0;
	[sflag:s15] =	ssyncadd.s32 $0xFFFFFC00  }
0x263: {  	v39 =	vor.u32 v36, v39;
	v40 =	vand.u32 $0x3F, v57;
	v58 =	vadd.s32 s21, v0;
	_ =	swait.ge [sflag:s15], $0x400  }
0x264: {  	v59 =	vor.u32 v36, v40;
	v41 =	vand.u32 $0x38, v58;
	[sflag:s15] =	ssyncset.done $0x0  }
0x265: {  	v60 =	vor.u32 v35, v41;
	[sflag:s15] =	ssyncadd.s32 $0xFFFFFC00  }
0x266: {  	v55 =	vld.idx.msk [tilespmem:v4+s10+$0x0], $0xffff  }
0x267: {  	v45 =	vld.idx.msk [tilespmem:v5+s10+$0x0], $0xffff  }
0x268: {  	v44 =	vld.idx.msk [tilespmem:v39+s10+$0x0], $0xffff  }
0x269: {  	v46 =	vld.idx.msk [tilespmem:v59+s10+$0x0], $0xffff  }
0x26a: {  	v47 =	vld.idx.msk [tilespmem:v60+s10+$0x0], $0xffff  }
0x26b: {  	v48 =	vld.idx.msk [tilespmem:v60+s8+$0x0], $0xffff  }
0x26c: {  	v43 =	vld.idx.msk [tilespmem:v60+s9+$0x0], $0xffff  }
0x26d: {  	v49 =	vld.idx.msk [tilespmem:v59+s8+$0x0], $0xffff  }
0x26e: {  	v42 =	vld.idx.msk [tilespmem:v59+s9+$0x0], $0xffff  }
0x26f: {  	s22 =	simm.s32 $0x6;
	v2 =	vand.u32 $0x3F, v2;
	v52 =	vld.idx.msk [tilespmem:v39+s8+$0x0], $0xffff  }
0x270: {  	s19 =	simm.s32 $0xF;
	v62 =	vadd.s32 s22, v0;
	s23 =	simm.s32 $0xA;
	v3 =	vand.u32 $0x3F, v3;
	v2 =	vor.u32 v36, v2;
	v56 =	vld.idx.msk [tilespmem:v39+s9+$0x0], $0xffff  }
0x271: {  	v61 =	vadd.s32 s19, v0;
	v57 =	vadd.s32 s23, v0;
	v3 =	vor.u32 v36, v3;
	v59 =	vld.idx.msk [tilespmem:v5+s8+$0x0], $0xffff  }
0x272: {  	v50 =	vand.u32 $0x3F, v61;
	v57 =	vand.u32 $0x3F, v57;
	v39 =	vand.u32 $0x3F, v62;
	v5 =	vld.idx.msk [tilespmem:v5+s9+$0x0], $0xffff  }
0x273: {  	s24 =	simm.s32 $0xB;
	v51 =	vimm.f32 $1.200000000e+01;
	s21 =	simm.s32 $0xD;
	v61 =	vor.u32 v36, v39;
	v39 =	vor.u32 v36, v50;
	v50 =	vld.idx.msk [tilespmem:v4+s8+$0x0], $0xffff  }
0x274: {  	v58 =	vadd.s32 s24, v0;
	s24 =	simm.s32 $0x8;
	s20 =	simm.s32 $0xC;
	v54 =	vadd.s32 s21, v0;
	v4 =	vld.idx.msk [tilespmem:v4+s9+$0x0], $0xffff;
	v43 =	vadd.f32 v43, v48  }
0x275: {  	v63 =	vadd.s32 s24, v0;
	v53 =	vadd.s32 s20, v0;
	v54 =	vand.u32 $0x3F, v54;
	v40 =	vld.idx.msk [tilespmem:v2+s8+$0x0], $0xffff  }
0x276: {  	s22 =	simm.s32 $0x9;
	v53 =	vand.u32 $0x3F, v53;
	v41 =	vld.idx.msk [tilespmem:v3+s10+$0x0], $0xffff;
	v42 =	vadd.f32 v42, v49;
	v43 =	vsub.f32 v43, v47  }
0x277: {  	v60 =	vadd.s32 s22, v0;
	v62 =	vld.idx.msk [tilespmem:v3+s8+$0x0], $0xffff;
	v56 =	vadd.f32 v56, v52;
	v52 =	vand.u32 $0x38, v63  }
0x278: {  	v3 =	vld.idx.msk [tilespmem:v3+s9+$0x0], $0xffff;
	v5 =	vadd.f32 v5, v59;
	v46 =	vsub.f32 v42, v46;
	v43 =	vand.u32 $0x7FFFFFFF, v43  }
0x279: {  	v49 =	vld.idx.msk [tilespmem:v2+s9+$0x0], $0xffff;
	v4 =	vadd.f32 v4, v50;
	v47 =	vand.u32 $0x3F, v60;
	v63 =	vsub.f32 v51, v43  }
0x27a: {  	v48 =	vld.idx.msk [tilespmem:v61+s8+$0x0], $0xffff;
	v42 =	vor.u32 v36, v54;
	v56 =	vsub.f32 v56, v44;
	v46 =	vand.u32 $0x7FFFFFFF, v46  }
0x27b: {  	v60 =	vand.u32 $0x3F, v58;
	v51 =	vld.idx.msk [tilespmem:v61+s9+$0x0], $0xffff;
	v43 =	vor.u32 v36, v53;
	v54 =	vsub.f32 v63, v46  }
0x27c: {  	v50 =	vld.idx.msk [tilespmem:v2+s10+$0x0], $0xffff;
	v5 =	vsub.f32 v5, v45;
	v44 =	vor.u32 v36, v60;
	v56 =	vand.u32 $0x7FFFFFFF, v56  }
0x27d: {  	v47 =	vor.u32 v36, v47;
	v53 =	vld.idx.msk [tilespmem:v61+s10+$0x0], $0xffff;
	v46 =	vor.u32 v36, v57;
	v54 =	vsub.f32 v54, v56  }
0x27e: {  	s20 =	simm.s32 $0x17;
	v45 =	vld.idx.msk [tilespmem:v39+s8+$0x0], $0xffff;
	v55 =	vsub.f32 v4, v55;
	v57 =	vand.u32 $0x7FFFFFFF, v5;
	v56 =	vadd.f32 v3, v62  }
.LBB2_12:
0x27f: {  	p0 =	sne.s32 s20, $0x3F;
	v2 =	vor.u32 v35, v52;
	v3 =	vld.idx.msk [tilespmem:v42+s10+$0x0], $0xffff;
	v4 =	vsub.f32 v54, v57  }
0x280: {  	v48 =	vadd.f32 v51, v48;
	v5 =	vld.idx.msk [tilespmem:v43+s10+$0x0], $0xffff;
	v52 =	vand.u32 $0x7FFFFFFF, v55;
	v41 =	vsub.f32 v56, v41  }
0x281: {  	v54 =	vld.idx.msk [tilespmem:v44+s10+$0x0], $0xffff;
	v4 =	vsub.f32 v4, v52  }
0x282: {  	v6 =	vadd.f32 v49, v40;
	v48 =	vsub.f32 v48, v53;
	v51 =	vld.idx.msk [tilespmem:v46+s10+$0x0], $0xffff;
	v41 =	vand.u32 $0x7FFFFFFF, v41  }
0x283: {  	v49 =	vld.idx.msk [tilespmem:v47+s10+$0x0], $0xffff;
	v4 =	vsub.f32 v4, v41  }
0x284: {  	v7 =	vand.u32 $0x7FFFFFFF, v48;
	v48 =	vsub.f32 v6, v50;
	v40 =	vmov v45;
	v52 =	vld.idx.msk [tilespmem:v2+s10+$0x0], $0xffff  }
0x285: {  	v45 =	vld.idx.msk [tilespmem:v2+s8+$0x0], $0xffff;
	v4 =	vsub.f32 v4, v7;
	v41 =	vmov v3  }
0x286: {  	v3 =	vand.u32 $0x7FFFFFFF, v48;
	v2 =	vld.idx.msk [tilespmem:v2+s9+$0x0], $0xffff  }
0x287: {  	v48 =	vld.idx.msk [tilespmem:v47+s8+$0x0], $0xffff;
	v3 =	vsub.f32 v4, v3  }
0x288: {  	v4 =	vadd.s32 s20, v0;
	v47 =	vld.idx.msk [tilespmem:v47+s9+$0x0], $0xffff  }
0x289: {  	s21 =	sadd.s32 $0xFFFFFFFD, s20;
	s22 =	sadd.s32 $0xFFFFFFFE, s20;
	s19 =	sadd.s32 $0xFFFFFFFF, s19;
	v4 =	vand.u32 $0x3F, v4;
	v50 =	vld.idx.msk [tilespmem:v46+s8+$0x0], $0xffff  }
0x28a: {  	s23 =	sadd.s32 $0xFFFFFFFB, s20;
	s24 =	sadd.s32 $0xFFFFFFFC, s20;
	v55 =	vadd.s32 s22, v0;
	v56 =	vadd.s32 s19, v0;
	s19 =	smov.u32 s20;
	v53 =	vadd.s32 s21, v0;
	v46 =	vld.idx.msk [tilespmem:v46+s9+$0x0], $0xffff  }
0x28b: {  	v57 =	vadd.s32 s23, v0;
	v58 =	vadd.s32 s24, v0;
	s21 =	sadd.s32 $0xFFFFFFFA, s20;
	v56 =	vand.u32 $0x3F, v56;
	v59 =	vld.idx.msk [tilespmem:v44+s8+$0x0], $0xffff  }
0x28c: {  	s22 =	sadd.s32 $0xFFFFFFF9, s20;
	v60 =	vadd.s32 s21, v0;
	v2 =	vadd.f32 v2, v45;
	v45 =	vor.u32 v36, v56;
	v44 =	vld.idx.msk [tilespmem:v44+s9+$0x0], $0xffff  }
0x28d: {  	v55 =	vand.u32 $0x3F, v55;
	v4 =	vor.u32 v36, v4;
	v56 =	vadd.s32 s22, v0;
	v61 =	vld.idx.msk [tilespmem:v43+s8+$0x0], $0xffff  }
0x28e: {  	v53 =	vand.u32 $0x3F, v53;
	v2 =	vsub.f32 v2, v52;
	v47 =	vadd.f32 v47, v48;
	v62 =	vld.idx.msk [tilespmem:v43+s9+$0x0], $0xffff  }
0x28f: {  	v57 =	vand.u32 $0x3F, v57;
	v60 =	vand.u32 $0x3F, v60;
	v43 =	vand.u32 $0x3F, v58;
	v58 =	vld.idx.msk [tilespmem:v42+s8+$0x0], $0xffff  }
0x290: {  	v2 =	vand.u32 $0x7FFFFFFF, v2;
	v47 =	vsub.f32 v47, v49;
	v46 =	vadd.f32 v46, v50;
	v63 =	vld.idx.msk [tilespmem:v42+s9+$0x0], $0xffff  }
0x291: {  	v52 =	vand.u32 $0x38, v56;
	v42 =	vor.u32 v36, v55;
	v2 =	vsub.f32 v3, v2;
	v48 =	vld.idx.msk [tilespmem:v45+s8+$0x0], $0xffff  }
.Ltmp5:
0x292: {  	v3 =	vand.u32 $0x7FFFFFFF, v47;
	v46 =	vsub.f32 v46, v51;
	v47 =	vadd.f32 v44, v59;
	v51 =	vld.idx.msk [tilespmem:v45+s9+$0x0], $0xffff;
	(pc) =	sbr.rel @p0 .LBB2_12-.Ltmp5, $4  }
0x293: {  	v44 =	vor.u32 v36, v43;
	v43 =	vor.u32 v36, v53;
	v2 =	vsub.f32 v2, v3;
	v49 =	vld.idx.msk [tilespmem:v39+s9+$0x0], $0xffff  }
0x294: {  	v3 =	vand.u32 $0x7FFFFFFF, v46;
	v55 =	vsub.f32 v47, v54;
	v56 =	vadd.f32 v62, v61;
	v53 =	vld.idx.msk [tilespmem:v45+s10+$0x0], $0xffff  }
0x295: {  	v47 =	vor.u32 v36, v60;
	v46 =	vor.u32 v36, v57;
	v54 =	vsub.f32 v2, v3;
	v50 =	vld.idx.msk [tilespmem:v39+s10+$0x0], $0xffff  }
0x296: {  	s20 =	sadd.s32 $0x8, s20;
	v57 =	vand.u32 $0x7FFFFFFF, v55;
	v55 =	vsub.f32 v56, v5;
	v56 =	vadd.f32 v63, v58;
	v39 =	vmovc v4;
	v45 =	vld.idx.msk [tilespmem:v4+s8+$0x0], $0xffff  }
0x297: {  	_ =	sdelay $0x3  }
0x298: {  	v2 =	vor.u32 v35, v52;
	v3 =	vld.idx.msk [tilespmem:v42+s10+$0x0], $0xffff  }
0x299: {  	v4 =	vld.idx.msk [tilespmem:v43+s10+$0x0], $0xffff  }
0x29a: {  	v5 =	vld.idx.msk [tilespmem:v44+s10+$0x0], $0xffff  }
0x29b: {  	v52 =	vld.idx.msk [tilespmem:v46+s10+$0x0], $0xffff  }
0x29c: {  	v58 =	vld.idx.msk [tilespmem:v47+s10+$0x0], $0xffff  }
0x29d: {  	v59 =	vld.idx.msk [tilespmem:v2+s10+$0x0], $0xffff  }
0x29e: {  	v60 =	vld.idx.msk [tilespmem:v2+s8+$0x0], $0xffff  }
0x29f: {  	v54 =	vsub.f32 v54, v57;
	v2 =	vld.idx.msk [tilespmem:v2+s9+$0x0], $0xffff  }
0x2a0: {  	v48 =	vadd.f32 v51, v48;
	v63 =	vand.u32 $0x7FFFFFFF, v55;
	v41 =	vsub.f32 v56, v41;
	v55 =	vld.idx.msk [tilespmem:v47+s8+$0x0], $0xffff  }
0x2a1: {  	v56 =	vld.idx.msk [tilespmem:v47+s9+$0x0], $0xffff;
	v40 =	vadd.f32 v49, v40;
	v51 =	vsub.f32 v54, v63  }
0x2a2: {  	s19 =	sadd.s32 $0xFFFFFFFF, s19;
	v49 =	vld.idx.msk [tilespmem:v46+s8+$0x0], $0xffff;
	v48 =	vsub.f32 v48, v53;
	v41 =	vand.u32 $0x7FFFFFFF, v41  }
0x2a3: {  	v46 =	vld.idx.msk [tilespmem:v46+s9+$0x0], $0xffff;
	v57 =	vadd.s32 s19, v0;
	v40 =	vsub.f32 v40, v50;
	v41 =	vsub.f32 v51, v41  }
0x2a4: {  	v61 =	vld.idx.msk [tilespmem:v44+s8+$0x0], $0xffff;
	v48 =	vand.u32 $0x7FFFFFFF, v48;
	v51 =	vand.u32 $0x3F, v57;
	v2 =	vadd.f32 v2, v60  }
0x2a5: {  	v62 =	vld.idx.msk [tilespmem:v44+s9+$0x0], $0xffff;
	v63 =	vor.u32 v36, v51;
	v41 =	vsub.f32 v41, v48  }
0x2a6: {  	v54 =	vld.idx.msk [tilespmem:v43+s8+$0x0], $0xffff;
	v40 =	vand.u32 $0x7FFFFFFF, v40;
	v47 =	vadd.f32 v56, v55;
	v2 =	vsub.f32 v2, v59  }
0x2a7: {  	v56 =	vld.idx.msk [tilespmem:v43+s9+$0x0], $0xffff;
	v40 =	vsub.f32 v41, v40  }
0x2a8: {  	v57 =	vld.idx.msk [tilespmem:v42+s8+$0x0], $0xffff;
	v46 =	vadd.f32 v46, v49;
	v47 =	vsub.f32 v47, v58;
	v2 =	vand.u32 $0x7FFFFFFF, v2  }
0x2a9: {  	v58 =	vld.idx.msk [tilespmem:v42+s9+$0x0], $0xffff;
	v2 =	vsub.f32 v40, v2  }
0x2aa: {  	v44 =	vadd.f32 v62, v61;
	v46 =	vsub.f32 v46, v52;
	v47 =	vand.u32 $0x7FFFFFFF, v47;
	v60 =	vld.idx.msk [tilespmem:v63+s9+$0x0], $0xffff  }
0x2ab: {  	v59 =	vld.idx.msk [tilespmem:v63+s8+$0x0], $0xffff;
	v2 =	vsub.f32 v2, v47  }
0x2ac: {  	v61 =	vld.idx.msk [tilespmem:v39+s9+$0x0], $0xffff;
	v5 =	vsub.f32 v44, v5;
	v46 =	vand.u32 $0x7FFFFFFF, v46;
	v41 =	vadd.f32 v56, v54  }
0x2ad: {  	v62 =	vld.idx.msk [tilespmem:v63+s10+$0x0], $0xffff;
	v2 =	vsub.f32 v2, v46  }
0x2ae: {  	v5 =	vand.u32 $0x7FFFFFFF, v5;
	v4 =	vsub.f32 v41, v4;
	v63 =	vadd.f32 v58, v57  }
0x2af: {  	v42 =	vld.idx.msk [tilespmem:v39+s10+$0x0], $0xffff;
	v2 =	vsub.f32 v2, v5  }
0x2b0: {  	v4 =	vand.u32 $0x7FFFFFFF, v4;
	v3 =	vsub.f32 v63, v3;
	v43 =	vadd.f32 v60, v59  }
0x2b1: {  	v2 =	vsub.f32 v2, v4  }
0x2b2: {  	v48 =	vadd.f32 v61, v45;
	v3 =	vand.u32 $0x7FFFFFFF, v3;
	v46 =	vsub.f32 v43, v62  }
0x2b3: {  	v2 =	vsub.f32 v2, v3  }
0x2b4: {  	v49 =	vsub.f32 v48, v42;
	v3 =	vand.u32 $0x7FFFFFFF, v46  }
0x2b5: {  	v2 =	vsub.f32 v2, v3  }
0x2b6: {  	v3 =	vand.u32 $0x7FFFFFFF, v49  }
0x2b7: {  	v2 =	vsub.f32 v2, v3;
	_ =	sdelay $0x1  }
0x2b8: {  	s19 =	simm.s32 $0x7;
	[tilespmem:$0x6450] =	vst v2  }
0x2b9: {  	_ =	swait.ge [sflag:s19], $0x400  }
0x2ba: {  	s23 =	simm.s32 $0x1;
	[sflag:s19] =	ssyncset.done $0x0  }
0x2bb: {  	s20 =	simm.s32 $0x5;
	v53 =	vadd.s32 s23, v0;
	v2 =	vadd.s32 s19, v0;
	[sflag:s19] =	ssyncadd.s32 $0xFFFFFC00  }
0x2bc: {  	s21 =	simm.s32 $0x4;
	v39 =	vor.u32 $0x1800, v25;
	v3 =	vadd.s32 s20, v0;
	v2 =	vand.u32 $0x3F, v2;
	_ =	swait.ge [sflag:s19], $0x400  }
0x2bd: {  	s24 =	simm.s32 $0x3;
	v50 =	vadd.s32 s21, v0;
	v3 =	vand.u32 $0x3F, v3;
	v2 =	vor.u32 v39, v2;
	[sflag:s19] =	ssyncset.done $0x0  }
0x2be: {  	s22 =	simm.s32 $0x2;
	v51 =	vadd.s32 s24, v0;
	v4 =	vand.u32 $0x3F, v50;
	v3 =	vor.u32 v39, v3;
	[sflag:s19] =	ssyncadd.s32 $0xFFFFFC00  }
0x2bf: {  	s24 =	simm.s32 $0x0;
	v52 =	vadd.s32 s22, v0;
	v5 =	vand.u32 $0x3F, v51;
	v4 =	vor.u32 v39, v4;
	_ =	swait.ge [sflag:s19], $0x400  }
0x2c0: {  	v54 =	vadd.s32 s24, v0;
	v40 =	vand.u32 $0x3F, v52;
	v5 =	vor.u32 v39, v5;
	[sflag:s19] =	ssyncset.done $0x0  }
0x2c1: {  	v41 =	vand.u32 $0x3F, v53;
	v42 =	vand.u32 $0x38, v54;
	v40 =	vor.u32 v39, v40;
	[sflag:s19] =	ssyncadd.s32 $0xFFFFFC00  }
0x2c2: {  	v55 =	vor.u32 v39, v41;
	v60 =	vor.u32 v37, v42;
	v41 =	vld.idx.msk [tilespmem:v2+s8+$0x0], $0xffff  }
0x2c3: {  	v42 =	vld.idx.msk [tilespmem:v3+s10+$0x0], $0xffff  }
0x2c4: {  	v57 =	vld.idx.msk [tilespmem:v4+s10+$0x0], $0xffff  }
0x2c5: {  	v47 =	vld.idx.msk [tilespmem:v5+s10+$0x0], $0xffff  }
0x2c6: {  	v45 =	vld.idx.msk [tilespmem:v40+s10+$0x0], $0xffff  }
0x2c7: {  	v48 =	vld.idx.msk [tilespmem:v60+s10+$0x0], $0xffff  }
0x2c8: {  	v49 =	vld.idx.msk [tilespmem:v60+s8+$0x0], $0xffff  }
0x2c9: {  	v44 =	vld.idx.msk [tilespmem:v60+s9+$0x0], $0xffff  }
0x2ca: {  	v50 =	vld.idx.msk [tilespmem:v55+s8+$0x0], $0xffff  }
0x2cb: {  	v43 =	vld.idx.msk [tilespmem:v55+s9+$0x0], $0xffff  }
0x2cc: {  	s23 =	simm.s32 $0xA;
	s24 =	simm.s32 $0xB;
	v53 =	vld.idx.msk [tilespmem:v40+s8+$0x0], $0xffff  }
0x2cd: {  	v58 =	vadd.s32 s23, v0;
	v52 =	vimm.f32 $1.200000000e+01;
	v59 =	vadd.s32 s24, v0;
	s24 =	simm.s32 $0x8;
	s20 =	simm.s32 $0xC;
	s19 =	simm.s32 $0xF;
	v56 =	vld.idx.msk [tilespmem:v40+s9+$0x0], $0xffff  }
0x2ce: {  	s21 =	simm.s32 $0xD;
	s22 =	simm.s32 $0x6;
	v62 =	vadd.s32 s24, v0;
	v54 =	vadd.s32 s20, v0;
	v46 =	vld.idx.msk [tilespmem:v55+s10+$0x0], $0xffff;
	v61 =	vadd.s32 s19, v0  }
0x2cf: {  	v55 =	vadd.s32 s21, v0;
	v40 =	vadd.s32 s22, v0;
	s22 =	simm.s32 $0x9;
	v60 =	vld.idx.msk [tilespmem:v5+s8+$0x0], $0xffff;
	v44 =	vadd.f32 v44, v49  }
0x2d0: {  	v5 =	vld.idx.msk [tilespmem:v5+s9+$0x0], $0xffff;
	v51 =	vand.u32 $0x3F, v61;
	v40 =	vand.u32 $0x3F, v40;
	v61 =	vadd.s32 s22, v0  }
0x2d1: {  	v63 =	vld.idx.msk [tilespmem:v4+s8+$0x0], $0xffff;
	v49 =	vor.u32 v39, v40;
	v43 =	vadd.f32 v43, v50;
	v44 =	vsub.f32 v44, v48  }
0x2d2: {  	v4 =	vld.idx.msk [tilespmem:v4+s9+$0x0], $0xffff;
	v55 =	vand.u32 $0x3F, v55;
	v40 =	vor.u32 v39, v51;
	v53 =	vadd.f32 v56, v53  }
0x2d3: {  	v48 =	vand.u32 $0x3F, v61;
	v61 =	vld.idx.msk [tilespmem:v3+s8+$0x0], $0xffff;
	v46 =	vsub.f32 v43, v46;
	v44 =	vand.u32 $0x7FFFFFFF, v44  }
0x2d4: {  	v51 =	vand.u32 $0x3F, v54;
	v54 =	vand.u32 $0x38, v62;
	v3 =	vld.idx.msk [tilespmem:v3+s9+$0x0], $0xffff;
	v44 =	vsub.f32 v52, v44  }
0x2d5: {  	v62 =	vsub.f32 v53, v45;
	v45 =	vor.u32 v39, v51;
	v51 =	vld.idx.msk [tilespmem:v2+s9+$0x0], $0xffff;
	v52 =	vand.u32 $0x7FFFFFFF, v46  }
0x2d6: {  	v5 =	vadd.f32 v5, v60;
	v43 =	vor.u32 v39, v55;
	v50 =	vld.idx.msk [tilespmem:v49+s8+$0x0], $0xffff;
	v44 =	vsub.f32 v44, v52  }
0x2d7: {  	v58 =	vand.u32 $0x3F, v58;
	v59 =	vand.u32 $0x3F, v59;
	v4 =	vadd.f32 v4, v63;
	v53 =	vld.idx.msk [tilespmem:v49+s9+$0x0], $0xffff  }
0x2d8: {  	v5 =	vsub.f32 v5, v47;
	v62 =	vand.u32 $0x7FFFFFFF, v62;
	v46 =	vor.u32 v39, v59;
	v55 =	vld.idx.msk [tilespmem:v49+s10+$0x0], $0xffff  }
0x2d9: {  	v49 =	vor.u32 v39, v48;
	v48 =	vor.u32 v39, v58;
	v47 =	vld.idx.msk [tilespmem:v40+s8+$0x0], $0xffff;
	v56 =	vsub.f32 v44, v62  }
0x2da: {  	s20 =	simm.s32 $0x17;
	v57 =	vsub.f32 v4, v57;
	v59 =	vand.u32 $0x7FFFFFFF, v5;
	v52 =	vld.idx.msk [tilespmem:v2+s10+$0x0], $0xffff;
	v58 =	vadd.f32 v3, v61;
	v44 =	vmovc v39  }
.LBB2_14:
0x2db: {  	p0 =	sne.s32 s20, $0x3F;
	v2 =	vor.u32 v37, v54;
	v3 =	vld.idx.msk [tilespmem:v43+s10+$0x0], $0xffff;
	v4 =	vsub.f32 v56, v59  }
0x2dc: {  	v50 =	vadd.f32 v53, v50;
	v5 =	vld.idx.msk [tilespmem:v45+s10+$0x0], $0xffff;
	v54 =	vand.u32 $0x7FFFFFFF, v57;
	v42 =	vsub.f32 v58, v42  }
0x2dd: {  	v56 =	vld.idx.msk [tilespmem:v46+s10+$0x0], $0xffff;
	v4 =	vsub.f32 v4, v54  }
0x2de: {  	v6 =	vadd.f32 v51, v41;
	v50 =	vsub.f32 v50, v55;
	v53 =	vld.idx.msk [tilespmem:v48+s10+$0x0], $0xffff;
	v42 =	vand.u32 $0x7FFFFFFF, v42  }
0x2df: {  	v51 =	vld.idx.msk [tilespmem:v49+s10+$0x0], $0xffff;
	v4 =	vsub.f32 v4, v42  }
0x2e0: {  	v7 =	vand.u32 $0x7FFFFFFF, v50;
	v50 =	vsub.f32 v6, v52;
	v41 =	vmov v47;
	v54 =	vld.idx.msk [tilespmem:v2+s10+$0x0], $0xffff  }
0x2e1: {  	v47 =	vld.idx.msk [tilespmem:v2+s8+$0x0], $0xffff;
	v4 =	vsub.f32 v4, v7;
	v42 =	vmov v3  }
0x2e2: {  	v3 =	vand.u32 $0x7FFFFFFF, v50;
	v2 =	vld.idx.msk [tilespmem:v2+s9+$0x0], $0xffff  }
0x2e3: {  	v50 =	vld.idx.msk [tilespmem:v49+s8+$0x0], $0xffff;
	v3 =	vsub.f32 v4, v3  }
0x2e4: {  	v4 =	vadd.s32 s20, v0;
	v49 =	vld.idx.msk [tilespmem:v49+s9+$0x0], $0xffff  }
0x2e5: {  	s21 =	sadd.s32 $0xFFFFFFFD, s20;
	s22 =	sadd.s32 $0xFFFFFFFE, s20;
	s19 =	sadd.s32 $0xFFFFFFFF, s19;
	v4 =	vand.u32 $0x3F, v4;
	v52 =	vld.idx.msk [tilespmem:v48+s8+$0x0], $0xffff  }
0x2e6: {  	s23 =	sadd.s32 $0xFFFFFFFB, s20;
	s24 =	sadd.s32 $0xFFFFFFFC, s20;
	v57 =	vadd.s32 s22, v0;
	v58 =	vadd.s32 s19, v0;
	s19 =	smov.u32 s20;
	v55 =	vadd.s32 s21, v0;
	v48 =	vld.idx.msk [tilespmem:v48+s9+$0x0], $0xffff  }
0x2e7: {  	v59 =	vadd.s32 s23, v0;
	v60 =	vadd.s32 s24, v0;
	s21 =	sadd.s32 $0xFFFFFFFA, s20;
	v58 =	vand.u32 $0x3F, v58;
	v61 =	vld.idx.msk [tilespmem:v46+s8+$0x0], $0xffff  }
0x2e8: {  	s22 =	sadd.s32 $0xFFFFFFF9, s20;
	v62 =	vadd.s32 s21, v0;
	v2 =	vadd.f32 v2, v47;
	v47 =	vor.u32 v44, v58;
	v44 =	vmovc v39;
	v46 =	vld.idx.msk [tilespmem:v46+s9+$0x0], $0xffff  }
0x2e9: {  	v57 =	vand.u32 $0x3F, v57;
	v58 =	vadd.s32 s22, v0;
	v4 =	vor.u32 v44, v4;
	v63 =	vld.idx.msk [tilespmem:v45+s8+$0x0], $0xffff  }
0x2ea: {  	v55 =	vand.u32 $0x3F, v55;
	v2 =	vsub.f32 v2, v54;
	v49 =	vadd.f32 v49, v50;
	v6 =	vld.idx.msk [tilespmem:v45+s9+$0x0], $0xffff  }
0x2eb: {  	v59 =	vand.u32 $0x3F, v59;
	v62 =	vand.u32 $0x3F, v62;
	v45 =	vand.u32 $0x3F, v60;
	v60 =	vld.idx.msk [tilespmem:v43+s8+$0x0], $0xffff  }
0x2ec: {  	v2 =	vand.u32 $0x7FFFFFFF, v2;
	v49 =	vsub.f32 v49, v51;
	v48 =	vadd.f32 v48, v52;
	v7 =	vld.idx.msk [tilespmem:v43+s9+$0x0], $0xffff  }
0x2ed: {  	v54 =	vand.u32 $0x38, v58;
	v43 =	vor.u32 v44, v57;
	v2 =	vsub.f32 v3, v2;
	v50 =	vld.idx.msk [tilespmem:v47+s8+$0x0], $0xffff  }
.Ltmp6:
0x2ee: {  	v3 =	vand.u32 $0x7FFFFFFF, v49;
	v48 =	vsub.f32 v48, v53;
	v49 =	vadd.f32 v46, v61;
	v53 =	vld.idx.msk [tilespmem:v47+s9+$0x0], $0xffff;
	(pc) =	sbr.rel @p0 .LBB2_14-.Ltmp6, $4  }
0x2ef: {  	v46 =	vor.u32 v44, v45;
	v45 =	vor.u32 v44, v55;
	v2 =	vsub.f32 v2, v3;
	v51 =	vld.idx.msk [tilespmem:v40+s9+$0x0], $0xffff  }
0x2f0: {  	v3 =	vand.u32 $0x7FFFFFFF, v48;
	v57 =	vsub.f32 v49, v56;
	v6 =	vadd.f32 v6, v63;
	v55 =	vld.idx.msk [tilespmem:v47+s10+$0x0], $0xffff  }
0x2f1: {  	v49 =	vor.u32 v44, v62;
	v48 =	vor.u32 v44, v59;
	v56 =	vsub.f32 v2, v3;
	v52 =	vld.idx.msk [tilespmem:v40+s10+$0x0], $0xffff  }
0x2f2: {  	s20 =	sadd.s32 $0x8, s20;
	v59 =	vand.u32 $0x7FFFFFFF, v57;
	v57 =	vsub.f32 v6, v5;
	v58 =	vadd.f32 v7, v60;
	v40 =	vmovc v4;
	v47 =	vld.idx.msk [tilespmem:v4+s8+$0x0], $0xffff  }
0x2f3: {  	_ =	sdelay $0x3  }
0x2f4: {  	v2 =	vor.u32 v37, v54;
	v3 =	vld.idx.msk [tilespmem:v43+s10+$0x0], $0xffff  }
0x2f5: {  	v4 =	vld.idx.msk [tilespmem:v45+s10+$0x0], $0xffff  }
0x2f6: {  	v5 =	vld.idx.msk [tilespmem:v46+s10+$0x0], $0xffff  }
0x2f7: {  	v6 =	vld.idx.msk [tilespmem:v48+s10+$0x0], $0xffff  }
0x2f8: {  	v7 =	vld.idx.msk [tilespmem:v49+s10+$0x0], $0xffff  }
0x2f9: {  	v39 =	vld.idx.msk [tilespmem:v2+s10+$0x0], $0xffff  }
0x2fa: {  	v54 =	vld.idx.msk [tilespmem:v2+s8+$0x0], $0xffff  }
0x2fb: {  	v56 =	vsub.f32 v56, v59;
	v2 =	vld.idx.msk [tilespmem:v2+s9+$0x0], $0xffff  }
0x2fc: {  	v50 =	vadd.f32 v53, v50;
	v60 =	vld.idx.msk [tilespmem:v49+s9+$0x0], $0xffff;
	v63 =	vand.u32 $0x7FFFFFFF, v57;
	v42 =	vsub.f32 v58, v42  }
0x2fd: {  	v57 =	vld.idx.msk [tilespmem:v49+s8+$0x0], $0xffff;
	v41 =	vadd.f32 v51, v41;
	v53 =	vsub.f32 v56, v63  }
0x2fe: {  	v61 =	vld.idx.msk [tilespmem:v48+s8+$0x0], $0xffff;
	s19 =	sadd.s32 $0xFFFFFFFF, s19;
	v50 =	vsub.f32 v50, v55;
	v42 =	vand.u32 $0x7FFFFFFF, v42  }
0x2ff: {  	v62 =	vld.idx.msk [tilespmem:v48+s9+$0x0], $0xffff;
	v63 =	vadd.s32 s19, v0;
	v41 =	vsub.f32 v41, v52;
	v42 =	vsub.f32 v53, v42  }
0x300: {  	v55 =	vld.idx.msk [tilespmem:v46+s9+$0x0], $0xffff;
	v50 =	vand.u32 $0x7FFFFFFF, v50;
	v53 =	vand.u32 $0x3F, v63;
	v2 =	vadd.f32 v2, v54  }
0x301: {  	v52 =	vld.idx.msk [tilespmem:v46+s8+$0x0], $0xffff;
	v44 =	vor.u32 v44, v53;
	v42 =	vsub.f32 v42, v50  }
0x302: {  	v59 =	vld.idx.msk [tilespmem:v45+s9+$0x0], $0xffff;
	v41 =	vand.u32 $0x7FFFFFFF, v41;
	v58 =	vadd.f32 v60, v57;
	v2 =	vsub.f32 v2, v39  }
0x303: {  	v56 =	vld.idx.msk [tilespmem:v45+s8+$0x0], $0xffff;
	v41 =	vsub.f32 v42, v41  }
0x304: {  	v61 =	vadd.f32 v62, v61;
	v62 =	vld.idx.msk [tilespmem:v43+s9+$0x0], $0xffff;
	v7 =	vsub.f32 v58, v7;
	v2 =	vand.u32 $0x7FFFFFFF, v2  }
0x305: {  	v60 =	vld.idx.msk [tilespmem:v43+s8+$0x0], $0xffff;
	v2 =	vsub.f32 v41, v2  }
0x306: {  	v6 =	vsub.f32 v61, v6;
	v48 =	vadd.f32 v55, v52;
	v63 =	vld.idx.msk [tilespmem:v44+s8+$0x0], $0xffff;
	v7 =	vand.u32 $0x7FFFFFFF, v7  }
0x307: {  	v49 =	vld.idx.msk [tilespmem:v44+s9+$0x0], $0xffff;
	v2 =	vsub.f32 v2, v7  }
0x308: {  	v51 =	vadd.f32 v59, v56;
	v6 =	vand.u32 $0x7FFFFFFF, v6;
	v5 =	vsub.f32 v48, v5;
	v52 =	vld.idx.msk [tilespmem:v44+s10+$0x0], $0xffff  }
0x309: {  	v7 =	vld.idx.msk [tilespmem:v40+s9+$0x0], $0xffff;
	v2 =	vsub.f32 v2, v6  }
0x30a: {  	v4 =	vsub.f32 v51, v4;
	v5 =	vand.u32 $0x7FFFFFFF, v5;
	v6 =	vadd.f32 v62, v60  }
0x30b: {  	v53 =	vld.idx.msk [tilespmem:v40+s10+$0x0], $0xffff;
	v2 =	vsub.f32 v2, v5  }
0x30c: {  	v4 =	vand.u32 $0x7FFFFFFF, v4;
	v54 =	vadd.f32 v49, v63;
	v3 =	vsub.f32 v6, v3  }
0x30d: {  	v2 =	vsub.f32 v2, v4  }
0x30e: {  	v55 =	vsub.f32 v54, v52;
	v56 =	vadd.f32 v7, v47;
	v3 =	vand.u32 $0x7FFFFFFF, v3  }
0x30f: {  	v2 =	vsub.f32 v2, v3  }
0x310: {  	v57 =	vsub.f32 v56, v53;
	v3 =	vand.u32 $0x7FFFFFFF, v55  }
0x311: {  	v2 =	vsub.f32 v2, v3  }
0x312: {  	v3 =	vand.u32 $0x7FFFFFFF, v57  }
0x313: {  	v2 =	vsub.f32 v2, v3;
	_ =	sdelay $0x1  }
0x314: {  	[tilespmem:$0x6460] =	vst v2  }
0x315: {  	s20 =	simm.s32 $0x7;
	_ =	swait.ge [sflag:s16], $0x400  }
0x316: {  	s22 =	simm.s32 $0x3;
	v2 =	vadd.s32 s20, v0;
	s20 =	simm.s32 $0x4;
	[sflag:s16] =	ssyncset.done $0x0  }
0x317: {  	s23 =	simm.s32 $0x2;
	v59 =	vadd.s32 s22, v0;
	v58 =	vadd.s32 s20, v0;
	[sflag:s16] =	ssyncadd.s32 $0xFFFFFC00  }
0x318: {  	s24 =	simm.s32 $0x1;
	v39 =	vor.u32 $0x1C00, v25;
	v6 =	vadd.s32 s23, v0;
	v4 =	vand.u32 $0x3F, v58;
	_ =	swait.ge [sflag:s16], $0x400  }
0x319: {  	s21 =	simm.s32 $0x5;
	v5 =	vand.u32 $0x3F, v59;
	v7 =	vadd.s32 s24, v0;
	v4 =	vor.u32 v39, v4;
	[sflag:s16] =	ssyncset.done $0x0  }
0x31a: {  	v6 =	vand.u32 $0x3F, v6;
	v5 =	vor.u32 v39, v5;
	v3 =	vadd.s32 s21, v0;
	s21 =	simm.s32 $0x0;
	[sflag:s16] =	ssyncadd.s32 $0xFFFFFC00  }
0x31b: {  	v7 =	vand.u32 $0x3F, v7;
	v6 =	vor.u32 v39, v6;
	v60 =	vadd.s32 s21, v0;
	_ =	swait.ge [sflag:s16], $0x400  }
0x31c: {  	v7 =	vor.u32 v39, v7;
	v40 =	vand.u32 $0x38, v60;
	[sflag:s16] =	ssyncset.done $0x0  }
0x31d: {  	v40 =	vor.u32 v38, v40;
	[sflag:s16] =	ssyncadd.s32 $0xFFFFFC00  }
0x31e: {  	v44 =	vld.idx.msk [tilespmem:v4+s10+$0x0], $0xffff  }
0x31f: {  	v47 =	vld.idx.msk [tilespmem:v5+s10+$0x0], $0xffff  }
0x320: {  	v45 =	vld.idx.msk [tilespmem:v6+s10+$0x0], $0xffff  }
0x321: {  	v43 =	vld.idx.msk [tilespmem:v7+s10+$0x0], $0xffff  }
0x322: {  	v46 =	vld.idx.msk [tilespmem:v40+s10+$0x0], $0xffff  }
0x323: {  	v61 =	vld.idx.msk [tilespmem:v40+s8+$0x0], $0xffff  }
0x324: {  	v40 =	vld.idx.msk [tilespmem:v40+s9+$0x0], $0xffff  }
0x325: {  	v49 =	vld.idx.msk [tilespmem:v7+s8+$0x0], $0xffff  }
0x326: {  	v7 =	vld.idx.msk [tilespmem:v7+s9+$0x0], $0xffff  }
0x327: {  	v2 =	vand.u32 $0x3F, v2;
	v52 =	vld.idx.msk [tilespmem:v6+s8+$0x0], $0xffff  }
0x328: {  	s19 =	simm.s32 $0xF;
	s22 =	simm.s32 $0x6;
	v51 =	vimm.f32 $1.200000000e+01;
	v3 =	vand.u32 $0x3F, v3;
	v2 =	vor.u32 v39, v2;
	v6 =	vld.idx.msk [tilespmem:v6+s9+$0x0], $0xffff  }
0x329: {  	v63 =	vadd.s32 s22, v0;
	v62 =	vadd.s32 s19, v0;
	s23 =	simm.s32 $0xA;
	v3 =	vor.u32 v39, v3;
	v58 =	vld.idx.msk [tilespmem:v5+s8+$0x0], $0xffff  }
0x32a: {  	s22 =	simm.s32 $0x9;
	v50 =	vand.u32 $0x3F, v62;
	v56 =	vadd.s32 s23, v0;
	v55 =	vand.u32 $0x3F, v63;
	v5 =	vld.idx.msk [tilespmem:v5+s9+$0x0], $0xffff  }
0x32b: {  	v59 =	vadd.s32 s22, v0;
	s24 =	simm.s32 $0xB;
	v56 =	vand.u32 $0x3F, v56;
	v55 =	vor.u32 v39, v55;
	s20 =	simm.s32 $0xC;
	v62 =	vld.idx.msk [tilespmem:v4+s8+$0x0], $0xffff  }
0x32c: {  	v57 =	vadd.s32 s24, v0;
	s24 =	simm.s32 $0x8;
	s21 =	simm.s32 $0xD;
	v53 =	vadd.s32 s20, v0;
	v4 =	vld.idx.msk [tilespmem:v4+s9+$0x0], $0xffff;
	v48 =	vadd.f32 v40, v61  }
0x32d: {  	v54 =	vadd.s32 s21, v0;
	v60 =	vadd.s32 s24, v0;
	v53 =	vand.u32 $0x3F, v53;
	v41 =	vld.idx.msk [tilespmem:v2+s8+$0x0], $0xffff  }
0x32e: {  	v42 =	vld.idx.msk [tilespmem:v3+s10+$0x0], $0xffff;
	v61 =	vand.u32 $0x3F, v54;
	v7 =	vadd.f32 v7, v49;
	v46 =	vsub.f32 v48, v46  }
0x32f: {  	v63 =	vld.idx.msk [tilespmem:v3+s8+$0x0], $0xffff;
	v40 =	vor.u32 v39, v50;
	v6 =	vadd.f32 v6, v52;
	v54 =	vand.u32 $0x38, v60  }
0x330: {  	v3 =	vld.idx.msk [tilespmem:v3+s9+$0x0], $0xffff;
	v5 =	vadd.f32 v5, v58;
	v7 =	vsub.f32 v7, v43;
	v46 =	vand.u32 $0x7FFFFFFF, v46  }
0x331: {  	v50 =	vld.idx.msk [tilespmem:v55+s8+$0x0], $0xffff;
	v4 =	vadd.f32 v4, v62;
	v48 =	vand.u32 $0x3F, v59;
	v51 =	vsub.f32 v51, v46  }
0x332: {  	v52 =	vld.idx.msk [tilespmem:v55+s9+$0x0], $0xffff;
	v43 =	vor.u32 v39, v61;
	v6 =	vsub.f32 v6, v45;
	v7 =	vand.u32 $0x7FFFFFFF, v7  }
0x333: {  	v55 =	vld.idx.msk [tilespmem:v55+s10+$0x0], $0xffff;
	v59 =	vand.u32 $0x3F, v57;
	v45 =	vor.u32 v39, v53;
	v7 =	vsub.f32 v51, v7  }
0x334: {  	v5 =	vsub.f32 v5, v47;
	v53 =	vld.idx.msk [tilespmem:v2+s10+$0x0], $0xffff;
	v6 =	vand.u32 $0x7FFFFFFF, v6;
	v46 =	vor.u32 v39, v59  }
0x335: {  	v49 =	vor.u32 v39, v48;
	v48 =	vor.u32 v39, v56;
	v51 =	vld.idx.msk [tilespmem:v2+s9+$0x0], $0xffff;
	v56 =	vsub.f32 v7, v6  }
0x336: {  	s20 =	simm.s32 $0x17;
	v58 =	vadd.f32 v3, v63;
	v57 =	vsub.f32 v4, v44;
	v44 =	vmovc v39;
	v47 =	vld.idx.msk [tilespmem:v40+s8+$0x0], $0xffff;
	v59 =	vand.u32 $0x7FFFFFFF, v5  }
.LBB2_16:
0x337: {  	p0 =	sne.s32 s20, $0x3F;
	v2 =	vor.u32 v38, v54;
	v3 =	vld.idx.msk [tilespmem:v43+s10+$0x0], $0xffff;
	v4 =	vsub.f32 v56, v59  }
0x338: {  	v5 =	vld.idx.msk [tilespmem:v45+s10+$0x0], $0xffff;
	v6 =	vand.u32 $0x7FFFFFFF, v57;
	v7 =	vsub.f32 v58, v42;
	v42 =	vadd.f32 v52, v50  }
0x339: {  	v56 =	vld.idx.msk [tilespmem:v46+s10+$0x0], $0xffff;
	v4 =	vsub.f32 v4, v6  }
0x33a: {  	v52 =	vadd.f32 v51, v41;
	v6 =	vld.idx.msk [tilespmem:v48+s10+$0x0], $0xffff;
	v7 =	vand.u32 $0x7FFFFFFF, v7;
	v55 =	vsub.f32 v42, v55  }
0x33b: {  	v50 =	vld.idx.msk [tilespmem:v49+s10+$0x0], $0xffff;
	v4 =	vsub.f32 v4, v7  }
0x33c: {  	v51 =	vsub.f32 v52, v53;
	v41 =	vmov v47;
	v7 =	vld.idx.msk [tilespmem:v2+s10+$0x0], $0xffff;
	v54 =	vand.u32 $0x7FFFFFFF, v55  }
0x33d: {  	v42 =	vmov v3;
	v47 =	vld.idx.msk [tilespmem:v2+s8+$0x0], $0xffff;
	v4 =	vsub.f32 v4, v54  }
0x33e: {  	v3 =	vand.u32 $0x7FFFFFFF, v51;
	v2 =	vld.idx.msk [tilespmem:v2+s9+$0x0], $0xffff  }
0x33f: {  	v51 =	vld.idx.msk [tilespmem:v49+s8+$0x0], $0xffff;
	v3 =	vsub.f32 v4, v3  }
0x340: {  	v4 =	vadd.s32 s20, v0;
	v49 =	vld.idx.msk [tilespmem:v49+s9+$0x0], $0xffff  }
0x341: {  	s21 =	sadd.s32 $0xFFFFFFFD, s20;
	s22 =	sadd.s32 $0xFFFFFFFE, s20;
	s19 =	sadd.s32 $0xFFFFFFFF, s19;
	v4 =	vand.u32 $0x3F, v4;
	v52 =	vld.idx.msk [tilespmem:v48+s8+$0x0], $0xffff  }
0x342: {  	s23 =	sadd.s32 $0xFFFFFFFB, s20;
	s24 =	sadd.s32 $0xFFFFFFFC, s20;
	v53 =	vadd.s32 s21, v0;
	v55 =	vadd.s32 s19, v0;
	s19 =	smov.u32 s20;
	v54 =	vadd.s32 s22, v0;
	v48 =	vld.idx.msk [tilespmem:v48+s9+$0x0], $0xffff  }
0x343: {  	v57 =	vadd.s32 s23, v0;
	v58 =	vadd.s32 s24, v0;
	s21 =	sadd.s32 $0xFFFFFFFA, s20;
	v55 =	vand.u32 $0x3F, v55;
	v59 =	vld.idx.msk [tilespmem:v46+s8+$0x0], $0xffff  }
0x344: {  	v60 =	vadd.s32 s21, v0;
	s22 =	sadd.s32 $0xFFFFFFF9, s20;
	v2 =	vadd.f32 v2, v47;
	v47 =	vor.u32 v44, v55;
	v44 =	vmovc v39;
	v46 =	vld.idx.msk [tilespmem:v46+s9+$0x0], $0xffff  }
0x345: {  	v61 =	vand.u32 $0x3F, v54;
	v55 =	vadd.s32 s22, v0;
	v4 =	vor.u32 v44, v4;
	v62 =	vld.idx.msk [tilespmem:v45+s8+$0x0], $0xffff  }
0x346: {  	v53 =	vand.u32 $0x3F, v53;
	v2 =	vsub.f32 v2, v7;
	v7 =	vadd.f32 v49, v51;
	v49 =	vld.idx.msk [tilespmem:v45+s9+$0x0], $0xffff  }
0x347: {  	v57 =	vand.u32 $0x3F, v57;
	v60 =	vand.u32 $0x3F, v60;
	v45 =	vand.u32 $0x3F, v58;
	v58 =	vld.idx.msk [tilespmem:v43+s8+$0x0], $0xffff  }
0x348: {  	v2 =	vand.u32 $0x7FFFFFFF, v2;
	v7 =	vsub.f32 v7, v50;
	v48 =	vadd.f32 v48, v52;
	v63 =	vld.idx.msk [tilespmem:v43+s9+$0x0], $0xffff  }
0x349: {  	v54 =	vand.u32 $0x38, v55;
	v43 =	vor.u32 v44, v61;
	v2 =	vsub.f32 v3, v2;
	v50 =	vld.idx.msk [tilespmem:v47+s8+$0x0], $0xffff  }
.Ltmp7:
0x34a: {  	v3 =	vand.u32 $0x7FFFFFFF, v7;
	v6 =	vsub.f32 v48, v6;
	v7 =	vadd.f32 v46, v59;
	v52 =	vld.idx.msk [tilespmem:v47+s9+$0x0], $0xffff;
	(pc) =	sbr.rel @p0 .LBB2_16-.Ltmp7, $4  }
0x34b: {  	v46 =	vor.u32 v44, v45;
	v45 =	vor.u32 v44, v53;
	v2 =	vsub.f32 v2, v3;
	v51 =	vld.idx.msk [tilespmem:v40+s9+$0x0], $0xffff  }
0x34c: {  	v3 =	vand.u32 $0x7FFFFFFF, v6;
	v6 =	vsub.f32 v7, v56;
	v7 =	vadd.f32 v49, v62;
	v55 =	vld.idx.msk [tilespmem:v47+s10+$0x0], $0xffff  }
0x34d: {  	v48 =	vor.u32 v44, v57;
	v49 =	vor.u32 v44, v60;
	v56 =	vsub.f32 v2, v3;
	v53 =	vld.idx.msk [tilespmem:v40+s10+$0x0], $0xffff  }
0x34e: {  	s20 =	sadd.s32 $0x8, s20;
	v59 =	vand.u32 $0x7FFFFFFF, v6;
	v57 =	vsub.f32 v7, v5;
	v58 =	vadd.f32 v63, v58;
	v40 =	vmovc v4;
	v47 =	vld.idx.msk [tilespmem:v4+s8+$0x0], $0xffff  }
0x34f: {  	_ =	sdelay $0x3  }
0x350: {  	v2 =	vor.u32 v38, v54;
	v3 =	vld.idx.msk [tilespmem:v43+s10+$0x0], $0xffff  }
0x351: {  	v4 =	vld.idx.msk [tilespmem:v45+s10+$0x0], $0xffff  }
0x352: {  	v5 =	vld.idx.msk [tilespmem:v46+s10+$0x0], $0xffff  }
0x353: {  	v6 =	vld.idx.msk [tilespmem:v48+s10+$0x0], $0xffff  }
0x354: {  	v7 =	vld.idx.msk [tilespmem:v49+s10+$0x0], $0xffff  }
0x355: {  	v39 =	vld.idx.msk [tilespmem:v2+s10+$0x0], $0xffff  }
0x356: {  	v54 =	vld.idx.msk [tilespmem:v2+s8+$0x0], $0xffff  }
0x357: {  	v56 =	vsub.f32 v56, v59;
	v2 =	vld.idx.msk [tilespmem:v2+s9+$0x0], $0xffff  }
0x358: {  	v50 =	vadd.f32 v52, v50;
	v62 =	vld.idx.msk [tilespmem:v49+s8+$0x0], $0xffff;
	v42 =	vsub.f32 v58, v42;
	v57 =	vand.u32 $0x7FFFFFFF, v57  }
0x359: {  	v63 =	vld.idx.msk [tilespmem:v49+s9+$0x0], $0xffff;
	v41 =	vadd.f32 v51, v41;
	v56 =	vsub.f32 v56, v57  }
0x35a: {  	s19 =	sadd.s32 $0xFFFFFFFF, s19;
	v51 =	vld.idx.msk [tilespmem:v48+s8+$0x0], $0xffff;
	v50 =	vsub.f32 v50, v55;
	v42 =	vand.u32 $0x7FFFFFFF, v42  }
0x35b: {  	v58 =	vadd.s32 s19, v0;
	v57 =	vld.idx.msk [tilespmem:v48+s9+$0x0], $0xffff;
	v41 =	vsub.f32 v41, v53;
	v42 =	vsub.f32 v56, v42  }
0x35c: {  	v59 =	vld.idx.msk [tilespmem:v46+s8+$0x0], $0xffff;
	v53 =	vand.u32 $0x3F, v58;
	v50 =	vand.u32 $0x7FFFFFFF, v50;
	v2 =	vadd.f32 v2, v54  }
0x35d: {  	v60 =	vld.idx.msk [tilespmem:v46+s9+$0x0], $0xffff;
	v44 =	vor.u32 v44, v53;
	v42 =	vsub.f32 v42, v50  }
0x35e: {  	v61 =	vld.idx.msk [tilespmem:v45+s8+$0x0], $0xffff;
	v41 =	vand.u32 $0x7FFFFFFF, v41;
	v62 =	vadd.f32 v63, v62;
	v2 =	vsub.f32 v2, v39  }
0x35f: {  	v63 =	vld.idx.msk [tilespmem:v45+s9+$0x0], $0xffff;
	v41 =	vsub.f32 v42, v41  }
0x360: {  	v49 =	vld.idx.msk [tilespmem:v43+s8+$0x0], $0xffff;
	v7 =	vsub.f32 v62, v7;
	v51 =	vadd.f32 v57, v51;
	v2 =	vand.u32 $0x7FFFFFFF, v2  }
0x361: {  	v52 =	vld.idx.msk [tilespmem:v43+s9+$0x0], $0xffff;
	v2 =	vsub.f32 v41, v2  }
0x362: {  	v55 =	vadd.f32 v60, v59;
	v53 =	vld.idx.msk [tilespmem:v44+s8+$0x0], $0xffff;
	v7 =	vand.u32 $0x7FFFFFFF, v7;
	v6 =	vsub.f32 v51, v6  }
0x363: {  	v56 =	vld.idx.msk [tilespmem:v44+s9+$0x0], $0xffff;
	v2 =	vsub.f32 v2, v7  }
0x364: {  	v5 =	vsub.f32 v55, v5;
	v58 =	vld.idx.msk [tilespmem:v44+s10+$0x0], $0xffff;
	v57 =	vadd.f32 v63, v61;
	v6 =	vand.u32 $0x7FFFFFFF, v6  }
0x365: {  	v7 =	vld.idx.msk [tilespmem:v40+s9+$0x0], $0xffff;
	v2 =	vsub.f32 v2, v6  }
0x366: {  	v5 =	vand.u32 $0x7FFFFFFF, v5;
	v4 =	vsub.f32 v57, v4;
	v6 =	vadd.f32 v52, v49  }
0x367: {  	v59 =	vld.idx.msk [tilespmem:v40+s10+$0x0], $0xffff;
	v2 =	vsub.f32 v2, v5  }
0x368: {  	v4 =	vand.u32 $0x7FFFFFFF, v4;
	v60 =	vadd.f32 v56, v53;
	v3 =	vsub.f32 v6, v3  }
0x369: {  	v2 =	vsub.f32 v2, v4  }
0x36a: {  	v61 =	vsub.f32 v60, v58;
	v62 =	vadd.f32 v7, v47;
	v3 =	vand.u32 $0x7FFFFFFF, v3  }
0x36b: {  	v2 =	vsub.f32 v2, v3  }
0x36c: {  	v63 =	vsub.f32 v62, v59;
	v3 =	vand.u32 $0x7FFFFFFF, v61  }
0x36d: {  	v2 =	vsub.f32 v2, v3  }
0x36e: {  	v3 =	vand.u32 $0x7FFFFFFF, v63  }
0x36f: {  	s18 =	sadd.s32 $0x1, s18;
	v2 =	vsub.f32 v2, v3  }
0x370: {  	p0 =	sne.s32 s18, s6  }
.Ltmp8:
0x371: {  	[tilespmem:$0x6470] =	vst v2;
	(pc) =	sbr.rel @p0 .LBB2_1-.Ltmp8, $4  }
0x372: {  	[hbm4b:s5+s2] =	stream.linear.scatter [tilespmem:s17], [sflag:$0x9], $0x80, $0x38;
	[tilespmem:$0x6480] =	vst v63  }
0x373: {  	_ =	swait.ge [sflag:s7], $0x80  }
0x374: {  	[sflag:s7] =	ssyncset.done $0x0  }
0x375: {  	[sflag:s7] =	ssyncadd.s32 $0xFFFFFF80  }
0x376: {  	_ =	sfence.sel $0x180000  }
0x377: {  	[bflag:$0x0] =	sbarrier.arrive $0xFFFF  }
0x378: {  	_ =	strace $0x90000047  }
0x379: {  	s0 =	stileid.u32;
	[bflag:$0x2] =	sbarrier.arrive $0xFFFF  }
0x37a: {  	p0 =	sne.s32 s0, $0x0;
	s0 =	rddreg [dreg:$0x2]  }
0x37b: {  	s0 =	sadd.s32 @!p0 $0x100000, s0  }
0x37c: {  	[sflag:s0] =	ssyncadd.tile.s32 @!p0 $0x1;
	_ =	shalt  }
.Lfunc_end2:
_tile_overlayer_lowered:
.L_overlay_start_2:
0x37d: {  	(tag) =	ssettag $0x2  }
0x37e: {  	s0 =	rddreg [dreg:$0x0];
	s2 =	stileid.u32  }
0x37f: {  	s1 =	rddreg [dreg:$0x1];
	p0 =	sne.s32 s2, $0x0  }
0x380: {  	s3 =	rddreg [dreg:$0x2];
	[bflag:$0x3] =	sbarrier.arrive $0xFFFF;
	s2 =	simm.s32 @!p0 $0x1C09  }
0x381: {  	[timem:s3], [sflag:s2] =	dma.local @!p0 [hbm:s0], s1  }
0x382: {  	s0 =	simm.s32 @!p0 $0x9  }
0x383: {  	_ =	swait.ge @!p0 [sflag:s0], s1  }
0x384: {  	s1 =	ssub.s32 @!p0 $0x0, s1;
	[sflag:s0] =	ssyncset.done @!p0 $0x0  }
0x385: {  	[sflag:s0] =	ssyncadd.s32 @!p0 s1  }
0x386: {  	[bflag:$0x3] =	sbarrier.arrive $0xFFFF  }
0x387: {  	_ =	shalt  }

</sc_bundles>
